<compile_context>
chip_gen: v7x
topology: tpu7x:2x2x1
jax: 0.10.2.dev20260603
libtpu: 0.0.44.dev20260713+nightly
codegen_flags: <defaults>
</compile_context>

<pallas_src>
import functools

import jax
import jax.numpy as jnp
from jax import lax
from jax.experimental import pallas as pl
from jax.experimental.pallas import tpu as pltpu
from jax.experimental.pallas import tpu_sc as plsc

_K = 1000
_B = 1024
_S = 26
_NC, _NS, _L = 2, 16, 16
_NW = _NC * _NS
_KC = 40
_CPS = _K // _KC
_NCHUNK = _S * _CPS
_BASE = _NCHUNK // _NW
_EXTRA = _NCHUNK % _NW
_GROUPS = _B // _L
_NBUF = 3
_MAIN_END = _BASE - (_BASE - _NBUF) % _NBUF


def _body(idx_hbm, out_hbm, idx_v, buf0, buf1, buf2, sem0, sem1, sem2):
    wid = lax.axis_index("s") * _NC + lax.axis_index("c")
    start = _BASE * wid + jnp.minimum(wid, _EXTRA)
    jl = jnp.minimum(start // _CPS, _S - 2)

    zeros = jnp.zeros((_L,), jnp.int32)
    ones = jnp.full((_L,), 1, jnp.int32)
    iota = lax.iota(jnp.int32, _L)
    bufs = (buf0, buf1, buf2)
    sems = (sem0, sem1, sem2)

    def _coords(t):
        c = start + t
        j = c // _CPS
        k0 = (c - j * _CPS) * _KC
        return j - jl, k0

    def _scan_scatter(buf, jr, k0, value):
        def _g(g, carry):
            vals = idx_v[pl.ds(jr * _B + g * _L, _L)]
            rows = vals - k0
            mask = (rows >= 0) & (rows < _KC)
            cols = g * _L + iota
            plsc.store_scatter(buf, [rows, cols], value, mask=mask)
            return carry

        lax.fori_loop(0, _GROUPS, _g, 0, unroll=2)

    def _emit(b, t):
        jr, k0 = _coords(t)
        _scan_scatter(bufs[b], jr, k0, ones)
        dst = out_hbm.at[jr + jl, pl.ds(k0, _KC)]
        return pltpu.async_copy(bufs[b], dst, sems[b])

    def _ring_wait(b):
        pltpu.make_async_copy(bufs[b], out_hbm.at[0, pl.ds(0, _KC)],
                              sems[b]).wait()

    def _zero(buf):
        def _z(r, carry):
            for o in range(_B // _L):
                buf[r, pl.ds(o * _L, _L)] = zeros
            return carry

        lax.fori_loop(0, _KC, _z, 0)

    idx_cp = pltpu.async_copy(idx_hbm.at[pl.ds(jl * _B, 2 * _B)], idx_v,
                              sem0)
    _zero(bufs[0])
    idx_cp.wait()
    _emit(0, 0)
    for t in range(1, _NBUF):
        _zero(bufs[t])
        _emit(t, t)

    def _cycle(it, carry):
        t = _NBUF + it * _NBUF
        for b in range(_NBUF):
            _ring_wait(b)
            jr, k0 = _coords(t + b - _NBUF)
            _scan_scatter(bufs[b], jr, k0, zeros)
            _emit(b, t + b)
        return carry

    lax.fori_loop(0, (_MAIN_END - _NBUF) // _NBUF, _cycle, 0)

    for t in range(_MAIN_END, _BASE):
        b = t % _NBUF
        _ring_wait(b)
        jr, k0 = _coords(t - _NBUF)
        _scan_scatter(bufs[b], jr, k0, zeros)
        _emit(b, t)

    bl = _BASE % _NBUF
    _ring_wait(bl)

    @pl.when(wid < _EXTRA)
    def _():
        jr, k0 = _coords(_BASE - _NBUF)
        _scan_scatter(bufs[bl], jr, k0, zeros)
        _emit(bl, _BASE).wait()

    for t in range(_BASE - _NBUF + 1, _BASE):
        _ring_wait(t % _NBUF)


_sc_onehot = functools.partial(
    pl.kernel,
    out_type=jax.ShapeDtypeStruct((_S, _K, _B), jnp.int32),
    mesh=plsc.VectorSubcoreMesh(core_axis_name="c", subcore_axis_name="s"),
    compiler_params=pltpu.CompilerParams(needs_layout_passes=False),
    scratch_types=[
        pltpu.VMEM((2 * _B,), jnp.int32),
        pltpu.VMEM((_KC, _B), jnp.int32),
        pltpu.VMEM((_KC, _B), jnp.int32),
        pltpu.VMEM((_KC, _B), jnp.int32),
        pltpu.SemaphoreType.DMA,
        pltpu.SemaphoreType.DMA,
        pltpu.SemaphoreType.DMA,
    ],
)(_body)


@jax.jit
def kernel(tensor):
    idx_t = tensor.T.astype(jnp.int32).reshape(-1)
    o = _sc_onehot(idx_t)
    return jnp.transpose(o, (2, 0, 1))

# --- scband reference (transcript-rebuilt; emitter-appended) ---
"""Pipeline reference for scband-one-hot-embedding-48601849921613 (READ-ONLY COPY).

The authoritative reference and input builder live on the scoring server;
editing this copy changes nothing except your own understanding.
"""

import jax, jax.numpy as jnp
import numpy as np

NUM_CATEGORIES = 1000

def setup_inputs(seed: int = 0) -> dict:
    key = jax.random.key(seed)
    tensor = jax.random.randint(key, (1024, 26), 0, NUM_CATEGORIES, dtype=jnp.int64 if jax.config.jax_enable_x64 else jnp.int32)
    return {"tensor": tensor}

def reference(tensor) -> jnp.ndarray:
    # Faithful translation of torch.nn.functional.one_hot(tensor, num_classes)
    # torch returns int64; we produce an integer one-hot of the same shape semantics:
    # output shape = tensor.shape + (num_categories,)
    out = (tensor[..., None] == jnp.arange(NUM_CATEGORIES, dtype=tensor.dtype)).astype(jnp.int32)
    return out

if __name__ == "__main__":
    import jax
    _d = setup_inputs()
    print(jax.jit(kernel)(*tuple(_d.values())))

</pallas_src>

<mosaic_0001>
#map = affine_map<(d0, d1) -> (0)>
#map1 = affine_map<(d0, d1) -> (0, 0, 0)>
module attributes {stable_mosaic.version = 14 : i64} {
  func.func @_body(%arg0: i32, %arg1: i32, %arg2: memref<26624xi32, #tpu.memory_space<hbm>>, %arg3: memref<26x1000x1024xi32, #tpu.memory_space<hbm>>, %arg4: memref<2048xi32, #tpu.memory_space<vmem>>, %arg5: memref<40x1024xi32, #tpu.memory_space<vmem>>, %arg6: memref<40x1024xi32, #tpu.memory_space<vmem>>, %arg7: memref<40x1024xi32, #tpu.memory_space<vmem>>, %arg8: memref<!tpu.dma_semaphore, #tpu.memory_space<semaphore_mem>>, %arg9: memref<!tpu.dma_semaphore, #tpu.memory_space<semaphore_mem>>, %arg10: memref<!tpu.dma_semaphore, #tpu.memory_space<semaphore_mem>>) attributes {dimension_semantics = [#tpu.dimension_semantics<core_parallel>, #tpu.dimension_semantics<subcore_parallel>], iteration_bounds = array<i64: 2, 16>, scalar_prefetch = 0 : i64, scratch_operands = 7 : i64, tpu.core_type = #tpu.core_type<sc_vector_subcore>, window_params = [{transform_indices = #map}, {transform_indices = #map1}]} {
    %mul3A = arith.constant 2 : i32
    %mul3A_0 = arith.muli %arg1, %mul3A : i32
    %add3A = arith.addi %mul3A_0, %arg0 : i32
    %mul3A_1 = arith.constant 20 : i32
    %mul3A_2 = arith.muli %mul3A_1, %add3A : i32
    %min3A = arith.constant 10 : i32
    %min3A_3 = arith.minsi %add3A, %min3A : i32
    %add3A_4 = arith.addi %mul3A_2, %min3A_3 : i32
    %jit3A = arith.constant 25 : i32
    %div3A = arith.divsi %add3A_4, %jit3A : i32
    %sign3A = arith.constant 0 : i32
    %sign3A_5 = arith.cmpi sgt, %add3A_4, %sign3A : i32
    %sign3A_6 = arith.extui %sign3A_5 : i1 to i32
    %sign3A_7 = arith.constant 0 : i32
    %sign3A_8 = arith.cmpi slt, %add3A_4, %sign3A_7 : i32
    %sign3A_9 = arith.extui %sign3A_8 : i1 to i32
    %sign3A_10 = arith.subi %sign3A_6, %sign3A_9 : i32
    %sign3A_11 = arith.constant 0 : i32
    %sign3A_12 = arith.cmpi sgt, %jit3A, %sign3A_11 : i32
    %sign3A_13 = arith.extui %sign3A_12 : i1 to i32
    %sign3A_14 = arith.constant 0 : i32
    %sign3A_15 = arith.cmpi slt, %jit3A, %sign3A_14 : i32
    %sign3A_16 = arith.extui %sign3A_15 : i1 to i32
    %sign3A_17 = arith.subi %sign3A_13, %sign3A_16 : i32
    %ne3A = arith.cmpi ne, %sign3A_10, %sign3A_17 : i32
    %rem3A = arith.remsi %add3A_4, %jit3A : i32
    %ne3A_18 = arith.constant 0 : i32
    %ne3A_19 = arith.cmpi ne, %rem3A, %ne3A_18 : i32
    %and3A = arith.andi %ne3A, %ne3A_19 : i1
    %sub3A = arith.constant 1 : i32
    %sub3A_20 = arith.subi %div3A, %sub3A : i32
    %select_n3A = arith.select %and3A, %sub3A_20, %div3A : i32
    %min3A_21 = arith.constant 24 : i32
    %min3A_22 = arith.minsi %select_n3A, %min3A_21 : i32
    %broadcast_in_dim3A = arith.constant 0 : i32
    %broadcast_in_dim3A_23 = vector.broadcast %broadcast_in_dim3A : i32 to vector<16xi32>
    %broadcast_in_dim3A_24 = arith.constant 1 : i32
    %broadcast_in_dim3A_25 = vector.broadcast %broadcast_in_dim3A_24 : i32 to vector<16xi32>
    %iota3A = tpu.iota {dimensions = array<i32: 0>} : vector<16xi32>
    %mul3A_26 = arith.constant 1024 : i32
    %mul3A_27 = arith.muli %min3A_22, %mul3A_26 : i32
    %dma_start3A = tpu.memref_slice %arg2[%mul3A_27] : memref<26624xi32, #tpu.memory_space<hbm>> -> memref<2048xi32, #tpu.memory_space<hbm>>
    %dma_start3A_28 = tpu.memref_slice %arg2[%mul3A_27] : memref<26624xi32, #tpu.memory_space<hbm>> -> memref<2048xi32, #tpu.memory_space<hbm>>
    tpu.enqueue_dma source(%dma_start3A_28 : memref<2048xi32, #tpu.memory_space<hbm>>) target(%arg4 : memref<2048xi32, #tpu.memory_space<vmem>>) target_semaphore(%arg8 : memref<!tpu.dma_semaphore, #tpu.memory_space<semaphore_mem>>)
    %scan3A = arith.constant 0 : i32
    %scan3A_29 = arith.constant 0 : i32
    %scan3A_30 = arith.constant 40 : i32
    %scan3A_31 = arith.addi %scan3A_29, %scan3A_30 : i32
    %scan3A_32 = arith.constant 1 : i32
    scf.for %scan3A_401 = %scan3A_29 to %scan3A_31 step %scan3A_32  : i32 {
      %swap3A = arith.index_cast %scan3A_401 : i32 to index
      %swap3A_402 = arith.constant 0 : index
      %swap3A_403 = tpu.vector_load %arg5[%swap3A, %swap3A_402] {strides = array<i32>} : memref<40x1024xi32, #tpu.memory_space<vmem>>, vector<16xi32>,
      tpu.vector_store %arg5[%swap3A, %swap3A_402], %broadcast_in_dim3A_23 {strides = array<i32>} : memref<40x1024xi32, #tpu.memory_space<vmem>>, vector<16xi32>,
      %swap3A_404 = arith.index_cast %scan3A_401 : i32 to index
      %swap3A_405 = arith.constant 16 : index
      %swap3A_406 = tpu.vector_load %arg5[%swap3A_404, %swap3A_405] {strides = array<i32>} : memref<40x1024xi32, #tpu.memory_space<vmem>>, vector<16xi32>,
      tpu.vector_store %arg5[%swap3A_404, %swap3A_405], %broadcast_in_dim3A_23 {strides = array<i32>} : memref<40x1024xi32, #tpu.memory_space<vmem>>, vector<16xi32>,
      %swap3A_407 = arith.index_cast %scan3A_401 : i32 to index
      %swap3A_408 = arith.constant 32 : index
      %swap3A_409 = tpu.vector_load %arg5[%swap3A_407, %swap3A_408] {strides = array<i32>} : memref<40x1024xi32, #tpu.memory_space<vmem>>, vector<16xi32>,
      tpu.vector_store %arg5[%swap3A_407, %swap3A_408], %broadcast_in_dim3A_23 {strides = array<i32>} : memref<40x1024xi32, #tpu.memory_space<vmem>>, vector<16xi32>,
      %swap3A_410 = arith.index_cast %scan3A_401 : i32 to index
      %swap3A_411 = arith.constant 48 : index
      %swap3A_412 = tpu.vector_load %arg5[%swap3A_410, %swap3A_411] {strides = array<i32>} : memref<40x1024xi32, #tpu.memory_space<vmem>>, vector<16xi32>,
      tpu.vector_store %arg5[%swap3A_410, %swap3A_411], %broadcast_in_dim3A_23 {strides = array<i32>} : memref<40x1024xi32, #tpu.memory_space<vmem>>, vector<16xi32>,
      %swap3A_413 = arith.index_cast %scan3A_401 : i32 to index
      %swap3A_414 = arith.constant 64 : index
      %swap3A_415 = tpu.vector_load %arg5[%swap3A_413, %swap3A_414] {strides = array<i32>} : memref<40x1024xi32, #tpu.memory_space<vmem>>, vector<16xi32>,
      tpu.vector_store %arg5[%swap3A_413, %swap3A_414], %broadcast_in_dim3A_23 {strides = array<i32>} : memref<40x1024xi32, #tpu.memory_space<vmem>>, vector<16xi32>,
      %swap3A_416 = arith.index_cast %scan3A_401 : i32 to index
      %swap3A_417 = arith.constant 80 : index
      %swap3A_418 = tpu.vector_load %arg5[%swap3A_416, %swap3A_417] {strides = array<i32>} : memref<40x1024xi32, #tpu.memory_space<vmem>>, vector<16xi32>,
      tpu.vector_store %arg5[%swap3A_416, %swap3A_417], %broadcast_in_dim3A_23 {strides = array<i32>} : memref<40x1024xi32, #tpu.memory_space<vmem>>, vector<16xi32>,
      %swap3A_419 = arith.index_cast %scan3A_401 : i32 to index
      %swap3A_420 = arith.constant 96 : index
      %swap3A_421 = tpu.vector_load %arg5[%swap3A_419, %swap3A_420] {strides = array<i32>} : memref<40x1024xi32, #tpu.memory_space<vmem>>, vector<16xi32>,
      tpu.vector_store %arg5[%swap3A_419, %swap3A_420], %broadcast_in_dim3A_23 {strides = array<i32>} : memref<40x1024xi32, #tpu.memory_space<vmem>>, vector<16xi32>,
      %swap3A_422 = arith.index_cast %scan3A_401 : i32 to index
      %swap3A_423 = arith.constant 112 : index
      %swap3A_424 = tpu.vector_load %arg5[%swap3A_422, %swap3A_423] {strides = array<i32>} : memref<40x1024xi32, #tpu.memory_space<vmem>>, vector<16xi32>,
      tpu.vector_store %arg5[%swap3A_422, %swap3A_423], %broadcast_in_dim3A_23 {strides = array<i32>} : memref<40x1024xi32, #tpu.memory_space<vmem>>, vector<16xi32>,
      %swap3A_425 = arith.index_cast %scan3A_401 : i32 to index
      %swap3A_426 = arith.constant 128 : index
      %swap3A_427 = tpu.vector_load %arg5[%swap3A_425, %swap3A_426] {strides = array<i32>} : memref<40x1024xi32, #tpu.memory_space<vmem>>, vector<16xi32>,
      tpu.vector_store %arg5[%swap3A_425, %swap3A_426], %broadcast_in_dim3A_23 {strides = array<i32>} : memref<40x1024xi32, #tpu.memory_space<vmem>>, vector<16xi32>,
      %swap3A_428 = arith.index_cast %scan3A_401 : i32 to index
      %swap3A_429 = arith.constant 144 : index
      %swap3A_430 = tpu.vector_load %arg5[%swap3A_428, %swap3A_429] {strides = array<i32>} : memref<40x1024xi32, #tpu.memory_space<vmem>>, vector<16xi32>,
      tpu.vector_store %arg5[%swap3A_428, %swap3A_429], %broadcast_in_dim3A_23 {strides = array<i32>} : memref<40x1024xi32, #tpu.memory_space<vmem>>, vector<16xi32>,
      %swap3A_431 = arith.index_cast %scan3A_401 : i32 to index
      %swap3A_432 = arith.constant 160 : index
      %swap3A_433 = tpu.vector_load %arg5[%swap3A_431, %swap3A_432] {strides = array<i32>} : memref<40x1024xi32, #tpu.memory_space<vmem>>, vector<16xi32>,
      tpu.vector_store %arg5[%swap3A_431, %swap3A_432], %broadcast_in_dim3A_23 {strides = array<i32>} : memref<40x1024xi32, #tpu.memory_space<vmem>>, vector<16xi32>,
      %swap3A_434 = arith.index_cast %scan3A_401 : i32 to index
      %swap3A_435 = arith.constant 176 : index
      %swap3A_436 = tpu.vector_load %arg5[%swap3A_434, %swap3A_435] {strides = array<i32>} : memref<40x1024xi32, #tpu.memory_space<vmem>>, vector<16xi32>,
      tpu.vector_store %arg5[%swap3A_434, %swap3A_435], %broadcast_in_dim3A_23 {strides = array<i32>} : memref<40x1024xi32, #tpu.memory_space<vmem>>, vector<16xi32>,
      %swap3A_437 = arith.index_cast %scan3A_401 : i32 to index
      %swap3A_438 = arith.constant 192 : index
      %swap3A_439 = tpu.vector_load %arg5[%swap3A_437, %swap3A_438] {strides = array<i32>} : memref<40x1024xi32, #tpu.memory_space<vmem>>, vector<16xi32>,
      tpu.vector_store %arg5[%swap3A_437, %swap3A_438], %broadcast_in_dim3A_23 {strides = array<i32>} : memref<40x1024xi32, #tpu.memory_space<vmem>>, vector<16xi32>,
      %swap3A_440 = arith.index_cast %scan3A_401 : i32 to index
      %swap3A_441 = arith.constant 208 : index
      %swap3A_442 = tpu.vector_load %arg5[%swap3A_440, %swap3A_441] {strides = array<i32>} : memref<40x1024xi32, #tpu.memory_space<vmem>>, vector<16xi32>,
      tpu.vector_store %arg5[%swap3A_440, %swap3A_441], %broadcast_in_dim3A_23 {strides = array<i32>} : memref<40x1024xi32, #tpu.memory_space<vmem>>, vector<16xi32>,
      %swap3A_443 = arith.index_cast %scan3A_401 : i32 to index
      %swap3A_444 = arith.constant 224 : index
      %swap3A_445 = tpu.vector_load %arg5[%swap3A_443, %swap3A_444] {strides = array<i32>} : memref<40x1024xi32, #tpu.memory_space<vmem>>, vector<16xi32>,
      tpu.vector_store %arg5[%swap3A_443, %swap3A_444], %broadcast_in_dim3A_23 {strides = array<i32>} : memref<40x1024xi32, #tpu.memory_space<vmem>>, vector<16xi32>,
      %swap3A_446 = arith.index_cast %scan3A_401 : i32 to index
      %swap3A_447 = arith.constant 240 : index
      %swap3A_448 = tpu.vector_load %arg5[%swap3A_446, %swap3A_447] {strides = array<i32>} : memref<40x1024xi32, #tpu.memory_space<vmem>>, vector<16xi32>,
      tpu.vector_store %arg5[%swap3A_446, %swap3A_447], %broadcast_in_dim3A_23 {strides = array<i32>} : memref<40x1024xi32, #tpu.memory_space<vmem>>, vector<16xi32>,
      %swap3A_449 = arith.index_cast %scan3A_401 : i32 to index
      %swap3A_450 = arith.constant 256 : index
      %swap3A_451 = tpu.vector_load %arg5[%swap3A_449, %swap3A_450] {strides = array<i32>} : memref<40x1024xi32, #tpu.memory_space<vmem>>, vector<16xi32>,
      tpu.vector_store %arg5[%swap3A_449, %swap3A_450], %broadcast_in_dim3A_23 {strides = array<i32>} : memref<40x1024xi32, #tpu.memory_space<vmem>>, vector<16xi32>,
      %swap3A_452 = arith.index_cast %scan3A_401 : i32 to index
      %swap3A_453 = arith.constant 272 : index
      %swap3A_454 = tpu.vector_load %arg5[%swap3A_452, %swap3A_453] {strides = array<i32>} : memref<40x1024xi32, #tpu.memory_space<vmem>>, vector<16xi32>,
      tpu.vector_store %arg5[%swap3A_452, %swap3A_453], %broadcast_in_dim3A_23 {strides = array<i32>} : memref<40x1024xi32, #tpu.memory_space<vmem>>, vector<16xi32>,
      %swap3A_455 = arith.index_cast %scan3A_401 : i32 to index
      %swap3A_456 = arith.constant 288 : index
      %swap3A_457 = tpu.vector_load %arg5[%swap3A_455, %swap3A_456] {strides = array<i32>} : memref<40x1024xi32, #tpu.memory_space<vmem>>, vector<16xi32>,
      tpu.vector_store %arg5[%swap3A_455, %swap3A_456], %broadcast_in_dim3A_23 {strides = array<i32>} : memref<40x1024xi32, #tpu.memory_space<vmem>>, vector<16xi32>,
      %swap3A_458 = arith.index_cast %scan3A_401 : i32 to index
      %swap3A_459 = arith.constant 304 : index
      %swap3A_460 = tpu.vector_load %arg5[%swap3A_458, %swap3A_459] {strides = array<i32>} : memref<40x1024xi32, #tpu.memory_space<vmem>>, vector<16xi32>,
      tpu.vector_store %arg5[%swap3A_458, %swap3A_459], %broadcast_in_dim3A_23 {strides = array<i32>} : memref<40x1024xi32, #tpu.memory_space<vmem>>, vector<16xi32>,
      %swap3A_461 = arith.index_cast %scan3A_401 : i32 to index
      %swap3A_462 = arith.constant 320 : index
      %swap3A_463 = tpu.vector_load %arg5[%swap3A_461, %swap3A_462] {strides = array<i32>} : memref<40x1024xi32, #tpu.memory_space<vmem>>, vector<16xi32>,
      tpu.vector_store %arg5[%swap3A_461, %swap3A_462], %broadcast_in_dim3A_23 {strides = array<i32>} : memref<40x1024xi32, #tpu.memory_space<vmem>>, vector<16xi32>,
      %swap3A_464 = arith.index_cast %scan3A_401 : i32 to index
      %swap3A_465 = arith.constant 336 : index
      %swap3A_466 = tpu.vector_load %arg5[%swap3A_464, %swap3A_465] {strides = array<i32>} : memref<40x1024xi32, #tpu.memory_space<vmem>>, vector<16xi32>,
      tpu.vector_store %arg5[%swap3A_464, %swap3A_465], %broadcast_in_dim3A_23 {strides = array<i32>} : memref<40x1024xi32, #tpu.memory_space<vmem>>, vector<16xi32>,
      %swap3A_467 = arith.index_cast %scan3A_401 : i32 to index
      %swap3A_468 = arith.constant 352 : index
      %swap3A_469 = tpu.vector_load %arg5[%swap3A_467, %swap3A_468] {strides = array<i32>} : memref<40x1024xi32, #tpu.memory_space<vmem>>, vector<16xi32>,
      tpu.vector_store %arg5[%swap3A_467, %swap3A_468], %broadcast_in_dim3A_23 {strides = array<i32>} : memref<40x1024xi32, #tpu.memory_space<vmem>>, vector<16xi32>,
      %swap3A_470 = arith.index_cast %scan3A_401 : i32 to index
      %swap3A_471 = arith.constant 368 : index
      %swap3A_472 = tpu.vector_load %arg5[%swap3A_470, %swap3A_471] {strides = array<i32>} : memref<40x1024xi32, #tpu.memory_space<vmem>>, vector<16xi32>,
      tpu.vector_store %arg5[%swap3A_470, %swap3A_471], %broadcast_in_dim3A_23 {strides = array<i32>} : memref<40x1024xi32, #tpu.memory_space<vmem>>, vector<16xi32>,
      %swap3A_473 = arith.index_cast %scan3A_401 : i32 to index
      %swap3A_474 = arith.constant 384 : index
      %swap3A_475 = tpu.vector_load %arg5[%swap3A_473, %swap3A_474] {strides = array<i32>} : memref<40x1024xi32, #tpu.memory_space<vmem>>, vector<16xi32>,
      tpu.vector_store %arg5[%swap3A_473, %swap3A_474], %broadcast_in_dim3A_23 {strides = array<i32>} : memref<40x1024xi32, #tpu.memory_space<vmem>>, vector<16xi32>,
      %swap3A_476 = arith.index_cast %scan3A_401 : i32 to index
      %swap3A_477 = arith.constant 400 : index
      %swap3A_478 = tpu.vector_load %arg5[%swap3A_476, %swap3A_477] {strides = array<i32>} : memref<40x1024xi32, #tpu.memory_space<vmem>>, vector<16xi32>,
      tpu.vector_store %arg5[%swap3A_476, %swap3A_477], %broadcast_in_dim3A_23 {strides = array<i32>} : memref<40x1024xi32, #tpu.memory_space<vmem>>, vector<16xi32>,
      %swap3A_479 = arith.index_cast %scan3A_401 : i32 to index
      %swap3A_480 = arith.constant 416 : index
      %swap3A_481 = tpu.vector_load %arg5[%swap3A_479, %swap3A_480] {strides = array<i32>} : memref<40x1024xi32, #tpu.memory_space<vmem>>, vector<16xi32>,
      tpu.vector_store %arg5[%swap3A_479, %swap3A_480], %broadcast_in_dim3A_23 {strides = array<i32>} : memref<40x1024xi32, #tpu.memory_space<vmem>>, vector<16xi32>,
      %swap3A_482 = arith.index_cast %scan3A_401 : i32 to index
      %swap3A_483 = arith.constant 432 : index
      %swap3A_484 = tpu.vector_load %arg5[%swap3A_482, %swap3A_483] {strides = array<i32>} : memref<40x1024xi32, #tpu.memory_space<vmem>>, vector<16xi32>,
      tpu.vector_store %arg5[%swap3A_482, %swap3A_483], %broadcast_in_dim3A_23 {strides = array<i32>} : memref<40x1024xi32, #tpu.memory_space<vmem>>, vector<16xi32>,
      %swap3A_485 = arith.index_cast %scan3A_401 : i32 to index
      %swap3A_486 = arith.constant 448 : index
      %swap3A_487 = tpu.vector_load %arg5[%swap3A_485, %swap3A_486] {strides = array<i32>} : memref<40x1024xi32, #tpu.memory_space<vmem>>, vector<16xi32>,
      tpu.vector_store %arg5[%swap3A_485, %swap3A_486], %broadcast_in_dim3A_23 {strides = array<i32>} : memref<40x1024xi32, #tpu.memory_space<vmem>>, vector<16xi32>,
      %swap3A_488 = arith.index_cast %scan3A_401 : i32 to index
      %swap3A_489 = arith.constant 464 : index
      %swap3A_490 = tpu.vector_load %arg5[%swap3A_488, %swap3A_489] {strides = array<i32>} : memref<40x1024xi32, #tpu.memory_space<vmem>>, vector<16xi32>,
      tpu.vector_store %arg5[%swap3A_488, %swap3A_489], %broadcast_in_dim3A_23 {strides = array<i32>} : memref<40x1024xi32, #tpu.memory_space<vmem>>, vector<16xi32>,
      %swap3A_491 = arith.index_cast %scan3A_401 : i32 to index
      %swap3A_492 = arith.constant 480 : index
      %swap3A_493 = tpu.vector_load %arg5[%swap3A_491, %swap3A_492] {strides = array<i32>} : memref<40x1024xi32, #tpu.memory_space<vmem>>, vector<16xi32>,
      tpu.vector_store %arg5[%swap3A_491, %swap3A_492], %broadcast_in_dim3A_23 {strides = array<i32>} : memref<40x1024xi32, #tpu.memory_space<vmem>>, vector<16xi32>,
      %swap3A_494 = arith.index_cast %scan3A_401 : i32 to index
      %swap3A_495 = arith.constant 496 : index
      %swap3A_496 = tpu.vector_load %arg5[%swap3A_494, %swap3A_495] {strides = array<i32>} : memref<40x1024xi32, #tpu.memory_space<vmem>>, vector<16xi32>,
      tpu.vector_store %arg5[%swap3A_494, %swap3A_495], %broadcast_in_dim3A_23 {strides = array<i32>} : memref<40x1024xi32, #tpu.memory_space<vmem>>, vector<16xi32>,
      %swap3A_497 = arith.index_cast %scan3A_401 : i32 to index
      %swap3A_498 = arith.constant 512 : index
      %swap3A_499 = tpu.vector_load %arg5[%swap3A_497, %swap3A_498] {strides = array<i32>} : memref<40x1024xi32, #tpu.memory_space<vmem>>, vector<16xi32>,
      tpu.vector_store %arg5[%swap3A_497, %swap3A_498], %broadcast_in_dim3A_23 {strides = array<i32>} : memref<40x1024xi32, #tpu.memory_space<vmem>>, vector<16xi32>,
      %swap3A_500 = arith.index_cast %scan3A_401 : i32 to index
      %swap3A_501 = arith.constant 528 : index
      %swap3A_502 = tpu.vector_load %arg5[%swap3A_500, %swap3A_501] {strides = array<i32>} : memref<40x1024xi32, #tpu.memory_space<vmem>>, vector<16xi32>,
      tpu.vector_store %arg5[%swap3A_500, %swap3A_501], %broadcast_in_dim3A_23 {strides = array<i32>} : memref<40x1024xi32, #tpu.memory_space<vmem>>, vector<16xi32>,
      %swap3A_503 = arith.index_cast %scan3A_401 : i32 to index
      %swap3A_504 = arith.constant 544 : index
      %swap3A_505 = tpu.vector_load %arg5[%swap3A_503, %swap3A_504] {strides = array<i32>} : memref<40x1024xi32, #tpu.memory_space<vmem>>, vector<16xi32>,
      tpu.vector_store %arg5[%swap3A_503, %swap3A_504], %broadcast_in_dim3A_23 {strides = array<i32>} : memref<40x1024xi32, #tpu.memory_space<vmem>>, vector<16xi32>,
      %swap3A_506 = arith.index_cast %scan3A_401 : i32 to index
      %swap3A_507 = arith.constant 560 : index
      %swap3A_508 = tpu.vector_load %arg5[%swap3A_506, %swap3A_507] {strides = array<i32>} : memref<40x1024xi32, #tpu.memory_space<vmem>>, vector<16xi32>,
      tpu.vector_store %arg5[%swap3A_506, %swap3A_507], %broadcast_in_dim3A_23 {strides = array<i32>} : memref<40x1024xi32, #tpu.memory_space<vmem>>, vector<16xi32>,
      %swap3A_509 = arith.index_cast %scan3A_401 : i32 to index
      %swap3A_510 = arith.constant 576 : index
      %swap3A_511 = tpu.vector_load %arg5[%swap3A_509, %swap3A_510] {strides = array<i32>} : memref<40x1024xi32, #tpu.memory_space<vmem>>, vector<16xi32>,
      tpu.vector_store %arg5[%swap3A_509, %swap3A_510], %broadcast_in_dim3A_23 {strides = array<i32>} : memref<40x1024xi32, #tpu.memory_space<vmem>>, vector<16xi32>,
      %swap3A_512 = arith.index_cast %scan3A_401 : i32 to index
      %swap3A_513 = arith.constant 592 : index
      %swap3A_514 = tpu.vector_load %arg5[%swap3A_512, %swap3A_513] {strides = array<i32>} : memref<40x1024xi32, #tpu.memory_space<vmem>>, vector<16xi32>,
      tpu.vector_store %arg5[%swap3A_512, %swap3A_513], %broadcast_in_dim3A_23 {strides = array<i32>} : memref<40x1024xi32, #tpu.memory_space<vmem>>, vector<16xi32>,
      %swap3A_515 = arith.index_cast %scan3A_401 : i32 to index
      %swap3A_516 = arith.constant 608 : index
      %swap3A_517 = tpu.vector_load %arg5[%swap3A_515, %swap3A_516] {strides = array<i32>} : memref<40x1024xi32, #tpu.memory_space<vmem>>, vector<16xi32>,
      tpu.vector_store %arg5[%swap3A_515, %swap3A_516], %broadcast_in_dim3A_23 {strides = array<i32>} : memref<40x1024xi32, #tpu.memory_space<vmem>>, vector<16xi32>,
      %swap3A_518 = arith.index_cast %scan3A_401 : i32 to index
      %swap3A_519 = arith.constant 624 : index
      %swap3A_520 = tpu.vector_load %arg5[%swap3A_518, %swap3A_519] {strides = array<i32>} : memref<40x1024xi32, #tpu.memory_space<vmem>>, vector<16xi32>,
      tpu.vector_store %arg5[%swap3A_518, %swap3A_519], %broadcast_in_dim3A_23 {strides = array<i32>} : memref<40x1024xi32, #tpu.memory_space<vmem>>, vector<16xi32>,
      %swap3A_521 = arith.index_cast %scan3A_401 : i32 to index
      %swap3A_522 = arith.constant 640 : index
      %swap3A_523 = tpu.vector_load %arg5[%swap3A_521, %swap3A_522] {strides = array<i32>} : memref<40x1024xi32, #tpu.memory_space<vmem>>, vector<16xi32>,
      tpu.vector_store %arg5[%swap3A_521, %swap3A_522], %broadcast_in_dim3A_23 {strides = array<i32>} : memref<40x1024xi32, #tpu.memory_space<vmem>>, vector<16xi32>,
      %swap3A_524 = arith.index_cast %scan3A_401 : i32 to index
      %swap3A_525 = arith.constant 656 : index
      %swap3A_526 = tpu.vector_load %arg5[%swap3A_524, %swap3A_525] {strides = array<i32>} : memref<40x1024xi32, #tpu.memory_space<vmem>>, vector<16xi32>,
      tpu.vector_store %arg5[%swap3A_524, %swap3A_525], %broadcast_in_dim3A_23 {strides = array<i32>} : memref<40x1024xi32, #tpu.memory_space<vmem>>, vector<16xi32>,
      %swap3A_527 = arith.index_cast %scan3A_401 : i32 to index
      %swap3A_528 = arith.constant 672 : index
      %swap3A_529 = tpu.vector_load %arg5[%swap3A_527, %swap3A_528] {strides = array<i32>} : memref<40x1024xi32, #tpu.memory_space<vmem>>, vector<16xi32>,
      tpu.vector_store %arg5[%swap3A_527, %swap3A_528], %broadcast_in_dim3A_23 {strides = array<i32>} : memref<40x1024xi32, #tpu.memory_space<vmem>>, vector<16xi32>,
      %swap3A_530 = arith.index_cast %scan3A_401 : i32 to index
      %swap3A_531 = arith.constant 688 : index
      %swap3A_532 = tpu.vector_load %arg5[%swap3A_530, %swap3A_531] {strides = array<i32>} : memref<40x1024xi32, #tpu.memory_space<vmem>>, vector<16xi32>,
      tpu.vector_store %arg5[%swap3A_530, %swap3A_531], %broadcast_in_dim3A_23 {strides = array<i32>} : memref<40x1024xi32, #tpu.memory_space<vmem>>, vector<16xi32>,
      %swap3A_533 = arith.index_cast %scan3A_401 : i32 to index
      %swap3A_534 = arith.constant 704 : index
      %swap3A_535 = tpu.vector_load %arg5[%swap3A_533, %swap3A_534] {strides = array<i32>} : memref<40x1024xi32, #tpu.memory_space<vmem>>, vector<16xi32>,
      tpu.vector_store %arg5[%swap3A_533, %swap3A_534], %broadcast_in_dim3A_23 {strides = array<i32>} : memref<40x1024xi32, #tpu.memory_space<vmem>>, vector<16xi32>,
      %swap3A_536 = arith.index_cast %scan3A_401 : i32 to index
      %swap3A_537 = arith.constant 720 : index
      %swap3A_538 = tpu.vector_load %arg5[%swap3A_536, %swap3A_537] {strides = array<i32>} : memref<40x1024xi32, #tpu.memory_space<vmem>>, vector<16xi32>,
      tpu.vector_store %arg5[%swap3A_536, %swap3A_537], %broadcast_in_dim3A_23 {strides = array<i32>} : memref<40x1024xi32, #tpu.memory_space<vmem>>, vector<16xi32>,
      %swap3A_539 = arith.index_cast %scan3A_401 : i32 to index
      %swap3A_540 = arith.constant 736 : index
      %swap3A_541 = tpu.vector_load %arg5[%swap3A_539, %swap3A_540] {strides = array<i32>} : memref<40x1024xi32, #tpu.memory_space<vmem>>, vector<16xi32>,
      tpu.vector_store %arg5[%swap3A_539, %swap3A_540], %broadcast_in_dim3A_23 {strides = array<i32>} : memref<40x1024xi32, #tpu.memory_space<vmem>>, vector<16xi32>,
      %swap3A_542 = arith.index_cast %scan3A_401 : i32 to index
      %swap3A_543 = arith.constant 752 : index
      %swap3A_544 = tpu.vector_load %arg5[%swap3A_542, %swap3A_543] {strides = array<i32>} : memref<40x1024xi32, #tpu.memory_space<vmem>>, vector<16xi32>,
      tpu.vector_store %arg5[%swap3A_542, %swap3A_543], %broadcast_in_dim3A_23 {strides = array<i32>} : memref<40x1024xi32, #tpu.memory_space<vmem>>, vector<16xi32>,
      %swap3A_545 = arith.index_cast %scan3A_401 : i32 to index
      %swap3A_546 = arith.constant 768 : index
      %swap3A_547 = tpu.vector_load %arg5[%swap3A_545, %swap3A_546] {strides = array<i32>} : memref<40x1024xi32, #tpu.memory_space<vmem>>, vector<16xi32>,
      tpu.vector_store %arg5[%swap3A_545, %swap3A_546], %broadcast_in_dim3A_23 {strides = array<i32>} : memref<40x1024xi32, #tpu.memory_space<vmem>>, vector<16xi32>,
      %swap3A_548 = arith.index_cast %scan3A_401 : i32 to index
      %swap3A_549 = arith.constant 784 : index
      %swap3A_550 = tpu.vector_load %arg5[%swap3A_548, %swap3A_549] {strides = array<i32>} : memref<40x1024xi32, #tpu.memory_space<vmem>>, vector<16xi32>,
      tpu.vector_store %arg5[%swap3A_548, %swap3A_549], %broadcast_in_dim3A_23 {strides = array<i32>} : memref<40x1024xi32, #tpu.memory_space<vmem>>, vector<16xi32>,
      %swap3A_551 = arith.index_cast %scan3A_401 : i32 to index
      %swap3A_552 = arith.constant 800 : index
      %swap3A_553 = tpu.vector_load %arg5[%swap3A_551, %swap3A_552] {strides = array<i32>} : memref<40x1024xi32, #tpu.memory_space<vmem>>, vector<16xi32>,
      tpu.vector_store %arg5[%swap3A_551, %swap3A_552], %broadcast_in_dim3A_23 {strides = array<i32>} : memref<40x1024xi32, #tpu.memory_space<vmem>>, vector<16xi32>,
      %swap3A_554 = arith.index_cast %scan3A_401 : i32 to index
      %swap3A_555 = arith.constant 816 : index
      %swap3A_556 = tpu.vector_load %arg5[%swap3A_554, %swap3A_555] {strides = array<i32>} : memref<40x1024xi32, #tpu.memory_space<vmem>>, vector<16xi32>,
      tpu.vector_store %arg5[%swap3A_554, %swap3A_555], %broadcast_in_dim3A_23 {strides = array<i32>} : memref<40x1024xi32, #tpu.memory_space<vmem>>, vector<16xi32>,
      %swap3A_557 = arith.index_cast %scan3A_401 : i32 to index
      %swap3A_558 = arith.constant 832 : index
      %swap3A_559 = tpu.vector_load %arg5[%swap3A_557, %swap3A_558] {strides = array<i32>} : memref<40x1024xi32, #tpu.memory_space<vmem>>, vector<16xi32>,
      tpu.vector_store %arg5[%swap3A_557, %swap3A_558], %broadcast_in_dim3A_23 {strides = array<i32>} : memref<40x1024xi32, #tpu.memory_space<vmem>>, vector<16xi32>,
      %swap3A_560 = arith.index_cast %scan3A_401 : i32 to index
      %swap3A_561 = arith.constant 848 : index
      %swap3A_562 = tpu.vector_load %arg5[%swap3A_560, %swap3A_561] {strides = array<i32>} : memref<40x1024xi32, #tpu.memory_space<vmem>>, vector<16xi32>,
      tpu.vector_store %arg5[%swap3A_560, %swap3A_561], %broadcast_in_dim3A_23 {strides = array<i32>} : memref<40x1024xi32, #tpu.memory_space<vmem>>, vector<16xi32>,
      %swap3A_563 = arith.index_cast %scan3A_401 : i32 to index
      %swap3A_564 = arith.constant 864 : index
      %swap3A_565 = tpu.vector_load %arg5[%swap3A_563, %swap3A_564] {strides = array<i32>} : memref<40x1024xi32, #tpu.memory_space<vmem>>, vector<16xi32>,
      tpu.vector_store %arg5[%swap3A_563, %swap3A_564], %broadcast_in_dim3A_23 {strides = array<i32>} : memref<40x1024xi32, #tpu.memory_space<vmem>>, vector<16xi32>,
      %swap3A_566 = arith.index_cast %scan3A_401 : i32 to index
      %swap3A_567 = arith.constant 880 : index
      %swap3A_568 = tpu.vector_load %arg5[%swap3A_566, %swap3A_567] {strides = array<i32>} : memref<40x1024xi32, #tpu.memory_space<vmem>>, vector<16xi32>,
      tpu.vector_store %arg5[%swap3A_566, %swap3A_567], %broadcast_in_dim3A_23 {strides = array<i32>} : memref<40x1024xi32, #tpu.memory_space<vmem>>, vector<16xi32>,
      %swap3A_569 = arith.index_cast %scan3A_401 : i32 to index
      %swap3A_570 = arith.constant 896 : index
      %swap3A_571 = tpu.vector_load %arg5[%swap3A_569, %swap3A_570] {strides = array<i32>} : memref<40x1024xi32, #tpu.memory_space<vmem>>, vector<16xi32>,
      tpu.vector_store %arg5[%swap3A_569, %swap3A_570], %broadcast_in_dim3A_23 {strides = array<i32>} : memref<40x1024xi32, #tpu.memory_space<vmem>>, vector<16xi32>,
      %swap3A_572 = arith.index_cast %scan3A_401 : i32 to index
      %swap3A_573 = arith.constant 912 : index
      %swap3A_574 = tpu.vector_load %arg5[%swap3A_572, %swap3A_573] {strides = array<i32>} : memref<40x1024xi32, #tpu.memory_space<vmem>>, vector<16xi32>,
      tpu.vector_store %arg5[%swap3A_572, %swap3A_573], %broadcast_in_dim3A_23 {strides = array<i32>} : memref<40x1024xi32, #tpu.memory_space<vmem>>, vector<16xi32>,
      %swap3A_575 = arith.index_cast %scan3A_401 : i32 to index
      %swap3A_576 = arith.constant 928 : index
      %swap3A_577 = tpu.vector_load %arg5[%swap3A_575, %swap3A_576] {strides = array<i32>} : memref<40x1024xi32, #tpu.memory_space<vmem>>, vector<16xi32>,
      tpu.vector_store %arg5[%swap3A_575, %swap3A_576], %broadcast_in_dim3A_23 {strides = array<i32>} : memref<40x1024xi32, #tpu.memory_space<vmem>>, vector<16xi32>,
      %swap3A_578 = arith.index_cast %scan3A_401 : i32 to index
      %swap3A_579 = arith.constant 944 : index
      %swap3A_580 = tpu.vector_load %arg5[%swap3A_578, %swap3A_579] {strides = array<i32>} : memref<40x1024xi32, #tpu.memory_space<vmem>>, vector<16xi32>,
      tpu.vector_store %arg5[%swap3A_578, %swap3A_579], %broadcast_in_dim3A_23 {strides = array<i32>} : memref<40x1024xi32, #tpu.memory_space<vmem>>, vector<16xi32>,
      %swap3A_581 = arith.index_cast %scan3A_401 : i32 to index
      %swap3A_582 = arith.constant 960 : index
      %swap3A_583 = tpu.vector_load %arg5[%swap3A_581, %swap3A_582] {strides = array<i32>} : memref<40x1024xi32, #tpu.memory_space<vmem>>, vector<16xi32>,
      tpu.vector_store %arg5[%swap3A_581, %swap3A_582], %broadcast_in_dim3A_23 {strides = array<i32>} : memref<40x1024xi32, #tpu.memory_space<vmem>>, vector<16xi32>,
      %swap3A_584 = arith.index_cast %scan3A_401 : i32 to index
      %swap3A_585 = arith.constant 976 : index
      %swap3A_586 = tpu.vector_load %arg5[%swap3A_584, %swap3A_585] {strides = array<i32>} : memref<40x1024xi32, #tpu.memory_space<vmem>>, vector<16xi32>,
      tpu.vector_store %arg5[%swap3A_584, %swap3A_585], %broadcast_in_dim3A_23 {strides = array<i32>} : memref<40x1024xi32, #tpu.memory_space<vmem>>, vector<16xi32>,
      %swap3A_587 = arith.index_cast %scan3A_401 : i32 to index
      %swap3A_588 = arith.constant 992 : index
      %swap3A_589 = tpu.vector_load %arg5[%swap3A_587, %swap3A_588] {strides = array<i32>} : memref<40x1024xi32, #tpu.memory_space<vmem>>, vector<16xi32>,
      tpu.vector_store %arg5[%swap3A_587, %swap3A_588], %broadcast_in_dim3A_23 {strides = array<i32>} : memref<40x1024xi32, #tpu.memory_space<vmem>>, vector<16xi32>,
      %swap3A_590 = arith.index_cast %scan3A_401 : i32 to index
      %swap3A_591 = arith.constant 1008 : index
      %swap3A_592 = tpu.vector_load %arg5[%swap3A_590, %swap3A_591] {strides = array<i32>} : memref<40x1024xi32, #tpu.memory_space<vmem>>, vector<16xi32>,
      tpu.vector_store %arg5[%swap3A_590, %swap3A_591], %broadcast_in_dim3A_23 {strides = array<i32>} : memref<40x1024xi32, #tpu.memory_space<vmem>>, vector<16xi32>,
    }
    %scan3A_33 = arith.constant 40 : i32
    %dma_wait3A = tpu.memref_slice %arg2[%mul3A_27] : memref<26624xi32, #tpu.memory_space<hbm>> -> memref<2048xi32, #tpu.memory_space<hbm>>
    %dma_wait3A_34 = tpu.memref_slice %arg2[%mul3A_27] : memref<26624xi32, #tpu.memory_space<hbm>> -> memref<2048xi32, #tpu.memory_space<hbm>>
    tpu.wait_dma2 semaphore(%arg8 : memref<!tpu.dma_semaphore, #tpu.memory_space<semaphore_mem>>) src(%dma_wait3A_34 : memref<2048xi32, #tpu.memory_space<hbm>>) dst(%arg4 : memref<2048xi32, #tpu.memory_space<vmem>>)
    %add3A_35 = arith.constant 0 : i32
    %add3A_36 = arith.addi %add3A_4, %add3A_35 : i32
    %jit3A_37 = arith.constant 25 : i32
    %div3A_38 = arith.divsi %add3A_36, %jit3A_37 : i32
    %sign3A_39 = arith.constant 0 : i32
    %sign3A_40 = arith.cmpi sgt, %add3A_36, %sign3A_39 : i32
    %sign3A_41 = arith.extui %sign3A_40 : i1 to i32
    %sign3A_42 = arith.constant 0 : i32
    %sign3A_43 = arith.cmpi slt, %add3A_36, %sign3A_42 : i32
    %sign3A_44 = arith.extui %sign3A_43 : i1 to i32
    %sign3A_45 = arith.subi %sign3A_41, %sign3A_44 : i32
    %sign3A_46 = arith.constant 0 : i32
    %sign3A_47 = arith.cmpi sgt, %jit3A_37, %sign3A_46 : i32
    %sign3A_48 = arith.extui %sign3A_47 : i1 to i32
    %sign3A_49 = arith.constant 0 : i32
    %sign3A_50 = arith.cmpi slt, %jit3A_37, %sign3A_49 : i32
    %sign3A_51 = arith.extui %sign3A_50 : i1 to i32
    %sign3A_52 = arith.subi %sign3A_48, %sign3A_51 : i32
    %ne3A_53 = arith.cmpi ne, %sign3A_45, %sign3A_52 : i32
    %rem3A_54 = arith.remsi %add3A_36, %jit3A_37 : i32
    %ne3A_55 = arith.constant 0 : i32
    %ne3A_56 = arith.cmpi ne, %rem3A_54, %ne3A_55 : i32
    %and3A_57 = arith.andi %ne3A_53, %ne3A_56 : i1
    %sub3A_58 = arith.constant 1 : i32
    %sub3A_59 = arith.subi %div3A_38, %sub3A_58 : i32
    %select_n3A_60 = arith.select %and3A_57, %sub3A_59, %div3A_38 : i32
    %mul3A_61 = arith.constant 25 : i32
    %mul3A_62 = arith.muli %select_n3A_60, %mul3A_61 : i32
    %sub3A_63 = arith.subi %add3A_36, %mul3A_62 : i32
    %mul3A_64 = arith.constant 40 : i32
    %mul3A_65 = arith.muli %sub3A_63, %mul3A_64 : i32
    %sub3A_66 = arith.subi %select_n3A_60, %min3A_22 : i32
    %scan3A_67 = arith.constant 0 : i32
    %scan3A_68 = arith.constant 0 : i32
    %scan3A_69 = arith.constant 64 : i32
    %scan3A_70 = arith.addi %scan3A_68, %scan3A_69 : i32
    %scan3A_71 = arith.constant 2 : i32
    scf.for %scan3A_401 = %scan3A_68 to %scan3A_70 step %scan3A_71  : i32 {
      %mul3A_402 = arith.constant 1024 : i32
      %mul3A_403 = arith.muli %sub3A_66, %mul3A_402 : i32
      %mul3A_404 = arith.constant 16 : i32
      %mul3A_405 = arith.muli %scan3A_401, %mul3A_404 : i32
      %add3A_406 = arith.addi %mul3A_403, %mul3A_405 : i32
      %get3A = arith.index_cast %add3A_406 : i32 to index
      %get3A_407 = tpu.vector_load %arg4[%get3A] {strides = array<i32>} : memref<2048xi32, #tpu.memory_space<vmem>>, vector<16xi32>,
      %sub3A_408 = vector.broadcast %mul3A_65 : i32 to vector<16xi32>
      %sub3A_409 = arith.subi %get3A_407, %sub3A_408 : vector<16xi32>
      %ge3A = arith.constant 0 : i32
      %ge3A_410 = vector.broadcast %ge3A : i32 to vector<16xi32>
      %ge3A_411 = arith.cmpi sge, %sub3A_409, %ge3A_410 : vector<16xi32>
      %lt3A_412 = arith.constant 40 : i32
      %lt3A_413 = vector.broadcast %lt3A_412 : i32 to vector<16xi32>
      %lt3A_414 = arith.cmpi slt, %sub3A_409, %lt3A_413 : vector<16xi32>
      %and3A_415 = arith.andi %ge3A_411, %lt3A_414 : vector<16xi1>
      %mul3A_416 = arith.constant 16 : i32
      %mul3A_417 = arith.muli %scan3A_401, %mul3A_416 : i32
      %add3A_418 = vector.broadcast %mul3A_417 : i32 to vector<16xi32>
      %add3A_419 = arith.addi %add3A_418, %iota3A : vector<16xi32>
      tpu.vector_store_idx %arg5[%sub3A_409, %add3A_419], %broadcast_in_dim3A_25 masked %and3A_415 : memref<40x1024xi32, #tpu.memory_space<vmem>>[vector<16xi32>, vector<16xi32>], vector<16xi32>, vector<16xi1>
      %scan3A_420 = arith.constant 1 : i32
      %scan3A_421 = arith.addi %scan3A_401, %scan3A_420 : i32
      %mul3A_422 = arith.constant 1024 : i32
      %mul3A_423 = arith.muli %sub3A_66, %mul3A_422 : i32
      %mul3A_424 = arith.constant 16 : i32
      %mul3A_425 = arith.muli %scan3A_421, %mul3A_424 : i32
      %add3A_426 = arith.addi %mul3A_423, %mul3A_425 : i32
      %get3A_427 = arith.index_cast %add3A_426 : i32 to index
      %get3A_428 = tpu.vector_load %arg4[%get3A_427] {strides = array<i32>} : memref<2048xi32, #tpu.memory_space<vmem>>, vector<16xi32>,
      %sub3A_429 = vector.broadcast %mul3A_65 : i32 to vector<16xi32>
      %sub3A_430 = arith.subi %get3A_428, %sub3A_429 : vector<16xi32>
      %ge3A_431 = arith.constant 0 : i32
      %ge3A_432 = vector.broadcast %ge3A_431 : i32 to vector<16xi32>
      %ge3A_433 = arith.cmpi sge, %sub3A_430, %ge3A_432 : vector<16xi32>
      %lt3A_434 = arith.constant 40 : i32
      %lt3A_435 = vector.broadcast %lt3A_434 : i32 to vector<16xi32>
      %lt3A_436 = arith.cmpi slt, %sub3A_430, %lt3A_435 : vector<16xi32>
      %and3A_437 = arith.andi %ge3A_433, %lt3A_436 : vector<16xi1>
      %mul3A_438 = arith.constant 16 : i32
      %mul3A_439 = arith.muli %scan3A_421, %mul3A_438 : i32
      %add3A_440 = vector.broadcast %mul3A_439 : i32 to vector<16xi32>
      %add3A_441 = arith.addi %add3A_440, %iota3A : vector<16xi32>
      tpu.vector_store_idx %arg5[%sub3A_430, %add3A_441], %broadcast_in_dim3A_25 masked %and3A_437 : memref<40x1024xi32, #tpu.memory_space<vmem>>[vector<16xi32>, vector<16xi32>], vector<16xi32>, vector<16xi1>
    }
    %scan3A_72 = arith.constant 64 : i32
    %add3A_73 = arith.addi %sub3A_66, %min3A_22 : i32
    %dma_start3A_74 = arith.constant 0 : i32
    %dma_start3A_75 = tpu.memref_slice %arg3[%add3A_73, %mul3A_65, %dma_start3A_74] : memref<26x1000x1024xi32, #tpu.memory_space<hbm>> -> memref<1x40x1024xi32, #tpu.memory_space<hbm>>
    %dma_start3A_76 = tpu.memref_squeeze %dma_start3A_75 : memref<1x40x1024xi32, #tpu.memory_space<hbm>> -> memref<40x1024xi32, #tpu.memory_space<hbm>>
    %dma_start3A_77 = arith.constant 0 : i32
    %dma_start3A_78 = tpu.memref_slice %arg3[%add3A_73, %mul3A_65, %dma_start3A_77] : memref<26x1000x1024xi32, #tpu.memory_space<hbm>> -> memref<1x40x1024xi32, #tpu.memory_space<hbm>>
    %dma_start3A_79 = tpu.memref_squeeze %dma_start3A_78 : memref<1x40x1024xi32, #tpu.memory_space<hbm>> -> memref<40x1024xi32, #tpu.memory_space<hbm>>
    tpu.enqueue_dma source(%arg5 : memref<40x1024xi32, #tpu.memory_space<vmem>>) target(%dma_start3A_79 : memref<40x1024xi32, #tpu.memory_space<hbm>>) target_semaphore(%arg8 : memref<!tpu.dma_semaphore, #tpu.memory_space<semaphore_mem>>)
    %scan3A_80 = arith.constant 0 : i32
    %scan3A_81 = arith.constant 0 : i32
    %scan3A_82 = arith.constant 40 : i32
    %scan3A_83 = arith.addi %scan3A_81, %scan3A_82 : i32
    %scan3A_84 = arith.constant 1 : i32
    scf.for %scan3A_401 = %scan3A_81 to %scan3A_83 step %scan3A_84  : i32 {
      %swap3A = arith.index_cast %scan3A_401 : i32 to index
      %swap3A_402 = arith.constant 0 : index
      %swap3A_403 = tpu.vector_load %arg6[%swap3A, %swap3A_402] {strides = array<i32>} : memref<40x1024xi32, #tpu.memory_space<vmem>>, vector<16xi32>,
      tpu.vector_store %arg6[%swap3A, %swap3A_402], %broadcast_in_dim3A_23 {strides = array<i32>} : memref<40x1024xi32, #tpu.memory_space<vmem>>, vector<16xi32>,
      %swap3A_404 = arith.index_cast %scan3A_401 : i32 to index
      %swap3A_405 = arith.constant 16 : index
      %swap3A_406 = tpu.vector_load %arg6[%swap3A_404, %swap3A_405] {strides = array<i32>} : memref<40x1024xi32, #tpu.memory_space<vmem>>, vector<16xi32>,
      tpu.vector_store %arg6[%swap3A_404, %swap3A_405], %broadcast_in_dim3A_23 {strides = array<i32>} : memref<40x1024xi32, #tpu.memory_space<vmem>>, vector<16xi32>,
      %swap3A_407 = arith.index_cast %scan3A_401 : i32 to index
      %swap3A_408 = arith.constant 32 : index
      %swap3A_409 = tpu.vector_load %arg6[%swap3A_407, %swap3A_408] {strides = array<i32>} : memref<40x1024xi32, #tpu.memory_space<vmem>>, vector<16xi32>,
      tpu.vector_store %arg6[%swap3A_407, %swap3A_408], %broadcast_in_dim3A_23 {strides = array<i32>} : memref<40x1024xi32, #tpu.memory_space<vmem>>, vector<16xi32>,
      %swap3A_410 = arith.index_cast %scan3A_401 : i32 to index
      %swap3A_411 = arith.constant 48 : index
      %swap3A_412 = tpu.vector_load %arg6[%swap3A_410, %swap3A_411] {strides = array<i32>} : memref<40x1024xi32, #tpu.memory_space<vmem>>, vector<16xi32>,
      tpu.vector_store %arg6[%swap3A_410, %swap3A_411], %broadcast_in_dim3A_23 {strides = array<i32>} : memref<40x1024xi32, #tpu.memory_space<vmem>>, vector<16xi32>,
      %swap3A_413 = arith.index_cast %scan3A_401 : i32 to index
      %swap3A_414 = arith.constant 64 : index
      %swap3A_415 = tpu.vector_load %arg6[%swap3A_413, %swap3A_414] {strides = array<i32>} : memref<40x1024xi32, #tpu.memory_space<vmem>>, vector<16xi32>,
      tpu.vector_store %arg6[%swap3A_413, %swap3A_414], %broadcast_in_dim3A_23 {strides = array<i32>} : memref<40x1024xi32, #tpu.memory_space<vmem>>, vector<16xi32>,
      %swap3A_416 = arith.index_cast %scan3A_401 : i32 to index
      %swap3A_417 = arith.constant 80 : index
      %swap3A_418 = tpu.vector_load %arg6[%swap3A_416, %swap3A_417] {strides = array<i32>} : memref<40x1024xi32, #tpu.memory_space<vmem>>, vector<16xi32>,
      tpu.vector_store %arg6[%swap3A_416, %swap3A_417], %broadcast_in_dim3A_23 {strides = array<i32>} : memref<40x1024xi32, #tpu.memory_space<vmem>>, vector<16xi32>,
      %swap3A_419 = arith.index_cast %scan3A_401 : i32 to index
      %swap3A_420 = arith.constant 96 : index
      %swap3A_421 = tpu.vector_load %arg6[%swap3A_419, %swap3A_420] {strides = array<i32>} : memref<40x1024xi32, #tpu.memory_space<vmem>>, vector<16xi32>,
      tpu.vector_store %arg6[%swap3A_419, %swap3A_420], %broadcast_in_dim3A_23 {strides = array<i32>} : memref<40x1024xi32, #tpu.memory_space<vmem>>, vector<16xi32>,
      %swap3A_422 = arith.index_cast %scan3A_401 : i32 to index
      %swap3A_423 = arith.constant 112 : index
      %swap3A_424 = tpu.vector_load %arg6[%swap3A_422, %swap3A_423] {strides = array<i32>} : memref<40x1024xi32, #tpu.memory_space<vmem>>, vector<16xi32>,
      tpu.vector_store %arg6[%swap3A_422, %swap3A_423], %broadcast_in_dim3A_23 {strides = array<i32>} : memref<40x1024xi32, #tpu.memory_space<vmem>>, vector<16xi32>,
      %swap3A_425 = arith.index_cast %scan3A_401 : i32 to index
      %swap3A_426 = arith.constant 128 : index
      %swap3A_427 = tpu.vector_load %arg6[%swap3A_425, %swap3A_426] {strides = array<i32>} : memref<40x1024xi32, #tpu.memory_space<vmem>>, vector<16xi32>,
      tpu.vector_store %arg6[%swap3A_425, %swap3A_426], %broadcast_in_dim3A_23 {strides = array<i32>} : memref<40x1024xi32, #tpu.memory_space<vmem>>, vector<16xi32>,
      %swap3A_428 = arith.index_cast %scan3A_401 : i32 to index
      %swap3A_429 = arith.constant 144 : index
      %swap3A_430 = tpu.vector_load %arg6[%swap3A_428, %swap3A_429] {strides = array<i32>} : memref<40x1024xi32, #tpu.memory_space<vmem>>, vector<16xi32>,
      tpu.vector_store %arg6[%swap3A_428, %swap3A_429], %broadcast_in_dim3A_23 {strides = array<i32>} : memref<40x1024xi32, #tpu.memory_space<vmem>>, vector<16xi32>,
      %swap3A_431 = arith.index_cast %scan3A_401 : i32 to index
      %swap3A_432 = arith.constant 160 : index
      %swap3A_433 = tpu.vector_load %arg6[%swap3A_431, %swap3A_432] {strides = array<i32>} : memref<40x1024xi32, #tpu.memory_space<vmem>>, vector<16xi32>,
      tpu.vector_store %arg6[%swap3A_431, %swap3A_432], %broadcast_in_dim3A_23 {strides = array<i32>} : memref<40x1024xi32, #tpu.memory_space<vmem>>, vector<16xi32>,
      %swap3A_434 = arith.index_cast %scan3A_401 : i32 to index
      %swap3A_435 = arith.constant 176 : index
      %swap3A_436 = tpu.vector_load %arg6[%swap3A_434, %swap3A_435] {strides = array<i32>} : memref<40x1024xi32, #tpu.memory_space<vmem>>, vector<16xi32>,
      tpu.vector_store %arg6[%swap3A_434, %swap3A_435], %broadcast_in_dim3A_23 {strides = array<i32>} : memref<40x1024xi32, #tpu.memory_space<vmem>>, vector<16xi32>,
      %swap3A_437 = arith.index_cast %scan3A_401 : i32 to index
      %swap3A_438 = arith.constant 192 : index
      %swap3A_439 = tpu.vector_load %arg6[%swap3A_437, %swap3A_438] {strides = array<i32>} : memref<40x1024xi32, #tpu.memory_space<vmem>>, vector<16xi32>,
      tpu.vector_store %arg6[%swap3A_437, %swap3A_438], %broadcast_in_dim3A_23 {strides = array<i32>} : memref<40x1024xi32, #tpu.memory_space<vmem>>, vector<16xi32>,
      %swap3A_440 = arith.index_cast %scan3A_401 : i32 to index
      %swap3A_441 = arith.constant 208 : index
      %swap3A_442 = tpu.vector_load %arg6[%swap3A_440, %swap3A_441] {strides = array<i32>} : memref<40x1024xi32, #tpu.memory_space<vmem>>, vector<16xi32>,
      tpu.vector_store %arg6[%swap3A_440, %swap3A_441], %broadcast_in_dim3A_23 {strides = array<i32>} : memref<40x1024xi32, #tpu.memory_space<vmem>>, vector<16xi32>,
      %swap3A_443 = arith.index_cast %scan3A_401 : i32 to index
      %swap3A_444 = arith.constant 224 : index
      %swap3A_445 = tpu.vector_load %arg6[%swap3A_443, %swap3A_444] {strides = array<i32>} : memref<40x1024xi32, #tpu.memory_space<vmem>>, vector<16xi32>,
      tpu.vector_store %arg6[%swap3A_443, %swap3A_444], %broadcast_in_dim3A_23 {strides = array<i32>} : memref<40x1024xi32, #tpu.memory_space<vmem>>, vector<16xi32>,
      %swap3A_446 = arith.index_cast %scan3A_401 : i32 to index
      %swap3A_447 = arith.constant 240 : index
      %swap3A_448 = tpu.vector_load %arg6[%swap3A_446, %swap3A_447] {strides = array<i32>} : memref<40x1024xi32, #tpu.memory_space<vmem>>, vector<16xi32>,
      tpu.vector_store %arg6[%swap3A_446, %swap3A_447], %broadcast_in_dim3A_23 {strides = array<i32>} : memref<40x1024xi32, #tpu.memory_space<vmem>>, vector<16xi32>,
      %swap3A_449 = arith.index_cast %scan3A_401 : i32 to index
      %swap3A_450 = arith.constant 256 : index
      %swap3A_451 = tpu.vector_load %arg6[%swap3A_449, %swap3A_450] {strides = array<i32>} : memref<40x1024xi32, #tpu.memory_space<vmem>>, vector<16xi32>,
      tpu.vector_store %arg6[%swap3A_449, %swap3A_450], %broadcast_in_dim3A_23 {strides = array<i32>} : memref<40x1024xi32, #tpu.memory_space<vmem>>, vector<16xi32>,
      %swap3A_452 = arith.index_cast %scan3A_401 : i32 to index
      %swap3A_453 = arith.constant 272 : index
      %swap3A_454 = tpu.vector_load %arg6[%swap3A_452, %swap3A_453] {strides = array<i32>} : memref<40x1024xi32, #tpu.memory_space<vmem>>, vector<16xi32>,
      tpu.vector_store %arg6[%swap3A_452, %swap3A_453], %broadcast_in_dim3A_23 {strides = array<i32>} : memref<40x1024xi32, #tpu.memory_space<vmem>>, vector<16xi32>,
      %swap3A_455 = arith.index_cast %scan3A_401 : i32 to index
      %swap3A_456 = arith.constant 288 : index
      %swap3A_457 = tpu.vector_load %arg6[%swap3A_455, %swap3A_456] {strides = array<i32>} : memref<40x1024xi32, #tpu.memory_space<vmem>>, vector<16xi32>,
      tpu.vector_store %arg6[%swap3A_455, %swap3A_456], %broadcast_in_dim3A_23 {strides = array<i32>} : memref<40x1024xi32, #tpu.memory_space<vmem>>, vector<16xi32>,
      %swap3A_458 = arith.index_cast %scan3A_401 : i32 to index
      %swap3A_459 = arith.constant 304 : index
      %swap3A_460 = tpu.vector_load %arg6[%swap3A_458, %swap3A_459] {strides = array<i32>} : memref<40x1024xi32, #tpu.memory_space<vmem>>, vector<16xi32>,
      tpu.vector_store %arg6[%swap3A_458, %swap3A_459], %broadcast_in_dim3A_23 {strides = array<i32>} : memref<40x1024xi32, #tpu.memory_space<vmem>>, vector<16xi32>,
      %swap3A_461 = arith.index_cast %scan3A_401 : i32 to index
      %swap3A_462 = arith.constant 320 : index
      %swap3A_463 = tpu.vector_load %arg6[%swap3A_461, %swap3A_462] {strides = array<i32>} : memref<40x1024xi32, #tpu.memory_space<vmem>>, vector<16xi32>,
      tpu.vector_store %arg6[%swap3A_461, %swap3A_462], %broadcast_in_dim3A_23 {strides = array<i32>} : memref<40x1024xi32, #tpu.memory_space<vmem>>, vector<16xi32>,
      %swap3A_464 = arith.index_cast %scan3A_401 : i32 to index
      %swap3A_465 = arith.constant 336 : index
      %swap3A_466 = tpu.vector_load %arg6[%swap3A_464, %swap3A_465] {strides = array<i32>} : memref<40x1024xi32, #tpu.memory_space<vmem>>, vector<16xi32>,
      tpu.vector_store %arg6[%swap3A_464, %swap3A_465], %broadcast_in_dim3A_23 {strides = array<i32>} : memref<40x1024xi32, #tpu.memory_space<vmem>>, vector<16xi32>,
      %swap3A_467 = arith.index_cast %scan3A_401 : i32 to index
      %swap3A_468 = arith.constant 352 : index
      %swap3A_469 = tpu.vector_load %arg6[%swap3A_467, %swap3A_468] {strides = array<i32>} : memref<40x1024xi32, #tpu.memory_space<vmem>>, vector<16xi32>,
      tpu.vector_store %arg6[%swap3A_467, %swap3A_468], %broadcast_in_dim3A_23 {strides = array<i32>} : memref<40x1024xi32, #tpu.memory_space<vmem>>, vector<16xi32>,
      %swap3A_470 = arith.index_cast %scan3A_401 : i32 to index
      %swap3A_471 = arith.constant 368 : index
      %swap3A_472 = tpu.vector_load %arg6[%swap3A_470, %swap3A_471] {strides = array<i32>} : memref<40x1024xi32, #tpu.memory_space<vmem>>, vector<16xi32>,
      tpu.vector_store %arg6[%swap3A_470, %swap3A_471], %broadcast_in_dim3A_23 {strides = array<i32>} : memref<40x1024xi32, #tpu.memory_space<vmem>>, vector<16xi32>,
      %swap3A_473 = arith.index_cast %scan3A_401 : i32 to index
      %swap3A_474 = arith.constant 384 : index
      %swap3A_475 = tpu.vector_load %arg6[%swap3A_473, %swap3A_474] {strides = array<i32>} : memref<40x1024xi32, #tpu.memory_space<vmem>>, vector<16xi32>,
      tpu.vector_store %arg6[%swap3A_473, %swap3A_474], %broadcast_in_dim3A_23 {strides = array<i32>} : memref<40x1024xi32, #tpu.memory_space<vmem>>, vector<16xi32>,
      %swap3A_476 = arith.index_cast %scan3A_401 : i32 to index
      %swap3A_477 = arith.constant 400 : index
      %swap3A_478 = tpu.vector_load %arg6[%swap3A_476, %swap3A_477] {strides = array<i32>} : memref<40x1024xi32, #tpu.memory_space<vmem>>, vector<16xi32>,
      tpu.vector_store %arg6[%swap3A_476, %swap3A_477], %broadcast_in_dim3A_23 {strides = array<i32>} : memref<40x1024xi32, #tpu.memory_space<vmem>>, vector<16xi32>,
      %swap3A_479 = arith.index_cast %scan3A_401 : i32 to index
      %swap3A_480 = arith.constant 416 : index
      %swap3A_481 = tpu.vector_load %arg6[%swap3A_479, %swap3A_480] {strides = array<i32>} : memref<40x1024xi32, #tpu.memory_space<vmem>>, vector<16xi32>,
      tpu.vector_store %arg6[%swap3A_479, %swap3A_480], %broadcast_in_dim3A_23 {strides = array<i32>} : memref<40x1024xi32, #tpu.memory_space<vmem>>, vector<16xi32>,
      %swap3A_482 = arith.index_cast %scan3A_401 : i32 to index
      %swap3A_483 = arith.constant 432 : index
      %swap3A_484 = tpu.vector_load %arg6[%swap3A_482, %swap3A_483] {strides = array<i32>} : memref<40x1024xi32, #tpu.memory_space<vmem>>, vector<16xi32>,
      tpu.vector_store %arg6[%swap3A_482, %swap3A_483], %broadcast_in_dim3A_23 {strides = array<i32>} : memref<40x1024xi32, #tpu.memory_space<vmem>>, vector<16xi32>,
      %swap3A_485 = arith.index_cast %scan3A_401 : i32 to index
      %swap3A_486 = arith.constant 448 : index
      %swap3A_487 = tpu.vector_load %arg6[%swap3A_485, %swap3A_486] {strides = array<i32>} : memref<40x1024xi32, #tpu.memory_space<vmem>>, vector<16xi32>,
      tpu.vector_store %arg6[%swap3A_485, %swap3A_486], %broadcast_in_dim3A_23 {strides = array<i32>} : memref<40x1024xi32, #tpu.memory_space<vmem>>, vector<16xi32>,
      %swap3A_488 = arith.index_cast %scan3A_401 : i32 to index
      %swap3A_489 = arith.constant 464 : index
      %swap3A_490 = tpu.vector_load %arg6[%swap3A_488, %swap3A_489] {strides = array<i32>} : memref<40x1024xi32, #tpu.memory_space<vmem>>, vector<16xi32>,
      tpu.vector_store %arg6[%swap3A_488, %swap3A_489], %broadcast_in_dim3A_23 {strides = array<i32>} : memref<40x1024xi32, #tpu.memory_space<vmem>>, vector<16xi32>,
      %swap3A_491 = arith.index_cast %scan3A_401 : i32 to index
      %swap3A_492 = arith.constant 480 : index
      %swap3A_493 = tpu.vector_load %arg6[%swap3A_491, %swap3A_492] {strides = array<i32>} : memref<40x1024xi32, #tpu.memory_space<vmem>>, vector<16xi32>,
      tpu.vector_store %arg6[%swap3A_491, %swap3A_492], %broadcast_in_dim3A_23 {strides = array<i32>} : memref<40x1024xi32, #tpu.memory_space<vmem>>, vector<16xi32>,
      %swap3A_494 = arith.index_cast %scan3A_401 : i32 to index
      %swap3A_495 = arith.constant 496 : index
      %swap3A_496 = tpu.vector_load %arg6[%swap3A_494, %swap3A_495] {strides = array<i32>} : memref<40x1024xi32, #tpu.memory_space<vmem>>, vector<16xi32>,
      tpu.vector_store %arg6[%swap3A_494, %swap3A_495], %broadcast_in_dim3A_23 {strides = array<i32>} : memref<40x1024xi32, #tpu.memory_space<vmem>>, vector<16xi32>,
      %swap3A_497 = arith.index_cast %scan3A_401 : i32 to index
      %swap3A_498 = arith.constant 512 : index
      %swap3A_499 = tpu.vector_load %arg6[%swap3A_497, %swap3A_498] {strides = array<i32>} : memref<40x1024xi32, #tpu.memory_space<vmem>>, vector<16xi32>,
      tpu.vector_store %arg6[%swap3A_497, %swap3A_498], %broadcast_in_dim3A_23 {strides = array<i32>} : memref<40x1024xi32, #tpu.memory_space<vmem>>, vector<16xi32>,
      %swap3A_500 = arith.index_cast %scan3A_401 : i32 to index
      %swap3A_501 = arith.constant 528 : index
      %swap3A_502 = tpu.vector_load %arg6[%swap3A_500, %swap3A_501] {strides = array<i32>} : memref<40x1024xi32, #tpu.memory_space<vmem>>, vector<16xi32>,
      tpu.vector_store %arg6[%swap3A_500, %swap3A_501], %broadcast_in_dim3A_23 {strides = array<i32>} : memref<40x1024xi32, #tpu.memory_space<vmem>>, vector<16xi32>,
      %swap3A_503 = arith.index_cast %scan3A_401 : i32 to index
      %swap3A_504 = arith.constant 544 : index
      %swap3A_505 = tpu.vector_load %arg6[%swap3A_503, %swap3A_504] {strides = array<i32>} : memref<40x1024xi32, #tpu.memory_space<vmem>>, vector<16xi32>,
      tpu.vector_store %arg6[%swap3A_503, %swap3A_504], %broadcast_in_dim3A_23 {strides = array<i32>} : memref<40x1024xi32, #tpu.memory_space<vmem>>, vector<16xi32>,
      %swap3A_506 = arith.index_cast %scan3A_401 : i32 to index
      %swap3A_507 = arith.constant 560 : index
      %swap3A_508 = tpu.vector_load %arg6[%swap3A_506, %swap3A_507] {strides = array<i32>} : memref<40x1024xi32, #tpu.memory_space<vmem>>, vector<16xi32>,
      tpu.vector_store %arg6[%swap3A_506, %swap3A_507], %broadcast_in_dim3A_23 {strides = array<i32>} : memref<40x1024xi32, #tpu.memory_space<vmem>>, vector<16xi32>,
      %swap3A_509 = arith.index_cast %scan3A_401 : i32 to index
      %swap3A_510 = arith.constant 576 : index
      %swap3A_511 = tpu.vector_load %arg6[%swap3A_509, %swap3A_510] {strides = array<i32>} : memref<40x1024xi32, #tpu.memory_space<vmem>>, vector<16xi32>,
      tpu.vector_store %arg6[%swap3A_509, %swap3A_510], %broadcast_in_dim3A_23 {strides = array<i32>} : memref<40x1024xi32, #tpu.memory_space<vmem>>, vector<16xi32>,
      %swap3A_512 = arith.index_cast %scan3A_401 : i32 to index
      %swap3A_513 = arith.constant 592 : index
      %swap3A_514 = tpu.vector_load %arg6[%swap3A_512, %swap3A_513] {strides = array<i32>} : memref<40x1024xi32, #tpu.memory_space<vmem>>, vector<16xi32>,
      tpu.vector_store %arg6[%swap3A_512, %swap3A_513], %broadcast_in_dim3A_23 {strides = array<i32>} : memref<40x1024xi32, #tpu.memory_space<vmem>>, vector<16xi32>,
      %swap3A_515 = arith.index_cast %scan3A_401 : i32 to index
      %swap3A_516 = arith.constant 608 : index
      %swap3A_517 = tpu.vector_load %arg6[%swap3A_515, %swap3A_516] {strides = array<i32>} : memref<40x1024xi32, #tpu.memory_space<vmem>>, vector<16xi32>,
      tpu.vector_store %arg6[%swap3A_515, %swap3A_516], %broadcast_in_dim3A_23 {strides = array<i32>} : memref<40x1024xi32, #tpu.memory_space<vmem>>, vector<16xi32>,
      %swap3A_518 = arith.index_cast %scan3A_401 : i32 to index
      %swap3A_519 = arith.constant 624 : index
      %swap3A_520 = tpu.vector_load %arg6[%swap3A_518, %swap3A_519] {strides = array<i32>} : memref<40x1024xi32, #tpu.memory_space<vmem>>, vector<16xi32>,
      tpu.vector_store %arg6[%swap3A_518, %swap3A_519], %broadcast_in_dim3A_23 {strides = array<i32>} : memref<40x1024xi32, #tpu.memory_space<vmem>>, vector<16xi32>,
      %swap3A_521 = arith.index_cast %scan3A_401 : i32 to index
      %swap3A_522 = arith.constant 640 : index
      %swap3A_523 = tpu.vector_load %arg6[%swap3A_521, %swap3A_522] {strides = array<i32>} : memref<40x1024xi32, #tpu.memory_space<vmem>>, vector<16xi32>,
      tpu.vector_store %arg6[%swap3A_521, %swap3A_522], %broadcast_in_dim3A_23 {strides = array<i32>} : memref<40x1024xi32, #tpu.memory_space<vmem>>, vector<16xi32>,
      %swap3A_524 = arith.index_cast %scan3A_401 : i32 to index
      %swap3A_525 = arith.constant 656 : index
      %swap3A_526 = tpu.vector_load %arg6[%swap3A_524, %swap3A_525] {strides = array<i32>} : memref<40x1024xi32, #tpu.memory_space<vmem>>, vector<16xi32>,
      tpu.vector_store %arg6[%swap3A_524, %swap3A_525], %broadcast_in_dim3A_23 {strides = array<i32>} : memref<40x1024xi32, #tpu.memory_space<vmem>>, vector<16xi32>,
      %swap3A_527 = arith.index_cast %scan3A_401 : i32 to index
      %swap3A_528 = arith.constant 672 : index
      %swap3A_529 = tpu.vector_load %arg6[%swap3A_527, %swap3A_528] {strides = array<i32>} : memref<40x1024xi32, #tpu.memory_space<vmem>>, vector<16xi32>,
      tpu.vector_store %arg6[%swap3A_527, %swap3A_528], %broadcast_in_dim3A_23 {strides = array<i32>} : memref<40x1024xi32, #tpu.memory_space<vmem>>, vector<16xi32>,
      %swap3A_530 = arith.index_cast %scan3A_401 : i32 to index
      %swap3A_531 = arith.constant 688 : index
      %swap3A_532 = tpu.vector_load %arg6[%swap3A_530, %swap3A_531] {strides = array<i32>} : memref<40x1024xi32, #tpu.memory_space<vmem>>, vector<16xi32>,
      tpu.vector_store %arg6[%swap3A_530, %swap3A_531], %broadcast_in_dim3A_23 {strides = array<i32>} : memref<40x1024xi32, #tpu.memory_space<vmem>>, vector<16xi32>,
      %swap3A_533 = arith.index_cast %scan3A_401 : i32 to index
      %swap3A_534 = arith.constant 704 : index
      %swap3A_535 = tpu.vector_load %arg6[%swap3A_533, %swap3A_534] {strides = array<i32>} : memref<40x1024xi32, #tpu.memory_space<vmem>>, vector<16xi32>,
      tpu.vector_store %arg6[%swap3A_533, %swap3A_534], %broadcast_in_dim3A_23 {strides = array<i32>} : memref<40x1024xi32, #tpu.memory_space<vmem>>, vector<16xi32>,
      %swap3A_536 = arith.index_cast %scan3A_401 : i32 to index
      %swap3A_537 = arith.constant 720 : index
      %swap3A_538 = tpu.vector_load %arg6[%swap3A_536, %swap3A_537] {strides = array<i32>} : memref<40x1024xi32, #tpu.memory_space<vmem>>, vector<16xi32>,
      tpu.vector_store %arg6[%swap3A_536, %swap3A_537], %broadcast_in_dim3A_23 {strides = array<i32>} : memref<40x1024xi32, #tpu.memory_space<vmem>>, vector<16xi32>,
      %swap3A_539 = arith.index_cast %scan3A_401 : i32 to index
      %swap3A_540 = arith.constant 736 : index
      %swap3A_541 = tpu.vector_load %arg6[%swap3A_539, %swap3A_540] {strides = array<i32>} : memref<40x1024xi32, #tpu.memory_space<vmem>>, vector<16xi32>,
      tpu.vector_store %arg6[%swap3A_539, %swap3A_540], %broadcast_in_dim3A_23 {strides = array<i32>} : memref<40x1024xi32, #tpu.memory_space<vmem>>, vector<16xi32>,
      %swap3A_542 = arith.index_cast %scan3A_401 : i32 to index
      %swap3A_543 = arith.constant 752 : index
      %swap3A_544 = tpu.vector_load %arg6[%swap3A_542, %swap3A_543] {strides = array<i32>} : memref<40x1024xi32, #tpu.memory_space<vmem>>, vector<16xi32>,
      tpu.vector_store %arg6[%swap3A_542, %swap3A_543], %broadcast_in_dim3A_23 {strides = array<i32>} : memref<40x1024xi32, #tpu.memory_space<vmem>>, vector<16xi32>,
      %swap3A_545 = arith.index_cast %scan3A_401 : i32 to index
      %swap3A_546 = arith.constant 768 : index
      %swap3A_547 = tpu.vector_load %arg6[%swap3A_545, %swap3A_546] {strides = array<i32>} : memref<40x1024xi32, #tpu.memory_space<vmem>>, vector<16xi32>,
      tpu.vector_store %arg6[%swap3A_545, %swap3A_546], %broadcast_in_dim3A_23 {strides = array<i32>} : memref<40x1024xi32, #tpu.memory_space<vmem>>, vector<16xi32>,
      %swap3A_548 = arith.index_cast %scan3A_401 : i32 to index
      %swap3A_549 = arith.constant 784 : index
      %swap3A_550 = tpu.vector_load %arg6[%swap3A_548, %swap3A_549] {strides = array<i32>} : memref<40x1024xi32, #tpu.memory_space<vmem>>, vector<16xi32>,
      tpu.vector_store %arg6[%swap3A_548, %swap3A_549], %broadcast_in_dim3A_23 {strides = array<i32>} : memref<40x1024xi32, #tpu.memory_space<vmem>>, vector<16xi32>,
      %swap3A_551 = arith.index_cast %scan3A_401 : i32 to index
      %swap3A_552 = arith.constant 800 : index
      %swap3A_553 = tpu.vector_load %arg6[%swap3A_551, %swap3A_552] {strides = array<i32>} : memref<40x1024xi32, #tpu.memory_space<vmem>>, vector<16xi32>,
      tpu.vector_store %arg6[%swap3A_551, %swap3A_552], %broadcast_in_dim3A_23 {strides = array<i32>} : memref<40x1024xi32, #tpu.memory_space<vmem>>, vector<16xi32>,
      %swap3A_554 = arith.index_cast %scan3A_401 : i32 to index
      %swap3A_555 = arith.constant 816 : index
      %swap3A_556 = tpu.vector_load %arg6[%swap3A_554, %swap3A_555] {strides = array<i32>} : memref<40x1024xi32, #tpu.memory_space<vmem>>, vector<16xi32>,
      tpu.vector_store %arg6[%swap3A_554, %swap3A_555], %broadcast_in_dim3A_23 {strides = array<i32>} : memref<40x1024xi32, #tpu.memory_space<vmem>>, vector<16xi32>,
      %swap3A_557 = arith.index_cast %scan3A_401 : i32 to index
      %swap3A_558 = arith.constant 832 : index
      %swap3A_559 = tpu.vector_load %arg6[%swap3A_557, %swap3A_558] {strides = array<i32>} : memref<40x1024xi32, #tpu.memory_space<vmem>>, vector<16xi32>,
      tpu.vector_store %arg6[%swap3A_557, %swap3A_558], %broadcast_in_dim3A_23 {strides = array<i32>} : memref<40x1024xi32, #tpu.memory_space<vmem>>, vector<16xi32>,
      %swap3A_560 = arith.index_cast %scan3A_401 : i32 to index
      %swap3A_561 = arith.constant 848 : index
      %swap3A_562 = tpu.vector_load %arg6[%swap3A_560, %swap3A_561] {strides = array<i32>} : memref<40x1024xi32, #tpu.memory_space<vmem>>, vector<16xi32>,
      tpu.vector_store %arg6[%swap3A_560, %swap3A_561], %broadcast_in_dim3A_23 {strides = array<i32>} : memref<40x1024xi32, #tpu.memory_space<vmem>>, vector<16xi32>,
      %swap3A_563 = arith.index_cast %scan3A_401 : i32 to index
      %swap3A_564 = arith.constant 864 : index
      %swap3A_565 = tpu.vector_load %arg6[%swap3A_563, %swap3A_564] {strides = array<i32>} : memref<40x1024xi32, #tpu.memory_space<vmem>>, vector<16xi32>,
      tpu.vector_store %arg6[%swap3A_563, %swap3A_564], %broadcast_in_dim3A_23 {strides = array<i32>} : memref<40x1024xi32, #tpu.memory_space<vmem>>, vector<16xi32>,
      %swap3A_566 = arith.index_cast %scan3A_401 : i32 to index
      %swap3A_567 = arith.constant 880 : index
      %swap3A_568 = tpu.vector_load %arg6[%swap3A_566, %swap3A_567] {strides = array<i32>} : memref<40x1024xi32, #tpu.memory_space<vmem>>, vector<16xi32>,
      tpu.vector_store %arg6[%swap3A_566, %swap3A_567], %broadcast_in_dim3A_23 {strides = array<i32>} : memref<40x1024xi32, #tpu.memory_space<vmem>>, vector<16xi32>,
      %swap3A_569 = arith.index_cast %scan3A_401 : i32 to index
      %swap3A_570 = arith.constant 896 : index
      %swap3A_571 = tpu.vector_load %arg6[%swap3A_569, %swap3A_570] {strides = array<i32>} : memref<40x1024xi32, #tpu.memory_space<vmem>>, vector<16xi32>,
      tpu.vector_store %arg6[%swap3A_569, %swap3A_570], %broadcast_in_dim3A_23 {strides = array<i32>} : memref<40x1024xi32, #tpu.memory_space<vmem>>, vector<16xi32>,
      %swap3A_572 = arith.index_cast %scan3A_401 : i32 to index
      %swap3A_573 = arith.constant 912 : index
      %swap3A_574 = tpu.vector_load %arg6[%swap3A_572, %swap3A_573] {strides = array<i32>} : memref<40x1024xi32, #tpu.memory_space<vmem>>, vector<16xi32>,
      tpu.vector_store %arg6[%swap3A_572, %swap3A_573], %broadcast_in_dim3A_23 {strides = array<i32>} : memref<40x1024xi32, #tpu.memory_space<vmem>>, vector<16xi32>,
      %swap3A_575 = arith.index_cast %scan3A_401 : i32 to index
      %swap3A_576 = arith.constant 928 : index
      %swap3A_577 = tpu.vector_load %arg6[%swap3A_575, %swap3A_576] {strides = array<i32>} : memref<40x1024xi32, #tpu.memory_space<vmem>>, vector<16xi32>,
      tpu.vector_store %arg6[%swap3A_575, %swap3A_576], %broadcast_in_dim3A_23 {strides = array<i32>} : memref<40x1024xi32, #tpu.memory_space<vmem>>, vector<16xi32>,
      %swap3A_578 = arith.index_cast %scan3A_401 : i32 to index
      %swap3A_579 = arith.constant 944 : index
      %swap3A_580 = tpu.vector_load %arg6[%swap3A_578, %swap3A_579] {strides = array<i32>} : memref<40x1024xi32, #tpu.memory_space<vmem>>, vector<16xi32>,
      tpu.vector_store %arg6[%swap3A_578, %swap3A_579], %broadcast_in_dim3A_23 {strides = array<i32>} : memref<40x1024xi32, #tpu.memory_space<vmem>>, vector<16xi32>,
      %swap3A_581 = arith.index_cast %scan3A_401 : i32 to index
      %swap3A_582 = arith.constant 960 : index
      %swap3A_583 = tpu.vector_load %arg6[%swap3A_581, %swap3A_582] {strides = array<i32>} : memref<40x1024xi32, #tpu.memory_space<vmem>>, vector<16xi32>,
      tpu.vector_store %arg6[%swap3A_581, %swap3A_582], %broadcast_in_dim3A_23 {strides = array<i32>} : memref<40x1024xi32, #tpu.memory_space<vmem>>, vector<16xi32>,
      %swap3A_584 = arith.index_cast %scan3A_401 : i32 to index
      %swap3A_585 = arith.constant 976 : index
      %swap3A_586 = tpu.vector_load %arg6[%swap3A_584, %swap3A_585] {strides = array<i32>} : memref<40x1024xi32, #tpu.memory_space<vmem>>, vector<16xi32>,
      tpu.vector_store %arg6[%swap3A_584, %swap3A_585], %broadcast_in_dim3A_23 {strides = array<i32>} : memref<40x1024xi32, #tpu.memory_space<vmem>>, vector<16xi32>,
      %swap3A_587 = arith.index_cast %scan3A_401 : i32 to index
      %swap3A_588 = arith.constant 992 : index
      %swap3A_589 = tpu.vector_load %arg6[%swap3A_587, %swap3A_588] {strides = array<i32>} : memref<40x1024xi32, #tpu.memory_space<vmem>>, vector<16xi32>,
      tpu.vector_store %arg6[%swap3A_587, %swap3A_588], %broadcast_in_dim3A_23 {strides = array<i32>} : memref<40x1024xi32, #tpu.memory_space<vmem>>, vector<16xi32>,
      %swap3A_590 = arith.index_cast %scan3A_401 : i32 to index
      %swap3A_591 = arith.constant 1008 : index
      %swap3A_592 = tpu.vector_load %arg6[%swap3A_590, %swap3A_591] {strides = array<i32>} : memref<40x1024xi32, #tpu.memory_space<vmem>>, vector<16xi32>,
      tpu.vector_store %arg6[%swap3A_590, %swap3A_591], %broadcast_in_dim3A_23 {strides = array<i32>} : memref<40x1024xi32, #tpu.memory_space<vmem>>, vector<16xi32>,
    }
    %scan3A_85 = arith.constant 40 : i32
    %add3A_86 = arith.constant 1 : i32
    %add3A_87 = arith.addi %add3A_4, %add3A_86 : i32
    %jit3A_88 = arith.constant 25 : i32
    %div3A_89 = arith.divsi %add3A_87, %jit3A_88 : i32
    %sign3A_90 = arith.constant 0 : i32
    %sign3A_91 = arith.cmpi sgt, %add3A_87, %sign3A_90 : i32
    %sign3A_92 = arith.extui %sign3A_91 : i1 to i32
    %sign3A_93 = arith.constant 0 : i32
    %sign3A_94 = arith.cmpi slt, %add3A_87, %sign3A_93 : i32
    %sign3A_95 = arith.extui %sign3A_94 : i1 to i32
    %sign3A_96 = arith.subi %sign3A_92, %sign3A_95 : i32
    %sign3A_97 = arith.constant 0 : i32
    %sign3A_98 = arith.cmpi sgt, %jit3A_88, %sign3A_97 : i32
    %sign3A_99 = arith.extui %sign3A_98 : i1 to i32
    %sign3A_100 = arith.constant 0 : i32
    %sign3A_101 = arith.cmpi slt, %jit3A_88, %sign3A_100 : i32
    %sign3A_102 = arith.extui %sign3A_101 : i1 to i32
    %sign3A_103 = arith.subi %sign3A_99, %sign3A_102 : i32
    %ne3A_104 = arith.cmpi ne, %sign3A_96, %sign3A_103 : i32
    %rem3A_105 = arith.remsi %add3A_87, %jit3A_88 : i32
    %ne3A_106 = arith.constant 0 : i32
    %ne3A_107 = arith.cmpi ne, %rem3A_105, %ne3A_106 : i32
    %and3A_108 = arith.andi %ne3A_104, %ne3A_107 : i1
    %sub3A_109 = arith.constant 1 : i32
    %sub3A_110 = arith.subi %div3A_89, %sub3A_109 : i32
    %select_n3A_111 = arith.select %and3A_108, %sub3A_110, %div3A_89 : i32
    %mul3A_112 = arith.constant 25 : i32
    %mul3A_113 = arith.muli %select_n3A_111, %mul3A_112 : i32
    %sub3A_114 = arith.subi %add3A_87, %mul3A_113 : i32
    %mul3A_115 = arith.constant 40 : i32
    %mul3A_116 = arith.muli %sub3A_114, %mul3A_115 : i32
    %sub3A_117 = arith.subi %select_n3A_111, %min3A_22 : i32
    %scan3A_118 = arith.constant 0 : i32
    %scan3A_119 = arith.constant 0 : i32
    %scan3A_120 = arith.constant 64 : i32
    %scan3A_121 = arith.addi %scan3A_119, %scan3A_120 : i32
    %scan3A_122 = arith.constant 2 : i32
    scf.for %scan3A_401 = %scan3A_119 to %scan3A_121 step %scan3A_122  : i32 {
      %mul3A_402 = arith.constant 1024 : i32
      %mul3A_403 = arith.muli %sub3A_117, %mul3A_402 : i32
      %mul3A_404 = arith.constant 16 : i32
      %mul3A_405 = arith.muli %scan3A_401, %mul3A_404 : i32
      %add3A_406 = arith.addi %mul3A_403, %mul3A_405 : i32
      %get3A = arith.index_cast %add3A_406 : i32 to index
      %get3A_407 = tpu.vector_load %arg4[%get3A] {strides = array<i32>} : memref<2048xi32, #tpu.memory_space<vmem>>, vector<16xi32>,
      %sub3A_408 = vector.broadcast %mul3A_116 : i32 to vector<16xi32>
      %sub3A_409 = arith.subi %get3A_407, %sub3A_408 : vector<16xi32>
      %ge3A = arith.constant 0 : i32
      %ge3A_410 = vector.broadcast %ge3A : i32 to vector<16xi32>
      %ge3A_411 = arith.cmpi sge, %sub3A_409, %ge3A_410 : vector<16xi32>
      %lt3A_412 = arith.constant 40 : i32
      %lt3A_413 = vector.broadcast %lt3A_412 : i32 to vector<16xi32>
      %lt3A_414 = arith.cmpi slt, %sub3A_409, %lt3A_413 : vector<16xi32>
      %and3A_415 = arith.andi %ge3A_411, %lt3A_414 : vector<16xi1>
      %mul3A_416 = arith.constant 16 : i32
      %mul3A_417 = arith.muli %scan3A_401, %mul3A_416 : i32
      %add3A_418 = vector.broadcast %mul3A_417 : i32 to vector<16xi32>
      %add3A_419 = arith.addi %add3A_418, %iota3A : vector<16xi32>
      tpu.vector_store_idx %arg6[%sub3A_409, %add3A_419], %broadcast_in_dim3A_25 masked %and3A_415 : memref<40x1024xi32, #tpu.memory_space<vmem>>[vector<16xi32>, vector<16xi32>], vector<16xi32>, vector<16xi1>
      %scan3A_420 = arith.constant 1 : i32
      %scan3A_421 = arith.addi %scan3A_401, %scan3A_420 : i32
      %mul3A_422 = arith.constant 1024 : i32
      %mul3A_423 = arith.muli %sub3A_117, %mul3A_422 : i32
      %mul3A_424 = arith.constant 16 : i32
      %mul3A_425 = arith.muli %scan3A_421, %mul3A_424 : i32
      %add3A_426 = arith.addi %mul3A_423, %mul3A_425 : i32
      %get3A_427 = arith.index_cast %add3A_426 : i32 to index
      %get3A_428 = tpu.vector_load %arg4[%get3A_427] {strides = array<i32>} : memref<2048xi32, #tpu.memory_space<vmem>>, vector<16xi32>,
      %sub3A_429 = vector.broadcast %mul3A_116 : i32 to vector<16xi32>
      %sub3A_430 = arith.subi %get3A_428, %sub3A_429 : vector<16xi32>
      %ge3A_431 = arith.constant 0 : i32
      %ge3A_432 = vector.broadcast %ge3A_431 : i32 to vector<16xi32>
      %ge3A_433 = arith.cmpi sge, %sub3A_430, %ge3A_432 : vector<16xi32>
      %lt3A_434 = arith.constant 40 : i32
      %lt3A_435 = vector.broadcast %lt3A_434 : i32 to vector<16xi32>
      %lt3A_436 = arith.cmpi slt, %sub3A_430, %lt3A_435 : vector<16xi32>
      %and3A_437 = arith.andi %ge3A_433, %lt3A_436 : vector<16xi1>
      %mul3A_438 = arith.constant 16 : i32
      %mul3A_439 = arith.muli %scan3A_421, %mul3A_438 : i32
      %add3A_440 = vector.broadcast %mul3A_439 : i32 to vector<16xi32>
      %add3A_441 = arith.addi %add3A_440, %iota3A : vector<16xi32>
      tpu.vector_store_idx %arg6[%sub3A_430, %add3A_441], %broadcast_in_dim3A_25 masked %and3A_437 : memref<40x1024xi32, #tpu.memory_space<vmem>>[vector<16xi32>, vector<16xi32>], vector<16xi32>, vector<16xi1>
    }
    %scan3A_123 = arith.constant 64 : i32
    %add3A_124 = arith.addi %sub3A_117, %min3A_22 : i32
    %dma_start3A_125 = arith.constant 0 : i32
    %dma_start3A_126 = tpu.memref_slice %arg3[%add3A_124, %mul3A_116, %dma_start3A_125] : memref<26x1000x1024xi32, #tpu.memory_space<hbm>> -> memref<1x40x1024xi32, #tpu.memory_space<hbm>>
    %dma_start3A_127 = tpu.memref_squeeze %dma_start3A_126 : memref<1x40x1024xi32, #tpu.memory_space<hbm>> -> memref<40x1024xi32, #tpu.memory_space<hbm>>
    %dma_start3A_128 = arith.constant 0 : i32
    %dma_start3A_129 = tpu.memref_slice %arg3[%add3A_124, %mul3A_116, %dma_start3A_128] : memref<26x1000x1024xi32, #tpu.memory_space<hbm>> -> memref<1x40x1024xi32, #tpu.memory_space<hbm>>
    %dma_start3A_130 = tpu.memref_squeeze %dma_start3A_129 : memref<1x40x1024xi32, #tpu.memory_space<hbm>> -> memref<40x1024xi32, #tpu.memory_space<hbm>>
    tpu.enqueue_dma source(%arg6 : memref<40x1024xi32, #tpu.memory_space<vmem>>) target(%dma_start3A_130 : memref<40x1024xi32, #tpu.memory_space<hbm>>) target_semaphore(%arg9 : memref<!tpu.dma_semaphore, #tpu.memory_space<semaphore_mem>>)
    %scan3A_131 = arith.constant 0 : i32
    %scan3A_132 = arith.constant 0 : i32
    %scan3A_133 = arith.constant 40 : i32
    %scan3A_134 = arith.addi %scan3A_132, %scan3A_133 : i32
    %scan3A_135 = arith.constant 1 : i32
    scf.for %scan3A_401 = %scan3A_132 to %scan3A_134 step %scan3A_135  : i32 {
      %swap3A = arith.index_cast %scan3A_401 : i32 to index
      %swap3A_402 = arith.constant 0 : index
      %swap3A_403 = tpu.vector_load %arg7[%swap3A, %swap3A_402] {strides = array<i32>} : memref<40x1024xi32, #tpu.memory_space<vmem>>, vector<16xi32>,
      tpu.vector_store %arg7[%swap3A, %swap3A_402], %broadcast_in_dim3A_23 {strides = array<i32>} : memref<40x1024xi32, #tpu.memory_space<vmem>>, vector<16xi32>,
      %swap3A_404 = arith.index_cast %scan3A_401 : i32 to index
      %swap3A_405 = arith.constant 16 : index
      %swap3A_406 = tpu.vector_load %arg7[%swap3A_404, %swap3A_405] {strides = array<i32>} : memref<40x1024xi32, #tpu.memory_space<vmem>>, vector<16xi32>,
      tpu.vector_store %arg7[%swap3A_404, %swap3A_405], %broadcast_in_dim3A_23 {strides = array<i32>} : memref<40x1024xi32, #tpu.memory_space<vmem>>, vector<16xi32>,
      %swap3A_407 = arith.index_cast %scan3A_401 : i32 to index
      %swap3A_408 = arith.constant 32 : index
      %swap3A_409 = tpu.vector_load %arg7[%swap3A_407, %swap3A_408] {strides = array<i32>} : memref<40x1024xi32, #tpu.memory_space<vmem>>, vector<16xi32>,
      tpu.vector_store %arg7[%swap3A_407, %swap3A_408], %broadcast_in_dim3A_23 {strides = array<i32>} : memref<40x1024xi32, #tpu.memory_space<vmem>>, vector<16xi32>,
      %swap3A_410 = arith.index_cast %scan3A_401 : i32 to index
      %swap3A_411 = arith.constant 48 : index
      %swap3A_412 = tpu.vector_load %arg7[%swap3A_410, %swap3A_411] {strides = array<i32>} : memref<40x1024xi32, #tpu.memory_space<vmem>>, vector<16xi32>,
      tpu.vector_store %arg7[%swap3A_410, %swap3A_411], %broadcast_in_dim3A_23 {strides = array<i32>} : memref<40x1024xi32, #tpu.memory_space<vmem>>, vector<16xi32>,
      %swap3A_413 = arith.index_cast %scan3A_401 : i32 to index
      %swap3A_414 = arith.constant 64 : index
      %swap3A_415 = tpu.vector_load %arg7[%swap3A_413, %swap3A_414] {strides = array<i32>} : memref<40x1024xi32, #tpu.memory_space<vmem>>, vector<16xi32>,
      tpu.vector_store %arg7[%swap3A_413, %swap3A_414], %broadcast_in_dim3A_23 {strides = array<i32>} : memref<40x1024xi32, #tpu.memory_space<vmem>>, vector<16xi32>,
      %swap3A_416 = arith.index_cast %scan3A_401 : i32 to index
      %swap3A_417 = arith.constant 80 : index
      %swap3A_418 = tpu.vector_load %arg7[%swap3A_416, %swap3A_417] {strides = array<i32>} : memref<40x1024xi32, #tpu.memory_space<vmem>>, vector<16xi32>,
      tpu.vector_store %arg7[%swap3A_416, %swap3A_417], %broadcast_in_dim3A_23 {strides = array<i32>} : memref<40x1024xi32, #tpu.memory_space<vmem>>, vector<16xi32>,
      %swap3A_419 = arith.index_cast %scan3A_401 : i32 to index
      %swap3A_420 = arith.constant 96 : index
      %swap3A_421 = tpu.vector_load %arg7[%swap3A_419, %swap3A_420] {strides = array<i32>} : memref<40x1024xi32, #tpu.memory_space<vmem>>, vector<16xi32>,
      tpu.vector_store %arg7[%swap3A_419, %swap3A_420], %broadcast_in_dim3A_23 {strides = array<i32>} : memref<40x1024xi32, #tpu.memory_space<vmem>>, vector<16xi32>,
      %swap3A_422 = arith.index_cast %scan3A_401 : i32 to index
      %swap3A_423 = arith.constant 112 : index
      %swap3A_424 = tpu.vector_load %arg7[%swap3A_422, %swap3A_423] {strides = array<i32>} : memref<40x1024xi32, #tpu.memory_space<vmem>>, vector<16xi32>,
      tpu.vector_store %arg7[%swap3A_422, %swap3A_423], %broadcast_in_dim3A_23 {strides = array<i32>} : memref<40x1024xi32, #tpu.memory_space<vmem>>, vector<16xi32>,
      %swap3A_425 = arith.index_cast %scan3A_401 : i32 to index
      %swap3A_426 = arith.constant 128 : index
      %swap3A_427 = tpu.vector_load %arg7[%swap3A_425, %swap3A_426] {strides = array<i32>} : memref<40x1024xi32, #tpu.memory_space<vmem>>, vector<16xi32>,
      tpu.vector_store %arg7[%swap3A_425, %swap3A_426], %broadcast_in_dim3A_23 {strides = array<i32>} : memref<40x1024xi32, #tpu.memory_space<vmem>>, vector<16xi32>,
      %swap3A_428 = arith.index_cast %scan3A_401 : i32 to index
      %swap3A_429 = arith.constant 144 : index
      %swap3A_430 = tpu.vector_load %arg7[%swap3A_428, %swap3A_429] {strides = array<i32>} : memref<40x1024xi32, #tpu.memory_space<vmem>>, vector<16xi32>,
      tpu.vector_store %arg7[%swap3A_428, %swap3A_429], %broadcast_in_dim3A_23 {strides = array<i32>} : memref<40x1024xi32, #tpu.memory_space<vmem>>, vector<16xi32>,
      %swap3A_431 = arith.index_cast %scan3A_401 : i32 to index
      %swap3A_432 = arith.constant 160 : index
      %swap3A_433 = tpu.vector_load %arg7[%swap3A_431, %swap3A_432] {strides = array<i32>} : memref<40x1024xi32, #tpu.memory_space<vmem>>, vector<16xi32>,
      tpu.vector_store %arg7[%swap3A_431, %swap3A_432], %broadcast_in_dim3A_23 {strides = array<i32>} : memref<40x1024xi32, #tpu.memory_space<vmem>>, vector<16xi32>,
      %swap3A_434 = arith.index_cast %scan3A_401 : i32 to index
      %swap3A_435 = arith.constant 176 : index
      %swap3A_436 = tpu.vector_load %arg7[%swap3A_434, %swap3A_435] {strides = array<i32>} : memref<40x1024xi32, #tpu.memory_space<vmem>>, vector<16xi32>,
      tpu.vector_store %arg7[%swap3A_434, %swap3A_435], %broadcast_in_dim3A_23 {strides = array<i32>} : memref<40x1024xi32, #tpu.memory_space<vmem>>, vector<16xi32>,
      %swap3A_437 = arith.index_cast %scan3A_401 : i32 to index
      %swap3A_438 = arith.constant 192 : index
      %swap3A_439 = tpu.vector_load %arg7[%swap3A_437, %swap3A_438] {strides = array<i32>} : memref<40x1024xi32, #tpu.memory_space<vmem>>, vector<16xi32>,
      tpu.vector_store %arg7[%swap3A_437, %swap3A_438], %broadcast_in_dim3A_23 {strides = array<i32>} : memref<40x1024xi32, #tpu.memory_space<vmem>>, vector<16xi32>,
      %swap3A_440 = arith.index_cast %scan3A_401 : i32 to index
      %swap3A_441 = arith.constant 208 : index
      %swap3A_442 = tpu.vector_load %arg7[%swap3A_440, %swap3A_441] {strides = array<i32>} : memref<40x1024xi32, #tpu.memory_space<vmem>>, vector<16xi32>,
      tpu.vector_store %arg7[%swap3A_440, %swap3A_441], %broadcast_in_dim3A_23 {strides = array<i32>} : memref<40x1024xi32, #tpu.memory_space<vmem>>, vector<16xi32>,
      %swap3A_443 = arith.index_cast %scan3A_401 : i32 to index
      %swap3A_444 = arith.constant 224 : index
      %swap3A_445 = tpu.vector_load %arg7[%swap3A_443, %swap3A_444] {strides = array<i32>} : memref<40x1024xi32, #tpu.memory_space<vmem>>, vector<16xi32>,
      tpu.vector_store %arg7[%swap3A_443, %swap3A_444], %broadcast_in_dim3A_23 {strides = array<i32>} : memref<40x1024xi32, #tpu.memory_space<vmem>>, vector<16xi32>,
      %swap3A_446 = arith.index_cast %scan3A_401 : i32 to index
      %swap3A_447 = arith.constant 240 : index
      %swap3A_448 = tpu.vector_load %arg7[%swap3A_446, %swap3A_447] {strides = array<i32>} : memref<40x1024xi32, #tpu.memory_space<vmem>>, vector<16xi32>,
      tpu.vector_store %arg7[%swap3A_446, %swap3A_447], %broadcast_in_dim3A_23 {strides = array<i32>} : memref<40x1024xi32, #tpu.memory_space<vmem>>, vector<16xi32>,
      %swap3A_449 = arith.index_cast %scan3A_401 : i32 to index
      %swap3A_450 = arith.constant 256 : index
      %swap3A_451 = tpu.vector_load %arg7[%swap3A_449, %swap3A_450] {strides = array<i32>} : memref<40x1024xi32, #tpu.memory_space<vmem>>, vector<16xi32>,
      tpu.vector_store %arg7[%swap3A_449, %swap3A_450], %broadcast_in_dim3A_23 {strides = array<i32>} : memref<40x1024xi32, #tpu.memory_space<vmem>>, vector<16xi32>,
      %swap3A_452 = arith.index_cast %scan3A_401 : i32 to index
      %swap3A_453 = arith.constant 272 : index
      %swap3A_454 = tpu.vector_load %arg7[%swap3A_452, %swap3A_453] {strides = array<i32>} : memref<40x1024xi32, #tpu.memory_space<vmem>>, vector<16xi32>,
      tpu.vector_store %arg7[%swap3A_452, %swap3A_453], %broadcast_in_dim3A_23 {strides = array<i32>} : memref<40x1024xi32, #tpu.memory_space<vmem>>, vector<16xi32>,
      %swap3A_455 = arith.index_cast %scan3A_401 : i32 to index
      %swap3A_456 = arith.constant 288 : index
      %swap3A_457 = tpu.vector_load %arg7[%swap3A_455, %swap3A_456] {strides = array<i32>} : memref<40x1024xi32, #tpu.memory_space<vmem>>, vector<16xi32>,
      tpu.vector_store %arg7[%swap3A_455, %swap3A_456], %broadcast_in_dim3A_23 {strides = array<i32>} : memref<40x1024xi32, #tpu.memory_space<vmem>>, vector<16xi32>,
      %swap3A_458 = arith.index_cast %scan3A_401 : i32 to index
      %swap3A_459 = arith.constant 304 : index
      %swap3A_460 = tpu.vector_load %arg7[%swap3A_458, %swap3A_459] {strides = array<i32>} : memref<40x1024xi32, #tpu.memory_space<vmem>>, vector<16xi32>,
      tpu.vector_store %arg7[%swap3A_458, %swap3A_459], %broadcast_in_dim3A_23 {strides = array<i32>} : memref<40x1024xi32, #tpu.memory_space<vmem>>, vector<16xi32>,
      %swap3A_461 = arith.index_cast %scan3A_401 : i32 to index
      %swap3A_462 = arith.constant 320 : index
      %swap3A_463 = tpu.vector_load %arg7[%swap3A_461, %swap3A_462] {strides = array<i32>} : memref<40x1024xi32, #tpu.memory_space<vmem>>, vector<16xi32>,
      tpu.vector_store %arg7[%swap3A_461, %swap3A_462], %broadcast_in_dim3A_23 {strides = array<i32>} : memref<40x1024xi32, #tpu.memory_space<vmem>>, vector<16xi32>,
      %swap3A_464 = arith.index_cast %scan3A_401 : i32 to index
      %swap3A_465 = arith.constant 336 : index
      %swap3A_466 = tpu.vector_load %arg7[%swap3A_464, %swap3A_465] {strides = array<i32>} : memref<40x1024xi32, #tpu.memory_space<vmem>>, vector<16xi32>,
      tpu.vector_store %arg7[%swap3A_464, %swap3A_465], %broadcast_in_dim3A_23 {strides = array<i32>} : memref<40x1024xi32, #tpu.memory_space<vmem>>, vector<16xi32>,
      %swap3A_467 = arith.index_cast %scan3A_401 : i32 to index
      %swap3A_468 = arith.constant 352 : index
      %swap3A_469 = tpu.vector_load %arg7[%swap3A_467, %swap3A_468] {strides = array<i32>} : memref<40x1024xi32, #tpu.memory_space<vmem>>, vector<16xi32>,
      tpu.vector_store %arg7[%swap3A_467, %swap3A_468], %broadcast_in_dim3A_23 {strides = array<i32>} : memref<40x1024xi32, #tpu.memory_space<vmem>>, vector<16xi32>,
      %swap3A_470 = arith.index_cast %scan3A_401 : i32 to index
      %swap3A_471 = arith.constant 368 : index
      %swap3A_472 = tpu.vector_load %arg7[%swap3A_470, %swap3A_471] {strides = array<i32>} : memref<40x1024xi32, #tpu.memory_space<vmem>>, vector<16xi32>,
      tpu.vector_store %arg7[%swap3A_470, %swap3A_471], %broadcast_in_dim3A_23 {strides = array<i32>} : memref<40x1024xi32, #tpu.memory_space<vmem>>, vector<16xi32>,
      %swap3A_473 = arith.index_cast %scan3A_401 : i32 to index
      %swap3A_474 = arith.constant 384 : index
      %swap3A_475 = tpu.vector_load %arg7[%swap3A_473, %swap3A_474] {strides = array<i32>} : memref<40x1024xi32, #tpu.memory_space<vmem>>, vector<16xi32>,
      tpu.vector_store %arg7[%swap3A_473, %swap3A_474], %broadcast_in_dim3A_23 {strides = array<i32>} : memref<40x1024xi32, #tpu.memory_space<vmem>>, vector<16xi32>,
      %swap3A_476 = arith.index_cast %scan3A_401 : i32 to index
      %swap3A_477 = arith.constant 400 : index
      %swap3A_478 = tpu.vector_load %arg7[%swap3A_476, %swap3A_477] {strides = array<i32>} : memref<40x1024xi32, #tpu.memory_space<vmem>>, vector<16xi32>,
      tpu.vector_store %arg7[%swap3A_476, %swap3A_477], %broadcast_in_dim3A_23 {strides = array<i32>} : memref<40x1024xi32, #tpu.memory_space<vmem>>, vector<16xi32>,
      %swap3A_479 = arith.index_cast %scan3A_401 : i32 to index
      %swap3A_480 = arith.constant 416 : index
      %swap3A_481 = tpu.vector_load %arg7[%swap3A_479, %swap3A_480] {strides = array<i32>} : memref<40x1024xi32, #tpu.memory_space<vmem>>, vector<16xi32>,
      tpu.vector_store %arg7[%swap3A_479, %swap3A_480], %broadcast_in_dim3A_23 {strides = array<i32>} : memref<40x1024xi32, #tpu.memory_space<vmem>>, vector<16xi32>,
      %swap3A_482 = arith.index_cast %scan3A_401 : i32 to index
      %swap3A_483 = arith.constant 432 : index
      %swap3A_484 = tpu.vector_load %arg7[%swap3A_482, %swap3A_483] {strides = array<i32>} : memref<40x1024xi32, #tpu.memory_space<vmem>>, vector<16xi32>,
      tpu.vector_store %arg7[%swap3A_482, %swap3A_483], %broadcast_in_dim3A_23 {strides = array<i32>} : memref<40x1024xi32, #tpu.memory_space<vmem>>, vector<16xi32>,
      %swap3A_485 = arith.index_cast %scan3A_401 : i32 to index
      %swap3A_486 = arith.constant 448 : index
      %swap3A_487 = tpu.vector_load %arg7[%swap3A_485, %swap3A_486] {strides = array<i32>} : memref<40x1024xi32, #tpu.memory_space<vmem>>, vector<16xi32>,
      tpu.vector_store %arg7[%swap3A_485, %swap3A_486], %broadcast_in_dim3A_23 {strides = array<i32>} : memref<40x1024xi32, #tpu.memory_space<vmem>>, vector<16xi32>,
      %swap3A_488 = arith.index_cast %scan3A_401 : i32 to index
      %swap3A_489 = arith.constant 464 : index
      %swap3A_490 = tpu.vector_load %arg7[%swap3A_488, %swap3A_489] {strides = array<i32>} : memref<40x1024xi32, #tpu.memory_space<vmem>>, vector<16xi32>,
      tpu.vector_store %arg7[%swap3A_488, %swap3A_489], %broadcast_in_dim3A_23 {strides = array<i32>} : memref<40x1024xi32, #tpu.memory_space<vmem>>, vector<16xi32>,
      %swap3A_491 = arith.index_cast %scan3A_401 : i32 to index
      %swap3A_492 = arith.constant 480 : index
      %swap3A_493 = tpu.vector_load %arg7[%swap3A_491, %swap3A_492] {strides = array<i32>} : memref<40x1024xi32, #tpu.memory_space<vmem>>, vector<16xi32>,
      tpu.vector_store %arg7[%swap3A_491, %swap3A_492], %broadcast_in_dim3A_23 {strides = array<i32>} : memref<40x1024xi32, #tpu.memory_space<vmem>>, vector<16xi32>,
      %swap3A_494 = arith.index_cast %scan3A_401 : i32 to index
      %swap3A_495 = arith.constant 496 : index
      %swap3A_496 = tpu.vector_load %arg7[%swap3A_494, %swap3A_495] {strides = array<i32>} : memref<40x1024xi32, #tpu.memory_space<vmem>>, vector<16xi32>,
      tpu.vector_store %arg7[%swap3A_494, %swap3A_495], %broadcast_in_dim3A_23 {strides = array<i32>} : memref<40x1024xi32, #tpu.memory_space<vmem>>, vector<16xi32>,
      %swap3A_497 = arith.index_cast %scan3A_401 : i32 to index
      %swap3A_498 = arith.constant 512 : index
      %swap3A_499 = tpu.vector_load %arg7[%swap3A_497, %swap3A_498] {strides = array<i32>} : memref<40x1024xi32, #tpu.memory_space<vmem>>, vector<16xi32>,
      tpu.vector_store %arg7[%swap3A_497, %swap3A_498], %broadcast_in_dim3A_23 {strides = array<i32>} : memref<40x1024xi32, #tpu.memory_space<vmem>>, vector<16xi32>,
      %swap3A_500 = arith.index_cast %scan3A_401 : i32 to index
      %swap3A_501 = arith.constant 528 : index
      %swap3A_502 = tpu.vector_load %arg7[%swap3A_500, %swap3A_501] {strides = array<i32>} : memref<40x1024xi32, #tpu.memory_space<vmem>>, vector<16xi32>,
      tpu.vector_store %arg7[%swap3A_500, %swap3A_501], %broadcast_in_dim3A_23 {strides = array<i32>} : memref<40x1024xi32, #tpu.memory_space<vmem>>, vector<16xi32>,
      %swap3A_503 = arith.index_cast %scan3A_401 : i32 to index
      %swap3A_504 = arith.constant 544 : index
      %swap3A_505 = tpu.vector_load %arg7[%swap3A_503, %swap3A_504] {strides = array<i32>} : memref<40x1024xi32, #tpu.memory_space<vmem>>, vector<16xi32>,
      tpu.vector_store %arg7[%swap3A_503, %swap3A_504], %broadcast_in_dim3A_23 {strides = array<i32>} : memref<40x1024xi32, #tpu.memory_space<vmem>>, vector<16xi32>,
      %swap3A_506 = arith.index_cast %scan3A_401 : i32 to index
      %swap3A_507 = arith.constant 560 : index
      %swap3A_508 = tpu.vector_load %arg7[%swap3A_506, %swap3A_507] {strides = array<i32>} : memref<40x1024xi32, #tpu.memory_space<vmem>>, vector<16xi32>,
      tpu.vector_store %arg7[%swap3A_506, %swap3A_507], %broadcast_in_dim3A_23 {strides = array<i32>} : memref<40x1024xi32, #tpu.memory_space<vmem>>, vector<16xi32>,
      %swap3A_509 = arith.index_cast %scan3A_401 : i32 to index
      %swap3A_510 = arith.constant 576 : index
      %swap3A_511 = tpu.vector_load %arg7[%swap3A_509, %swap3A_510] {strides = array<i32>} : memref<40x1024xi32, #tpu.memory_space<vmem>>, vector<16xi32>,
      tpu.vector_store %arg7[%swap3A_509, %swap3A_510], %broadcast_in_dim3A_23 {strides = array<i32>} : memref<40x1024xi32, #tpu.memory_space<vmem>>, vector<16xi32>,
      %swap3A_512 = arith.index_cast %scan3A_401 : i32 to index
      %swap3A_513 = arith.constant 592 : index
      %swap3A_514 = tpu.vector_load %arg7[%swap3A_512, %swap3A_513] {strides = array<i32>} : memref<40x1024xi32, #tpu.memory_space<vmem>>, vector<16xi32>,
      tpu.vector_store %arg7[%swap3A_512, %swap3A_513], %broadcast_in_dim3A_23 {strides = array<i32>} : memref<40x1024xi32, #tpu.memory_space<vmem>>, vector<16xi32>,
      %swap3A_515 = arith.index_cast %scan3A_401 : i32 to index
      %swap3A_516 = arith.constant 608 : index
      %swap3A_517 = tpu.vector_load %arg7[%swap3A_515, %swap3A_516] {strides = array<i32>} : memref<40x1024xi32, #tpu.memory_space<vmem>>, vector<16xi32>,
      tpu.vector_store %arg7[%swap3A_515, %swap3A_516], %broadcast_in_dim3A_23 {strides = array<i32>} : memref<40x1024xi32, #tpu.memory_space<vmem>>, vector<16xi32>,
      %swap3A_518 = arith.index_cast %scan3A_401 : i32 to index
      %swap3A_519 = arith.constant 624 : index
      %swap3A_520 = tpu.vector_load %arg7[%swap3A_518, %swap3A_519] {strides = array<i32>} : memref<40x1024xi32, #tpu.memory_space<vmem>>, vector<16xi32>,
      tpu.vector_store %arg7[%swap3A_518, %swap3A_519], %broadcast_in_dim3A_23 {strides = array<i32>} : memref<40x1024xi32, #tpu.memory_space<vmem>>, vector<16xi32>,
      %swap3A_521 = arith.index_cast %scan3A_401 : i32 to index
      %swap3A_522 = arith.constant 640 : index
      %swap3A_523 = tpu.vector_load %arg7[%swap3A_521, %swap3A_522] {strides = array<i32>} : memref<40x1024xi32, #tpu.memory_space<vmem>>, vector<16xi32>,
      tpu.vector_store %arg7[%swap3A_521, %swap3A_522], %broadcast_in_dim3A_23 {strides = array<i32>} : memref<40x1024xi32, #tpu.memory_space<vmem>>, vector<16xi32>,
      %swap3A_524 = arith.index_cast %scan3A_401 : i32 to index
      %swap3A_525 = arith.constant 656 : index
      %swap3A_526 = tpu.vector_load %arg7[%swap3A_524, %swap3A_525] {strides = array<i32>} : memref<40x1024xi32, #tpu.memory_space<vmem>>, vector<16xi32>,
      tpu.vector_store %arg7[%swap3A_524, %swap3A_525], %broadcast_in_dim3A_23 {strides = array<i32>} : memref<40x1024xi32, #tpu.memory_space<vmem>>, vector<16xi32>,
      %swap3A_527 = arith.index_cast %scan3A_401 : i32 to index
      %swap3A_528 = arith.constant 672 : index
      %swap3A_529 = tpu.vector_load %arg7[%swap3A_527, %swap3A_528] {strides = array<i32>} : memref<40x1024xi32, #tpu.memory_space<vmem>>, vector<16xi32>,
      tpu.vector_store %arg7[%swap3A_527, %swap3A_528], %broadcast_in_dim3A_23 {strides = array<i32>} : memref<40x1024xi32, #tpu.memory_space<vmem>>, vector<16xi32>,
      %swap3A_530 = arith.index_cast %scan3A_401 : i32 to index
      %swap3A_531 = arith.constant 688 : index
      %swap3A_532 = tpu.vector_load %arg7[%swap3A_530, %swap3A_531] {strides = array<i32>} : memref<40x1024xi32, #tpu.memory_space<vmem>>, vector<16xi32>,
      tpu.vector_store %arg7[%swap3A_530, %swap3A_531], %broadcast_in_dim3A_23 {strides = array<i32>} : memref<40x1024xi32, #tpu.memory_space<vmem>>, vector<16xi32>,
      %swap3A_533 = arith.index_cast %scan3A_401 : i32 to index
      %swap3A_534 = arith.constant 704 : index
      %swap3A_535 = tpu.vector_load %arg7[%swap3A_533, %swap3A_534] {strides = array<i32>} : memref<40x1024xi32, #tpu.memory_space<vmem>>, vector<16xi32>,
      tpu.vector_store %arg7[%swap3A_533, %swap3A_534], %broadcast_in_dim3A_23 {strides = array<i32>} : memref<40x1024xi32, #tpu.memory_space<vmem>>, vector<16xi32>,
      %swap3A_536 = arith.index_cast %scan3A_401 : i32 to index
      %swap3A_537 = arith.constant 720 : index
      %swap3A_538 = tpu.vector_load %arg7[%swap3A_536, %swap3A_537] {strides = array<i32>} : memref<40x1024xi32, #tpu.memory_space<vmem>>, vector<16xi32>,
      tpu.vector_store %arg7[%swap3A_536, %swap3A_537], %broadcast_in_dim3A_23 {strides = array<i32>} : memref<40x1024xi32, #tpu.memory_space<vmem>>, vector<16xi32>,
      %swap3A_539 = arith.index_cast %scan3A_401 : i32 to index
      %swap3A_540 = arith.constant 736 : index
      %swap3A_541 = tpu.vector_load %arg7[%swap3A_539, %swap3A_540] {strides = array<i32>} : memref<40x1024xi32, #tpu.memory_space<vmem>>, vector<16xi32>,
      tpu.vector_store %arg7[%swap3A_539, %swap3A_540], %broadcast_in_dim3A_23 {strides = array<i32>} : memref<40x1024xi32, #tpu.memory_space<vmem>>, vector<16xi32>,
      %swap3A_542 = arith.index_cast %scan3A_401 : i32 to index
      %swap3A_543 = arith.constant 752 : index
      %swap3A_544 = tpu.vector_load %arg7[%swap3A_542, %swap3A_543] {strides = array<i32>} : memref<40x1024xi32, #tpu.memory_space<vmem>>, vector<16xi32>,
      tpu.vector_store %arg7[%swap3A_542, %swap3A_543], %broadcast_in_dim3A_23 {strides = array<i32>} : memref<40x1024xi32, #tpu.memory_space<vmem>>, vector<16xi32>,
      %swap3A_545 = arith.index_cast %scan3A_401 : i32 to index
      %swap3A_546 = arith.constant 768 : index
      %swap3A_547 = tpu.vector_load %arg7[%swap3A_545, %swap3A_546] {strides = array<i32>} : memref<40x1024xi32, #tpu.memory_space<vmem>>, vector<16xi32>,
      tpu.vector_store %arg7[%swap3A_545, %swap3A_546], %broadcast_in_dim3A_23 {strides = array<i32>} : memref<40x1024xi32, #tpu.memory_space<vmem>>, vector<16xi32>,
      %swap3A_548 = arith.index_cast %scan3A_401 : i32 to index
      %swap3A_549 = arith.constant 784 : index
      %swap3A_550 = tpu.vector_load %arg7[%swap3A_548, %swap3A_549] {strides = array<i32>} : memref<40x1024xi32, #tpu.memory_space<vmem>>, vector<16xi32>,
      tpu.vector_store %arg7[%swap3A_548, %swap3A_549], %broadcast_in_dim3A_23 {strides = array<i32>} : memref<40x1024xi32, #tpu.memory_space<vmem>>, vector<16xi32>,
      %swap3A_551 = arith.index_cast %scan3A_401 : i32 to index
      %swap3A_552 = arith.constant 800 : index
      %swap3A_553 = tpu.vector_load %arg7[%swap3A_551, %swap3A_552] {strides = array<i32>} : memref<40x1024xi32, #tpu.memory_space<vmem>>, vector<16xi32>,
      tpu.vector_store %arg7[%swap3A_551, %swap3A_552], %broadcast_in_dim3A_23 {strides = array<i32>} : memref<40x1024xi32, #tpu.memory_space<vmem>>, vector<16xi32>,
      %swap3A_554 = arith.index_cast %scan3A_401 : i32 to index
      %swap3A_555 = arith.constant 816 : index
      %swap3A_556 = tpu.vector_load %arg7[%swap3A_554, %swap3A_555] {strides = array<i32>} : memref<40x1024xi32, #tpu.memory_space<vmem>>, vector<16xi32>,
      tpu.vector_store %arg7[%swap3A_554, %swap3A_555], %broadcast_in_dim3A_23 {strides = array<i32>} : memref<40x1024xi32, #tpu.memory_space<vmem>>, vector<16xi32>,
      %swap3A_557 = arith.index_cast %scan3A_401 : i32 to index
      %swap3A_558 = arith.constant 832 : index
      %swap3A_559 = tpu.vector_load %arg7[%swap3A_557, %swap3A_558] {strides = array<i32>} : memref<40x1024xi32, #tpu.memory_space<vmem>>, vector<16xi32>,
      tpu.vector_store %arg7[%swap3A_557, %swap3A_558], %broadcast_in_dim3A_23 {strides = array<i32>} : memref<40x1024xi32, #tpu.memory_space<vmem>>, vector<16xi32>,
      %swap3A_560 = arith.index_cast %scan3A_401 : i32 to index
      %swap3A_561 = arith.constant 848 : index
      %swap3A_562 = tpu.vector_load %arg7[%swap3A_560, %swap3A_561] {strides = array<i32>} : memref<40x1024xi32, #tpu.memory_space<vmem>>, vector<16xi32>,
      tpu.vector_store %arg7[%swap3A_560, %swap3A_561], %broadcast_in_dim3A_23 {strides = array<i32>} : memref<40x1024xi32, #tpu.memory_space<vmem>>, vector<16xi32>,
      %swap3A_563 = arith.index_cast %scan3A_401 : i32 to index
      %swap3A_564 = arith.constant 864 : index
      %swap3A_565 = tpu.vector_load %arg7[%swap3A_563, %swap3A_564] {strides = array<i32>} : memref<40x1024xi32, #tpu.memory_space<vmem>>, vector<16xi32>,
      tpu.vector_store %arg7[%swap3A_563, %swap3A_564], %broadcast_in_dim3A_23 {strides = array<i32>} : memref<40x1024xi32, #tpu.memory_space<vmem>>, vector<16xi32>,
      %swap3A_566 = arith.index_cast %scan3A_401 : i32 to index
      %swap3A_567 = arith.constant 880 : index
      %swap3A_568 = tpu.vector_load %arg7[%swap3A_566, %swap3A_567] {strides = array<i32>} : memref<40x1024xi32, #tpu.memory_space<vmem>>, vector<16xi32>,
      tpu.vector_store %arg7[%swap3A_566, %swap3A_567], %broadcast_in_dim3A_23 {strides = array<i32>} : memref<40x1024xi32, #tpu.memory_space<vmem>>, vector<16xi32>,
      %swap3A_569 = arith.index_cast %scan3A_401 : i32 to index
      %swap3A_570 = arith.constant 896 : index
      %swap3A_571 = tpu.vector_load %arg7[%swap3A_569, %swap3A_570] {strides = array<i32>} : memref<40x1024xi32, #tpu.memory_space<vmem>>, vector<16xi32>,
      tpu.vector_store %arg7[%swap3A_569, %swap3A_570], %broadcast_in_dim3A_23 {strides = array<i32>} : memref<40x1024xi32, #tpu.memory_space<vmem>>, vector<16xi32>,
      %swap3A_572 = arith.index_cast %scan3A_401 : i32 to index
      %swap3A_573 = arith.constant 912 : index
      %swap3A_574 = tpu.vector_load %arg7[%swap3A_572, %swap3A_573] {strides = array<i32>} : memref<40x1024xi32, #tpu.memory_space<vmem>>, vector<16xi32>,
      tpu.vector_store %arg7[%swap3A_572, %swap3A_573], %broadcast_in_dim3A_23 {strides = array<i32>} : memref<40x1024xi32, #tpu.memory_space<vmem>>, vector<16xi32>,
      %swap3A_575 = arith.index_cast %scan3A_401 : i32 to index
      %swap3A_576 = arith.constant 928 : index
      %swap3A_577 = tpu.vector_load %arg7[%swap3A_575, %swap3A_576] {strides = array<i32>} : memref<40x1024xi32, #tpu.memory_space<vmem>>, vector<16xi32>,
      tpu.vector_store %arg7[%swap3A_575, %swap3A_576], %broadcast_in_dim3A_23 {strides = array<i32>} : memref<40x1024xi32, #tpu.memory_space<vmem>>, vector<16xi32>,
      %swap3A_578 = arith.index_cast %scan3A_401 : i32 to index
      %swap3A_579 = arith.constant 944 : index
      %swap3A_580 = tpu.vector_load %arg7[%swap3A_578, %swap3A_579] {strides = array<i32>} : memref<40x1024xi32, #tpu.memory_space<vmem>>, vector<16xi32>,
      tpu.vector_store %arg7[%swap3A_578, %swap3A_579], %broadcast_in_dim3A_23 {strides = array<i32>} : memref<40x1024xi32, #tpu.memory_space<vmem>>, vector<16xi32>,
      %swap3A_581 = arith.index_cast %scan3A_401 : i32 to index
      %swap3A_582 = arith.constant 960 : index
      %swap3A_583 = tpu.vector_load %arg7[%swap3A_581, %swap3A_582] {strides = array<i32>} : memref<40x1024xi32, #tpu.memory_space<vmem>>, vector<16xi32>,
      tpu.vector_store %arg7[%swap3A_581, %swap3A_582], %broadcast_in_dim3A_23 {strides = array<i32>} : memref<40x1024xi32, #tpu.memory_space<vmem>>, vector<16xi32>,
      %swap3A_584 = arith.index_cast %scan3A_401 : i32 to index
      %swap3A_585 = arith.constant 976 : index
      %swap3A_586 = tpu.vector_load %arg7[%swap3A_584, %swap3A_585] {strides = array<i32>} : memref<40x1024xi32, #tpu.memory_space<vmem>>, vector<16xi32>,
      tpu.vector_store %arg7[%swap3A_584, %swap3A_585], %broadcast_in_dim3A_23 {strides = array<i32>} : memref<40x1024xi32, #tpu.memory_space<vmem>>, vector<16xi32>,
      %swap3A_587 = arith.index_cast %scan3A_401 : i32 to index
      %swap3A_588 = arith.constant 992 : index
      %swap3A_589 = tpu.vector_load %arg7[%swap3A_587, %swap3A_588] {strides = array<i32>} : memref<40x1024xi32, #tpu.memory_space<vmem>>, vector<16xi32>,
      tpu.vector_store %arg7[%swap3A_587, %swap3A_588], %broadcast_in_dim3A_23 {strides = array<i32>} : memref<40x1024xi32, #tpu.memory_space<vmem>>, vector<16xi32>,
      %swap3A_590 = arith.index_cast %scan3A_401 : i32 to index
      %swap3A_591 = arith.constant 1008 : index
      %swap3A_592 = tpu.vector_load %arg7[%swap3A_590, %swap3A_591] {strides = array<i32>} : memref<40x1024xi32, #tpu.memory_space<vmem>>, vector<16xi32>,
      tpu.vector_store %arg7[%swap3A_590, %swap3A_591], %broadcast_in_dim3A_23 {strides = array<i32>} : memref<40x1024xi32, #tpu.memory_space<vmem>>, vector<16xi32>,
    }
    %scan3A_136 = arith.constant 40 : i32
    %add3A_137 = arith.constant 2 : i32
    %add3A_138 = arith.addi %add3A_4, %add3A_137 : i32
    %jit3A_139 = arith.constant 25 : i32
    %div3A_140 = arith.divsi %add3A_138, %jit3A_139 : i32
    %sign3A_141 = arith.constant 0 : i32
    %sign3A_142 = arith.cmpi sgt, %add3A_138, %sign3A_141 : i32
    %sign3A_143 = arith.extui %sign3A_142 : i1 to i32
    %sign3A_144 = arith.constant 0 : i32
    %sign3A_145 = arith.cmpi slt, %add3A_138, %sign3A_144 : i32
    %sign3A_146 = arith.extui %sign3A_145 : i1 to i32
    %sign3A_147 = arith.subi %sign3A_143, %sign3A_146 : i32
    %sign3A_148 = arith.constant 0 : i32
    %sign3A_149 = arith.cmpi sgt, %jit3A_139, %sign3A_148 : i32
    %sign3A_150 = arith.extui %sign3A_149 : i1 to i32
    %sign3A_151 = arith.constant 0 : i32
    %sign3A_152 = arith.cmpi slt, %jit3A_139, %sign3A_151 : i32
    %sign3A_153 = arith.extui %sign3A_152 : i1 to i32
    %sign3A_154 = arith.subi %sign3A_150, %sign3A_153 : i32
    %ne3A_155 = arith.cmpi ne, %sign3A_147, %sign3A_154 : i32
    %rem3A_156 = arith.remsi %add3A_138, %jit3A_139 : i32
    %ne3A_157 = arith.constant 0 : i32
    %ne3A_158 = arith.cmpi ne, %rem3A_156, %ne3A_157 : i32
    %and3A_159 = arith.andi %ne3A_155, %ne3A_158 : i1
    %sub3A_160 = arith.constant 1 : i32
    %sub3A_161 = arith.subi %div3A_140, %sub3A_160 : i32
    %select_n3A_162 = arith.select %and3A_159, %sub3A_161, %div3A_140 : i32
    %mul3A_163 = arith.constant 25 : i32
    %mul3A_164 = arith.muli %select_n3A_162, %mul3A_163 : i32
    %sub3A_165 = arith.subi %add3A_138, %mul3A_164 : i32
    %mul3A_166 = arith.constant 40 : i32
    %mul3A_167 = arith.muli %sub3A_165, %mul3A_166 : i32
    %sub3A_168 = arith.subi %select_n3A_162, %min3A_22 : i32
    %scan3A_169 = arith.constant 0 : i32
    %scan3A_170 = arith.constant 0 : i32
    %scan3A_171 = arith.constant 64 : i32
    %scan3A_172 = arith.addi %scan3A_170, %scan3A_171 : i32
    %scan3A_173 = arith.constant 2 : i32
    scf.for %scan3A_401 = %scan3A_170 to %scan3A_172 step %scan3A_173  : i32 {
      %mul3A_402 = arith.constant 1024 : i32
      %mul3A_403 = arith.muli %sub3A_168, %mul3A_402 : i32
      %mul3A_404 = arith.constant 16 : i32
      %mul3A_405 = arith.muli %scan3A_401, %mul3A_404 : i32
      %add3A_406 = arith.addi %mul3A_403, %mul3A_405 : i32
      %get3A = arith.index_cast %add3A_406 : i32 to index
      %get3A_407 = tpu.vector_load %arg4[%get3A] {strides = array<i32>} : memref<2048xi32, #tpu.memory_space<vmem>>, vector<16xi32>,
      %sub3A_408 = vector.broadcast %mul3A_167 : i32 to vector<16xi32>
      %sub3A_409 = arith.subi %get3A_407, %sub3A_408 : vector<16xi32>
      %ge3A = arith.constant 0 : i32
      %ge3A_410 = vector.broadcast %ge3A : i32 to vector<16xi32>
      %ge3A_411 = arith.cmpi sge, %sub3A_409, %ge3A_410 : vector<16xi32>
      %lt3A_412 = arith.constant 40 : i32
      %lt3A_413 = vector.broadcast %lt3A_412 : i32 to vector<16xi32>
      %lt3A_414 = arith.cmpi slt, %sub3A_409, %lt3A_413 : vector<16xi32>
      %and3A_415 = arith.andi %ge3A_411, %lt3A_414 : vector<16xi1>
      %mul3A_416 = arith.constant 16 : i32
      %mul3A_417 = arith.muli %scan3A_401, %mul3A_416 : i32
      %add3A_418 = vector.broadcast %mul3A_417 : i32 to vector<16xi32>
      %add3A_419 = arith.addi %add3A_418, %iota3A : vector<16xi32>
      tpu.vector_store_idx %arg7[%sub3A_409, %add3A_419], %broadcast_in_dim3A_25 masked %and3A_415 : memref<40x1024xi32, #tpu.memory_space<vmem>>[vector<16xi32>, vector<16xi32>], vector<16xi32>, vector<16xi1>
      %scan3A_420 = arith.constant 1 : i32
      %scan3A_421 = arith.addi %scan3A_401, %scan3A_420 : i32
      %mul3A_422 = arith.constant 1024 : i32
      %mul3A_423 = arith.muli %sub3A_168, %mul3A_422 : i32
      %mul3A_424 = arith.constant 16 : i32
      %mul3A_425 = arith.muli %scan3A_421, %mul3A_424 : i32
      %add3A_426 = arith.addi %mul3A_423, %mul3A_425 : i32
      %get3A_427 = arith.index_cast %add3A_426 : i32 to index
      %get3A_428 = tpu.vector_load %arg4[%get3A_427] {strides = array<i32>} : memref<2048xi32, #tpu.memory_space<vmem>>, vector<16xi32>,
      %sub3A_429 = vector.broadcast %mul3A_167 : i32 to vector<16xi32>
      %sub3A_430 = arith.subi %get3A_428, %sub3A_429 : vector<16xi32>
      %ge3A_431 = arith.constant 0 : i32
      %ge3A_432 = vector.broadcast %ge3A_431 : i32 to vector<16xi32>
      %ge3A_433 = arith.cmpi sge, %sub3A_430, %ge3A_432 : vector<16xi32>
      %lt3A_434 = arith.constant 40 : i32
      %lt3A_435 = vector.broadcast %lt3A_434 : i32 to vector<16xi32>
      %lt3A_436 = arith.cmpi slt, %sub3A_430, %lt3A_435 : vector<16xi32>
      %and3A_437 = arith.andi %ge3A_433, %lt3A_436 : vector<16xi1>
      %mul3A_438 = arith.constant 16 : i32
      %mul3A_439 = arith.muli %scan3A_421, %mul3A_438 : i32
      %add3A_440 = vector.broadcast %mul3A_439 : i32 to vector<16xi32>
      %add3A_441 = arith.addi %add3A_440, %iota3A : vector<16xi32>
      tpu.vector_store_idx %arg7[%sub3A_430, %add3A_441], %broadcast_in_dim3A_25 masked %and3A_437 : memref<40x1024xi32, #tpu.memory_space<vmem>>[vector<16xi32>, vector<16xi32>], vector<16xi32>, vector<16xi1>
    }
    %scan3A_174 = arith.constant 64 : i32
    %add3A_175 = arith.addi %sub3A_168, %min3A_22 : i32
    %dma_start3A_176 = arith.constant 0 : i32
    %dma_start3A_177 = tpu.memref_slice %arg3[%add3A_175, %mul3A_167, %dma_start3A_176] : memref<26x1000x1024xi32, #tpu.memory_space<hbm>> -> memref<1x40x1024xi32, #tpu.memory_space<hbm>>
    %dma_start3A_178 = tpu.memref_squeeze %dma_start3A_177 : memref<1x40x1024xi32, #tpu.memory_space<hbm>> -> memref<40x1024xi32, #tpu.memory_space<hbm>>
    %dma_start3A_179 = arith.constant 0 : i32
    %dma_start3A_180 = tpu.memref_slice %arg3[%add3A_175, %mul3A_167, %dma_start3A_179] : memref<26x1000x1024xi32, #tpu.memory_space<hbm>> -> memref<1x40x1024xi32, #tpu.memory_space<hbm>>
    %dma_start3A_181 = tpu.memref_squeeze %dma_start3A_180 : memref<1x40x1024xi32, #tpu.memory_space<hbm>> -> memref<40x1024xi32, #tpu.memory_space<hbm>>
    tpu.enqueue_dma source(%arg7 : memref<40x1024xi32, #tpu.memory_space<vmem>>) target(%dma_start3A_181 : memref<40x1024xi32, #tpu.memory_space<hbm>>) target_semaphore(%arg10 : memref<!tpu.dma_semaphore, #tpu.memory_space<semaphore_mem>>)
    %scan3A_182 = arith.constant 0 : i32
    %scan3A_183 = arith.constant 0 : i32
    %scan3A_184 = arith.constant 5 : i32
    %scan3A_185 = arith.addi %scan3A_183, %scan3A_184 : i32
    %scan3A_186 = arith.constant 1 : i32
    scf.for %scan3A_401 = %scan3A_183 to %scan3A_185 step %scan3A_186  : i32 {
      %mul3A_402 = arith.constant 3 : i32
      %mul3A_403 = arith.muli %scan3A_401, %mul3A_402 : i32
      %add3A_404 = arith.constant 3 : i32
      %add3A_405 = arith.addi %add3A_404, %mul3A_403 : i32
      %dma_wait3A_406 = arith.constant 0 : i32
      %dma_wait3A_407 = arith.constant 0 : i32
      %dma_wait3A_408 = arith.constant 0 : i32
      %dma_wait3A_409 = tpu.memref_slice %arg3[%dma_wait3A_406, %dma_wait3A_407, %dma_wait3A_408] : memref<26x1000x1024xi32, #tpu.memory_space<hbm>> -> memref<1x40x1024xi32, #tpu.memory_space<hbm>>
      %dma_wait3A_410 = tpu.memref_squeeze %dma_wait3A_409 : memref<1x40x1024xi32, #tpu.memory_space<hbm>> -> memref<40x1024xi32, #tpu.memory_space<hbm>>
      %dma_wait3A_411 = arith.constant 0 : i32
      %dma_wait3A_412 = arith.constant 0 : i32
      %dma_wait3A_413 = tpu.memref_slice %arg3[%dma_wait3A_406, %dma_wait3A_411, %dma_wait3A_412] : memref<26x1000x1024xi32, #tpu.memory_space<hbm>> -> memref<1x40x1024xi32, #tpu.memory_space<hbm>>
      %dma_wait3A_414 = tpu.memref_squeeze %dma_wait3A_413 : memref<1x40x1024xi32, #tpu.memory_space<hbm>> -> memref<40x1024xi32, #tpu.memory_space<hbm>>
      tpu.wait_dma2 semaphore(%arg8 : memref<!tpu.dma_semaphore, #tpu.memory_space<semaphore_mem>>) src(%arg5 : memref<40x1024xi32, #tpu.memory_space<vmem>>) dst(%dma_wait3A_414 : memref<40x1024xi32, #tpu.memory_space<hbm>>)
      %add3A_415 = arith.constant 0 : i32
      %add3A_416 = arith.addi %add3A_405, %add3A_415 : i32
      %sub3A_417 = arith.constant 3 : i32
      %sub3A_418 = arith.subi %add3A_416, %sub3A_417 : i32
      %add3A_419 = arith.addi %add3A_4, %sub3A_418 : i32
      %jit3A_420 = arith.constant 25 : i32
      %div3A_421 = arith.divsi %add3A_419, %jit3A_420 : i32
      %sign3A_422 = arith.constant 0 : i32
      %sign3A_423 = arith.cmpi sgt, %add3A_419, %sign3A_422 : i32
      %sign3A_424 = arith.extui %sign3A_423 : i1 to i32
      %sign3A_425 = arith.constant 0 : i32
      %sign3A_426 = arith.cmpi slt, %add3A_419, %sign3A_425 : i32
      %sign3A_427 = arith.extui %sign3A_426 : i1 to i32
      %sign3A_428 = arith.subi %sign3A_424, %sign3A_427 : i32
      %sign3A_429 = arith.constant 0 : i32
      %sign3A_430 = arith.cmpi sgt, %jit3A_420, %sign3A_429 : i32
      %sign3A_431 = arith.extui %sign3A_430 : i1 to i32
      %sign3A_432 = arith.constant 0 : i32
      %sign3A_433 = arith.cmpi slt, %jit3A_420, %sign3A_432 : i32
      %sign3A_434 = arith.extui %sign3A_433 : i1 to i32
      %sign3A_435 = arith.subi %sign3A_431, %sign3A_434 : i32
      %ne3A_436 = arith.cmpi ne, %sign3A_428, %sign3A_435 : i32
      %rem3A_437 = arith.remsi %add3A_419, %jit3A_420 : i32
      %ne3A_438 = arith.constant 0 : i32
      %ne3A_439 = arith.cmpi ne, %rem3A_437, %ne3A_438 : i32
      %and3A_440 = arith.andi %ne3A_436, %ne3A_439 : i1
      %sub3A_441 = arith.constant 1 : i32
      %sub3A_442 = arith.subi %div3A_421, %sub3A_441 : i32
      %select_n3A_443 = arith.select %and3A_440, %sub3A_442, %div3A_421 : i32
      %mul3A_444 = arith.constant 25 : i32
      %mul3A_445 = arith.muli %select_n3A_443, %mul3A_444 : i32
      %sub3A_446 = arith.subi %add3A_419, %mul3A_445 : i32
      %mul3A_447 = arith.constant 40 : i32
      %mul3A_448 = arith.muli %sub3A_446, %mul3A_447 : i32
      %sub3A_449 = arith.subi %select_n3A_443, %min3A_22 : i32
      %scan3A_450 = arith.constant 0 : i32
      %scan3A_451 = arith.constant 0 : i32
      %scan3A_452 = arith.constant 64 : i32
      %scan3A_453 = arith.addi %scan3A_451, %scan3A_452 : i32
      %scan3A_454 = arith.constant 2 : i32
      scf.for %scan3A_694 = %scan3A_451 to %scan3A_453 step %scan3A_454  : i32 {
        %mul3A_695 = arith.constant 1024 : i32
        %mul3A_696 = arith.muli %sub3A_449, %mul3A_695 : i32
        %mul3A_697 = arith.constant 16 : i32
        %mul3A_698 = arith.muli %scan3A_694, %mul3A_697 : i32
        %add3A_699 = arith.addi %mul3A_696, %mul3A_698 : i32
        %get3A = arith.index_cast %add3A_699 : i32 to index
        %get3A_700 = tpu.vector_load %arg4[%get3A] {strides = array<i32>} : memref<2048xi32, #tpu.memory_space<vmem>>, vector<16xi32>,
        %sub3A_701 = vector.broadcast %mul3A_448 : i32 to vector<16xi32>
        %sub3A_702 = arith.subi %get3A_700, %sub3A_701 : vector<16xi32>
        %ge3A = arith.constant 0 : i32
        %ge3A_703 = vector.broadcast %ge3A : i32 to vector<16xi32>
        %ge3A_704 = arith.cmpi sge, %sub3A_702, %ge3A_703 : vector<16xi32>
        %lt3A_705 = arith.constant 40 : i32
        %lt3A_706 = vector.broadcast %lt3A_705 : i32 to vector<16xi32>
        %lt3A_707 = arith.cmpi slt, %sub3A_702, %lt3A_706 : vector<16xi32>
        %and3A_708 = arith.andi %ge3A_704, %lt3A_707 : vector<16xi1>
        %mul3A_709 = arith.constant 16 : i32
        %mul3A_710 = arith.muli %scan3A_694, %mul3A_709 : i32
        %add3A_711 = vector.broadcast %mul3A_710 : i32 to vector<16xi32>
        %add3A_712 = arith.addi %add3A_711, %iota3A : vector<16xi32>
        tpu.vector_store_idx %arg5[%sub3A_702, %add3A_712], %broadcast_in_dim3A_23 masked %and3A_708 : memref<40x1024xi32, #tpu.memory_space<vmem>>[vector<16xi32>, vector<16xi32>], vector<16xi32>, vector<16xi1>
        %scan3A_713 = arith.constant 1 : i32
        %scan3A_714 = arith.addi %scan3A_694, %scan3A_713 : i32
        %mul3A_715 = arith.constant 1024 : i32
        %mul3A_716 = arith.muli %sub3A_449, %mul3A_715 : i32
        %mul3A_717 = arith.constant 16 : i32
        %mul3A_718 = arith.muli %scan3A_714, %mul3A_717 : i32
        %add3A_719 = arith.addi %mul3A_716, %mul3A_718 : i32
        %get3A_720 = arith.index_cast %add3A_719 : i32 to index
        %get3A_721 = tpu.vector_load %arg4[%get3A_720] {strides = array<i32>} : memref<2048xi32, #tpu.memory_space<vmem>>, vector<16xi32>,
        %sub3A_722 = vector.broadcast %mul3A_448 : i32 to vector<16xi32>
        %sub3A_723 = arith.subi %get3A_721, %sub3A_722 : vector<16xi32>
        %ge3A_724 = arith.constant 0 : i32
        %ge3A_725 = vector.broadcast %ge3A_724 : i32 to vector<16xi32>
        %ge3A_726 = arith.cmpi sge, %sub3A_723, %ge3A_725 : vector<16xi32>
        %lt3A_727 = arith.constant 40 : i32
        %lt3A_728 = vector.broadcast %lt3A_727 : i32 to vector<16xi32>
        %lt3A_729 = arith.cmpi slt, %sub3A_723, %lt3A_728 : vector<16xi32>
        %and3A_730 = arith.andi %ge3A_726, %lt3A_729 : vector<16xi1>
        %mul3A_731 = arith.constant 16 : i32
        %mul3A_732 = arith.muli %scan3A_714, %mul3A_731 : i32
        %add3A_733 = vector.broadcast %mul3A_732 : i32 to vector<16xi32>
        %add3A_734 = arith.addi %add3A_733, %iota3A : vector<16xi32>
        tpu.vector_store_idx %arg5[%sub3A_723, %add3A_734], %broadcast_in_dim3A_23 masked %and3A_730 : memref<40x1024xi32, #tpu.memory_space<vmem>>[vector<16xi32>, vector<16xi32>], vector<16xi32>, vector<16xi1>
      }
      %scan3A_455 = arith.constant 64 : i32
      %add3A_456 = arith.constant 0 : i32
      %add3A_457 = arith.addi %add3A_405, %add3A_456 : i32
      %add3A_458 = arith.addi %add3A_4, %add3A_457 : i32
      %jit3A_459 = arith.constant 25 : i32
      %div3A_460 = arith.divsi %add3A_458, %jit3A_459 : i32
      %sign3A_461 = arith.constant 0 : i32
      %sign3A_462 = arith.cmpi sgt, %add3A_458, %sign3A_461 : i32
      %sign3A_463 = arith.extui %sign3A_462 : i1 to i32
      %sign3A_464 = arith.constant 0 : i32
      %sign3A_465 = arith.cmpi slt, %add3A_458, %sign3A_464 : i32
      %sign3A_466 = arith.extui %sign3A_465 : i1 to i32
      %sign3A_467 = arith.subi %sign3A_463, %sign3A_466 : i32
      %sign3A_468 = arith.constant 0 : i32
      %sign3A_469 = arith.cmpi sgt, %jit3A_459, %sign3A_468 : i32
      %sign3A_470 = arith.extui %sign3A_469 : i1 to i32
      %sign3A_471 = arith.constant 0 : i32
      %sign3A_472 = arith.cmpi slt, %jit3A_459, %sign3A_471 : i32
      %sign3A_473 = arith.extui %sign3A_472 : i1 to i32
      %sign3A_474 = arith.subi %sign3A_470, %sign3A_473 : i32
      %ne3A_475 = arith.cmpi ne, %sign3A_467, %sign3A_474 : i32
      %rem3A_476 = arith.remsi %add3A_458, %jit3A_459 : i32
      %ne3A_477 = arith.constant 0 : i32
      %ne3A_478 = arith.cmpi ne, %rem3A_476, %ne3A_477 : i32
      %and3A_479 = arith.andi %ne3A_475, %ne3A_478 : i1
      %sub3A_480 = arith.constant 1 : i32
      %sub3A_481 = arith.subi %div3A_460, %sub3A_480 : i32
      %select_n3A_482 = arith.select %and3A_479, %sub3A_481, %div3A_460 : i32
      %mul3A_483 = arith.constant 25 : i32
      %mul3A_484 = arith.muli %select_n3A_482, %mul3A_483 : i32
      %sub3A_485 = arith.subi %add3A_458, %mul3A_484 : i32
      %mul3A_486 = arith.constant 40 : i32
      %mul3A_487 = arith.muli %sub3A_485, %mul3A_486 : i32
      %sub3A_488 = arith.subi %select_n3A_482, %min3A_22 : i32
      %scan3A_489 = arith.constant 0 : i32
      %scan3A_490 = arith.constant 0 : i32
      %scan3A_491 = arith.constant 64 : i32
      %scan3A_492 = arith.addi %scan3A_490, %scan3A_491 : i32
      %scan3A_493 = arith.constant 2 : i32
      scf.for %scan3A_694 = %scan3A_490 to %scan3A_492 step %scan3A_493  : i32 {
        %mul3A_695 = arith.constant 1024 : i32
        %mul3A_696 = arith.muli %sub3A_488, %mul3A_695 : i32
        %mul3A_697 = arith.constant 16 : i32
        %mul3A_698 = arith.muli %scan3A_694, %mul3A_697 : i32
        %add3A_699 = arith.addi %mul3A_696, %mul3A_698 : i32
        %get3A = arith.index_cast %add3A_699 : i32 to index
        %get3A_700 = tpu.vector_load %arg4[%get3A] {strides = array<i32>} : memref<2048xi32, #tpu.memory_space<vmem>>, vector<16xi32>,
        %sub3A_701 = vector.broadcast %mul3A_487 : i32 to vector<16xi32>
        %sub3A_702 = arith.subi %get3A_700, %sub3A_701 : vector<16xi32>
        %ge3A = arith.constant 0 : i32
        %ge3A_703 = vector.broadcast %ge3A : i32 to vector<16xi32>
        %ge3A_704 = arith.cmpi sge, %sub3A_702, %ge3A_703 : vector<16xi32>
        %lt3A_705 = arith.constant 40 : i32
        %lt3A_706 = vector.broadcast %lt3A_705 : i32 to vector<16xi32>
        %lt3A_707 = arith.cmpi slt, %sub3A_702, %lt3A_706 : vector<16xi32>
        %and3A_708 = arith.andi %ge3A_704, %lt3A_707 : vector<16xi1>
        %mul3A_709 = arith.constant 16 : i32
        %mul3A_710 = arith.muli %scan3A_694, %mul3A_709 : i32
        %add3A_711 = vector.broadcast %mul3A_710 : i32 to vector<16xi32>
        %add3A_712 = arith.addi %add3A_711, %iota3A : vector<16xi32>
        tpu.vector_store_idx %arg5[%sub3A_702, %add3A_712], %broadcast_in_dim3A_25 masked %and3A_708 : memref<40x1024xi32, #tpu.memory_space<vmem>>[vector<16xi32>, vector<16xi32>], vector<16xi32>, vector<16xi1>
        %scan3A_713 = arith.constant 1 : i32
        %scan3A_714 = arith.addi %scan3A_694, %scan3A_713 : i32
        %mul3A_715 = arith.constant 1024 : i32
        %mul3A_716 = arith.muli %sub3A_488, %mul3A_715 : i32
        %mul3A_717 = arith.constant 16 : i32
        %mul3A_718 = arith.muli %scan3A_714, %mul3A_717 : i32
        %add3A_719 = arith.addi %mul3A_716, %mul3A_718 : i32
        %get3A_720 = arith.index_cast %add3A_719 : i32 to index
        %get3A_721 = tpu.vector_load %arg4[%get3A_720] {strides = array<i32>} : memref<2048xi32, #tpu.memory_space<vmem>>, vector<16xi32>,
        %sub3A_722 = vector.broadcast %mul3A_487 : i32 to vector<16xi32>
        %sub3A_723 = arith.subi %get3A_721, %sub3A_722 : vector<16xi32>
        %ge3A_724 = arith.constant 0 : i32
        %ge3A_725 = vector.broadcast %ge3A_724 : i32 to vector<16xi32>
        %ge3A_726 = arith.cmpi sge, %sub3A_723, %ge3A_725 : vector<16xi32>
        %lt3A_727 = arith.constant 40 : i32
        %lt3A_728 = vector.broadcast %lt3A_727 : i32 to vector<16xi32>
        %lt3A_729 = arith.cmpi slt, %sub3A_723, %lt3A_728 : vector<16xi32>
        %and3A_730 = arith.andi %ge3A_726, %lt3A_729 : vector<16xi1>
        %mul3A_731 = arith.constant 16 : i32
        %mul3A_732 = arith.muli %scan3A_714, %mul3A_731 : i32
        %add3A_733 = vector.broadcast %mul3A_732 : i32 to vector<16xi32>
        %add3A_734 = arith.addi %add3A_733, %iota3A : vector<16xi32>
        tpu.vector_store_idx %arg5[%sub3A_723, %add3A_734], %broadcast_in_dim3A_25 masked %and3A_730 : memref<40x1024xi32, #tpu.memory_space<vmem>>[vector<16xi32>, vector<16xi32>], vector<16xi32>, vector<16xi1>
      }
      %scan3A_494 = arith.constant 64 : i32
      %add3A_495 = arith.addi %sub3A_488, %min3A_22 : i32
      %dma_start3A_496 = arith.constant 0 : i32
      %dma_start3A_497 = tpu.memref_slice %arg3[%add3A_495, %mul3A_487, %dma_start3A_496] : memref<26x1000x1024xi32, #tpu.memory_space<hbm>> -> memref<1x40x1024xi32, #tpu.memory_space<hbm>>
      %dma_start3A_498 = tpu.memref_squeeze %dma_start3A_497 : memref<1x40x1024xi32, #tpu.memory_space<hbm>> -> memref<40x1024xi32, #tpu.memory_space<hbm>>
      %dma_start3A_499 = arith.constant 0 : i32
      %dma_start3A_500 = tpu.memref_slice %arg3[%add3A_495, %mul3A_487, %dma_start3A_499] : memref<26x1000x1024xi32, #tpu.memory_space<hbm>> -> memref<1x40x1024xi32, #tpu.memory_space<hbm>>
      %dma_start3A_501 = tpu.memref_squeeze %dma_start3A_500 : memref<1x40x1024xi32, #tpu.memory_space<hbm>> -> memref<40x1024xi32, #tpu.memory_space<hbm>>
      tpu.enqueue_dma source(%arg5 : memref<40x1024xi32, #tpu.memory_space<vmem>>) target(%dma_start3A_501 : memref<40x1024xi32, #tpu.memory_space<hbm>>) target_semaphore(%arg8 : memref<!tpu.dma_semaphore, #tpu.memory_space<semaphore_mem>>)
      %dma_wait3A_502 = arith.constant 0 : i32
      %dma_wait3A_503 = arith.constant 0 : i32
      %dma_wait3A_504 = arith.constant 0 : i32
      %dma_wait3A_505 = tpu.memref_slice %arg3[%dma_wait3A_502, %dma_wait3A_503, %dma_wait3A_504] : memref<26x1000x1024xi32, #tpu.memory_space<hbm>> -> memref<1x40x1024xi32, #tpu.memory_space<hbm>>
      %dma_wait3A_506 = tpu.memref_squeeze %dma_wait3A_505 : memref<1x40x1024xi32, #tpu.memory_space<hbm>> -> memref<40x1024xi32, #tpu.memory_space<hbm>>
      %dma_wait3A_507 = arith.constant 0 : i32
      %dma_wait3A_508 = arith.constant 0 : i32
      %dma_wait3A_509 = tpu.memref_slice %arg3[%dma_wait3A_502, %dma_wait3A_507, %dma_wait3A_508] : memref<26x1000x1024xi32, #tpu.memory_space<hbm>> -> memref<1x40x1024xi32, #tpu.memory_space<hbm>>
      %dma_wait3A_510 = tpu.memref_squeeze %dma_wait3A_509 : memref<1x40x1024xi32, #tpu.memory_space<hbm>> -> memref<40x1024xi32, #tpu.memory_space<hbm>>
      tpu.wait_dma2 semaphore(%arg9 : memref<!tpu.dma_semaphore, #tpu.memory_space<semaphore_mem>>) src(%arg6 : memref<40x1024xi32, #tpu.memory_space<vmem>>) dst(%dma_wait3A_510 : memref<40x1024xi32, #tpu.memory_space<hbm>>)
      %add3A_511 = arith.constant 1 : i32
      %add3A_512 = arith.addi %add3A_405, %add3A_511 : i32
      %sub3A_513 = arith.constant 3 : i32
      %sub3A_514 = arith.subi %add3A_512, %sub3A_513 : i32
      %add3A_515 = arith.addi %add3A_4, %sub3A_514 : i32
      %jit3A_516 = arith.constant 25 : i32
      %div3A_517 = arith.divsi %add3A_515, %jit3A_516 : i32
      %sign3A_518 = arith.constant 0 : i32
      %sign3A_519 = arith.cmpi sgt, %add3A_515, %sign3A_518 : i32
      %sign3A_520 = arith.extui %sign3A_519 : i1 to i32
      %sign3A_521 = arith.constant 0 : i32
      %sign3A_522 = arith.cmpi slt, %add3A_515, %sign3A_521 : i32
      %sign3A_523 = arith.extui %sign3A_522 : i1 to i32
      %sign3A_524 = arith.subi %sign3A_520, %sign3A_523 : i32
      %sign3A_525 = arith.constant 0 : i32
      %sign3A_526 = arith.cmpi sgt, %jit3A_516, %sign3A_525 : i32
      %sign3A_527 = arith.extui %sign3A_526 : i1 to i32
      %sign3A_528 = arith.constant 0 : i32
      %sign3A_529 = arith.cmpi slt, %jit3A_516, %sign3A_528 : i32
      %sign3A_530 = arith.extui %sign3A_529 : i1 to i32
      %sign3A_531 = arith.subi %sign3A_527, %sign3A_530 : i32
      %ne3A_532 = arith.cmpi ne, %sign3A_524, %sign3A_531 : i32
      %rem3A_533 = arith.remsi %add3A_515, %jit3A_516 : i32
      %ne3A_534 = arith.constant 0 : i32
      %ne3A_535 = arith.cmpi ne, %rem3A_533, %ne3A_534 : i32
      %and3A_536 = arith.andi %ne3A_532, %ne3A_535 : i1
      %sub3A_537 = arith.constant 1 : i32
      %sub3A_538 = arith.subi %div3A_517, %sub3A_537 : i32
      %select_n3A_539 = arith.select %and3A_536, %sub3A_538, %div3A_517 : i32
      %mul3A_540 = arith.constant 25 : i32
      %mul3A_541 = arith.muli %select_n3A_539, %mul3A_540 : i32
      %sub3A_542 = arith.subi %add3A_515, %mul3A_541 : i32
      %mul3A_543 = arith.constant 40 : i32
      %mul3A_544 = arith.muli %sub3A_542, %mul3A_543 : i32
      %sub3A_545 = arith.subi %select_n3A_539, %min3A_22 : i32
      %scan3A_546 = arith.constant 0 : i32
      %scan3A_547 = arith.constant 0 : i32
      %scan3A_548 = arith.constant 64 : i32
      %scan3A_549 = arith.addi %scan3A_547, %scan3A_548 : i32
      %scan3A_550 = arith.constant 2 : i32
      scf.for %scan3A_694 = %scan3A_547 to %scan3A_549 step %scan3A_550  : i32 {
        %mul3A_695 = arith.constant 1024 : i32
        %mul3A_696 = arith.muli %sub3A_545, %mul3A_695 : i32
        %mul3A_697 = arith.constant 16 : i32
        %mul3A_698 = arith.muli %scan3A_694, %mul3A_697 : i32
        %add3A_699 = arith.addi %mul3A_696, %mul3A_698 : i32
        %get3A = arith.index_cast %add3A_699 : i32 to index
        %get3A_700 = tpu.vector_load %arg4[%get3A] {strides = array<i32>} : memref<2048xi32, #tpu.memory_space<vmem>>, vector<16xi32>,
        %sub3A_701 = vector.broadcast %mul3A_544 : i32 to vector<16xi32>
        %sub3A_702 = arith.subi %get3A_700, %sub3A_701 : vector<16xi32>
        %ge3A = arith.constant 0 : i32
        %ge3A_703 = vector.broadcast %ge3A : i32 to vector<16xi32>
        %ge3A_704 = arith.cmpi sge, %sub3A_702, %ge3A_703 : vector<16xi32>
        %lt3A_705 = arith.constant 40 : i32
        %lt3A_706 = vector.broadcast %lt3A_705 : i32 to vector<16xi32>
        %lt3A_707 = arith.cmpi slt, %sub3A_702, %lt3A_706 : vector<16xi32>
        %and3A_708 = arith.andi %ge3A_704, %lt3A_707 : vector<16xi1>
        %mul3A_709 = arith.constant 16 : i32
        %mul3A_710 = arith.muli %scan3A_694, %mul3A_709 : i32
        %add3A_711 = vector.broadcast %mul3A_710 : i32 to vector<16xi32>
        %add3A_712 = arith.addi %add3A_711, %iota3A : vector<16xi32>
        tpu.vector_store_idx %arg6[%sub3A_702, %add3A_712], %broadcast_in_dim3A_23 masked %and3A_708 : memref<40x1024xi32, #tpu.memory_space<vmem>>[vector<16xi32>, vector<16xi32>], vector<16xi32>, vector<16xi1>
        %scan3A_713 = arith.constant 1 : i32
        %scan3A_714 = arith.addi %scan3A_694, %scan3A_713 : i32
        %mul3A_715 = arith.constant 1024 : i32
        %mul3A_716 = arith.muli %sub3A_545, %mul3A_715 : i32
        %mul3A_717 = arith.constant 16 : i32
        %mul3A_718 = arith.muli %scan3A_714, %mul3A_717 : i32
        %add3A_719 = arith.addi %mul3A_716, %mul3A_718 : i32
        %get3A_720 = arith.index_cast %add3A_719 : i32 to index
        %get3A_721 = tpu.vector_load %arg4[%get3A_720] {strides = array<i32>} : memref<2048xi32, #tpu.memory_space<vmem>>, vector<16xi32>,
        %sub3A_722 = vector.broadcast %mul3A_544 : i32 to vector<16xi32>
        %sub3A_723 = arith.subi %get3A_721, %sub3A_722 : vector<16xi32>
        %ge3A_724 = arith.constant 0 : i32
        %ge3A_725 = vector.broadcast %ge3A_724 : i32 to vector<16xi32>
        %ge3A_726 = arith.cmpi sge, %sub3A_723, %ge3A_725 : vector<16xi32>
        %lt3A_727 = arith.constant 40 : i32
        %lt3A_728 = vector.broadcast %lt3A_727 : i32 to vector<16xi32>
        %lt3A_729 = arith.cmpi slt, %sub3A_723, %lt3A_728 : vector<16xi32>
        %and3A_730 = arith.andi %ge3A_726, %lt3A_729 : vector<16xi1>
        %mul3A_731 = arith.constant 16 : i32
        %mul3A_732 = arith.muli %scan3A_714, %mul3A_731 : i32
        %add3A_733 = vector.broadcast %mul3A_732 : i32 to vector<16xi32>
        %add3A_734 = arith.addi %add3A_733, %iota3A : vector<16xi32>
        tpu.vector_store_idx %arg6[%sub3A_723, %add3A_734], %broadcast_in_dim3A_23 masked %and3A_730 : memref<40x1024xi32, #tpu.memory_space<vmem>>[vector<16xi32>, vector<16xi32>], vector<16xi32>, vector<16xi1>
      }
      %scan3A_551 = arith.constant 64 : i32
      %add3A_552 = arith.constant 1 : i32
      %add3A_553 = arith.addi %add3A_405, %add3A_552 : i32
      %add3A_554 = arith.addi %add3A_4, %add3A_553 : i32
      %jit3A_555 = arith.constant 25 : i32
      %div3A_556 = arith.divsi %add3A_554, %jit3A_555 : i32
      %sign3A_557 = arith.constant 0 : i32
      %sign3A_558 = arith.cmpi sgt, %add3A_554, %sign3A_557 : i32
      %sign3A_559 = arith.extui %sign3A_558 : i1 to i32
      %sign3A_560 = arith.constant 0 : i32
      %sign3A_561 = arith.cmpi slt, %add3A_554, %sign3A_560 : i32
      %sign3A_562 = arith.extui %sign3A_561 : i1 to i32
      %sign3A_563 = arith.subi %sign3A_559, %sign3A_562 : i32
      %sign3A_564 = arith.constant 0 : i32
      %sign3A_565 = arith.cmpi sgt, %jit3A_555, %sign3A_564 : i32
      %sign3A_566 = arith.extui %sign3A_565 : i1 to i32
      %sign3A_567 = arith.constant 0 : i32
      %sign3A_568 = arith.cmpi slt, %jit3A_555, %sign3A_567 : i32
      %sign3A_569 = arith.extui %sign3A_568 : i1 to i32
      %sign3A_570 = arith.subi %sign3A_566, %sign3A_569 : i32
      %ne3A_571 = arith.cmpi ne, %sign3A_563, %sign3A_570 : i32
      %rem3A_572 = arith.remsi %add3A_554, %jit3A_555 : i32
      %ne3A_573 = arith.constant 0 : i32
      %ne3A_574 = arith.cmpi ne, %rem3A_572, %ne3A_573 : i32
      %and3A_575 = arith.andi %ne3A_571, %ne3A_574 : i1
      %sub3A_576 = arith.constant 1 : i32
      %sub3A_577 = arith.subi %div3A_556, %sub3A_576 : i32
      %select_n3A_578 = arith.select %and3A_575, %sub3A_577, %div3A_556 : i32
      %mul3A_579 = arith.constant 25 : i32
      %mul3A_580 = arith.muli %select_n3A_578, %mul3A_579 : i32
      %sub3A_581 = arith.subi %add3A_554, %mul3A_580 : i32
      %mul3A_582 = arith.constant 40 : i32
      %mul3A_583 = arith.muli %sub3A_581, %mul3A_582 : i32
      %sub3A_584 = arith.subi %select_n3A_578, %min3A_22 : i32
      %scan3A_585 = arith.constant 0 : i32
      %scan3A_586 = arith.constant 0 : i32
      %scan3A_587 = arith.constant 64 : i32
      %scan3A_588 = arith.addi %scan3A_586, %scan3A_587 : i32
      %scan3A_589 = arith.constant 2 : i32
      scf.for %scan3A_694 = %scan3A_586 to %scan3A_588 step %scan3A_589  : i32 {
        %mul3A_695 = arith.constant 1024 : i32
        %mul3A_696 = arith.muli %sub3A_584, %mul3A_695 : i32
        %mul3A_697 = arith.constant 16 : i32
        %mul3A_698 = arith.muli %scan3A_694, %mul3A_697 : i32
        %add3A_699 = arith.addi %mul3A_696, %mul3A_698 : i32
        %get3A = arith.index_cast %add3A_699 : i32 to index
        %get3A_700 = tpu.vector_load %arg4[%get3A] {strides = array<i32>} : memref<2048xi32, #tpu.memory_space<vmem>>, vector<16xi32>,
        %sub3A_701 = vector.broadcast %mul3A_583 : i32 to vector<16xi32>
        %sub3A_702 = arith.subi %get3A_700, %sub3A_701 : vector<16xi32>
        %ge3A = arith.constant 0 : i32
        %ge3A_703 = vector.broadcast %ge3A : i32 to vector<16xi32>
        %ge3A_704 = arith.cmpi sge, %sub3A_702, %ge3A_703 : vector<16xi32>
        %lt3A_705 = arith.constant 40 : i32
        %lt3A_706 = vector.broadcast %lt3A_705 : i32 to vector<16xi32>
        %lt3A_707 = arith.cmpi slt, %sub3A_702, %lt3A_706 : vector<16xi32>
        %and3A_708 = arith.andi %ge3A_704, %lt3A_707 : vector<16xi1>
        %mul3A_709 = arith.constant 16 : i32
        %mul3A_710 = arith.muli %scan3A_694, %mul3A_709 : i32
        %add3A_711 = vector.broadcast %mul3A_710 : i32 to vector<16xi32>
        %add3A_712 = arith.addi %add3A_711, %iota3A : vector<16xi32>
        tpu.vector_store_idx %arg6[%sub3A_702, %add3A_712], %broadcast_in_dim3A_25 masked %and3A_708 : memref<40x1024xi32, #tpu.memory_space<vmem>>[vector<16xi32>, vector<16xi32>], vector<16xi32>, vector<16xi1>
        %scan3A_713 = arith.constant 1 : i32
        %scan3A_714 = arith.addi %scan3A_694, %scan3A_713 : i32
        %mul3A_715 = arith.constant 1024 : i32
        %mul3A_716 = arith.muli %sub3A_584, %mul3A_715 : i32
        %mul3A_717 = arith.constant 16 : i32
        %mul3A_718 = arith.muli %scan3A_714, %mul3A_717 : i32
        %add3A_719 = arith.addi %mul3A_716, %mul3A_718 : i32
        %get3A_720 = arith.index_cast %add3A_719 : i32 to index
        %get3A_721 = tpu.vector_load %arg4[%get3A_720] {strides = array<i32>} : memref<2048xi32, #tpu.memory_space<vmem>>, vector<16xi32>,
        %sub3A_722 = vector.broadcast %mul3A_583 : i32 to vector<16xi32>
        %sub3A_723 = arith.subi %get3A_721, %sub3A_722 : vector<16xi32>
        %ge3A_724 = arith.constant 0 : i32
        %ge3A_725 = vector.broadcast %ge3A_724 : i32 to vector<16xi32>
        %ge3A_726 = arith.cmpi sge, %sub3A_723, %ge3A_725 : vector<16xi32>
        %lt3A_727 = arith.constant 40 : i32
        %lt3A_728 = vector.broadcast %lt3A_727 : i32 to vector<16xi32>
        %lt3A_729 = arith.cmpi slt, %sub3A_723, %lt3A_728 : vector<16xi32>
        %and3A_730 = arith.andi %ge3A_726, %lt3A_729 : vector<16xi1>
        %mul3A_731 = arith.constant 16 : i32
        %mul3A_732 = arith.muli %scan3A_714, %mul3A_731 : i32
        %add3A_733 = vector.broadcast %mul3A_732 : i32 to vector<16xi32>
        %add3A_734 = arith.addi %add3A_733, %iota3A : vector<16xi32>
        tpu.vector_store_idx %arg6[%sub3A_723, %add3A_734], %broadcast_in_dim3A_25 masked %and3A_730 : memref<40x1024xi32, #tpu.memory_space<vmem>>[vector<16xi32>, vector<16xi32>], vector<16xi32>, vector<16xi1>
      }
      %scan3A_590 = arith.constant 64 : i32
      %add3A_591 = arith.addi %sub3A_584, %min3A_22 : i32
      %dma_start3A_592 = arith.constant 0 : i32
      %dma_start3A_593 = tpu.memref_slice %arg3[%add3A_591, %mul3A_583, %dma_start3A_592] : memref<26x1000x1024xi32, #tpu.memory_space<hbm>> -> memref<1x40x1024xi32, #tpu.memory_space<hbm>>
      %dma_start3A_594 = tpu.memref_squeeze %dma_start3A_593 : memref<1x40x1024xi32, #tpu.memory_space<hbm>> -> memref<40x1024xi32, #tpu.memory_space<hbm>>
      %dma_start3A_595 = arith.constant 0 : i32
      %dma_start3A_596 = tpu.memref_slice %arg3[%add3A_591, %mul3A_583, %dma_start3A_595] : memref<26x1000x1024xi32, #tpu.memory_space<hbm>> -> memref<1x40x1024xi32, #tpu.memory_space<hbm>>
      %dma_start3A_597 = tpu.memref_squeeze %dma_start3A_596 : memref<1x40x1024xi32, #tpu.memory_space<hbm>> -> memref<40x1024xi32, #tpu.memory_space<hbm>>
      tpu.enqueue_dma source(%arg6 : memref<40x1024xi32, #tpu.memory_space<vmem>>) target(%dma_start3A_597 : memref<40x1024xi32, #tpu.memory_space<hbm>>) target_semaphore(%arg9 : memref<!tpu.dma_semaphore, #tpu.memory_space<semaphore_mem>>)
      %dma_wait3A_598 = arith.constant 0 : i32
      %dma_wait3A_599 = arith.constant 0 : i32
      %dma_wait3A_600 = arith.constant 0 : i32
      %dma_wait3A_601 = tpu.memref_slice %arg3[%dma_wait3A_598, %dma_wait3A_599, %dma_wait3A_600] : memref<26x1000x1024xi32, #tpu.memory_space<hbm>> -> memref<1x40x1024xi32, #tpu.memory_space<hbm>>
      %dma_wait3A_602 = tpu.memref_squeeze %dma_wait3A_601 : memref<1x40x1024xi32, #tpu.memory_space<hbm>> -> memref<40x1024xi32, #tpu.memory_space<hbm>>
      %dma_wait3A_603 = arith.constant 0 : i32
      %dma_wait3A_604 = arith.constant 0 : i32
      %dma_wait3A_605 = tpu.memref_slice %arg3[%dma_wait3A_598, %dma_wait3A_603, %dma_wait3A_604] : memref<26x1000x1024xi32, #tpu.memory_space<hbm>> -> memref<1x40x1024xi32, #tpu.memory_space<hbm>>
      %dma_wait3A_606 = tpu.memref_squeeze %dma_wait3A_605 : memref<1x40x1024xi32, #tpu.memory_space<hbm>> -> memref<40x1024xi32, #tpu.memory_space<hbm>>
      tpu.wait_dma2 semaphore(%arg10 : memref<!tpu.dma_semaphore, #tpu.memory_space<semaphore_mem>>) src(%arg7 : memref<40x1024xi32, #tpu.memory_space<vmem>>) dst(%dma_wait3A_606 : memref<40x1024xi32, #tpu.memory_space<hbm>>)
      %add3A_607 = arith.constant 2 : i32
      %add3A_608 = arith.addi %add3A_405, %add3A_607 : i32
      %sub3A_609 = arith.constant 3 : i32
      %sub3A_610 = arith.subi %add3A_608, %sub3A_609 : i32
      %add3A_611 = arith.addi %add3A_4, %sub3A_610 : i32
      %jit3A_612 = arith.constant 25 : i32
      %div3A_613 = arith.divsi %add3A_611, %jit3A_612 : i32
      %sign3A_614 = arith.constant 0 : i32
      %sign3A_615 = arith.cmpi sgt, %add3A_611, %sign3A_614 : i32
      %sign3A_616 = arith.extui %sign3A_615 : i1 to i32
      %sign3A_617 = arith.constant 0 : i32
      %sign3A_618 = arith.cmpi slt, %add3A_611, %sign3A_617 : i32
      %sign3A_619 = arith.extui %sign3A_618 : i1 to i32
      %sign3A_620 = arith.subi %sign3A_616, %sign3A_619 : i32
      %sign3A_621 = arith.constant 0 : i32
      %sign3A_622 = arith.cmpi sgt, %jit3A_612, %sign3A_621 : i32
      %sign3A_623 = arith.extui %sign3A_622 : i1 to i32
      %sign3A_624 = arith.constant 0 : i32
      %sign3A_625 = arith.cmpi slt, %jit3A_612, %sign3A_624 : i32
      %sign3A_626 = arith.extui %sign3A_625 : i1 to i32
      %sign3A_627 = arith.subi %sign3A_623, %sign3A_626 : i32
      %ne3A_628 = arith.cmpi ne, %sign3A_620, %sign3A_627 : i32
      %rem3A_629 = arith.remsi %add3A_611, %jit3A_612 : i32
      %ne3A_630 = arith.constant 0 : i32
      %ne3A_631 = arith.cmpi ne, %rem3A_629, %ne3A_630 : i32
      %and3A_632 = arith.andi %ne3A_628, %ne3A_631 : i1
      %sub3A_633 = arith.constant 1 : i32
      %sub3A_634 = arith.subi %div3A_613, %sub3A_633 : i32
      %select_n3A_635 = arith.select %and3A_632, %sub3A_634, %div3A_613 : i32
      %mul3A_636 = arith.constant 25 : i32
      %mul3A_637 = arith.muli %select_n3A_635, %mul3A_636 : i32
      %sub3A_638 = arith.subi %add3A_611, %mul3A_637 : i32
      %mul3A_639 = arith.constant 40 : i32
      %mul3A_640 = arith.muli %sub3A_638, %mul3A_639 : i32
      %sub3A_641 = arith.subi %select_n3A_635, %min3A_22 : i32
      %scan3A_642 = arith.constant 0 : i32
      %scan3A_643 = arith.constant 0 : i32
      %scan3A_644 = arith.constant 64 : i32
      %scan3A_645 = arith.addi %scan3A_643, %scan3A_644 : i32
      %scan3A_646 = arith.constant 2 : i32
      scf.for %scan3A_694 = %scan3A_643 to %scan3A_645 step %scan3A_646  : i32 {
        %mul3A_695 = arith.constant 1024 : i32
        %mul3A_696 = arith.muli %sub3A_641, %mul3A_695 : i32
        %mul3A_697 = arith.constant 16 : i32
        %mul3A_698 = arith.muli %scan3A_694, %mul3A_697 : i32
        %add3A_699 = arith.addi %mul3A_696, %mul3A_698 : i32
        %get3A = arith.index_cast %add3A_699 : i32 to index
        %get3A_700 = tpu.vector_load %arg4[%get3A] {strides = array<i32>} : memref<2048xi32, #tpu.memory_space<vmem>>, vector<16xi32>,
        %sub3A_701 = vector.broadcast %mul3A_640 : i32 to vector<16xi32>
        %sub3A_702 = arith.subi %get3A_700, %sub3A_701 : vector<16xi32>
        %ge3A = arith.constant 0 : i32
        %ge3A_703 = vector.broadcast %ge3A : i32 to vector<16xi32>
        %ge3A_704 = arith.cmpi sge, %sub3A_702, %ge3A_703 : vector<16xi32>
        %lt3A_705 = arith.constant 40 : i32
        %lt3A_706 = vector.broadcast %lt3A_705 : i32 to vector<16xi32>
        %lt3A_707 = arith.cmpi slt, %sub3A_702, %lt3A_706 : vector<16xi32>
        %and3A_708 = arith.andi %ge3A_704, %lt3A_707 : vector<16xi1>
        %mul3A_709 = arith.constant 16 : i32
        %mul3A_710 = arith.muli %scan3A_694, %mul3A_709 : i32
        %add3A_711 = vector.broadcast %mul3A_710 : i32 to vector<16xi32>
        %add3A_712 = arith.addi %add3A_711, %iota3A : vector<16xi32>
        tpu.vector_store_idx %arg7[%sub3A_702, %add3A_712], %broadcast_in_dim3A_23 masked %and3A_708 : memref<40x1024xi32, #tpu.memory_space<vmem>>[vector<16xi32>, vector<16xi32>], vector<16xi32>, vector<16xi1>
        %scan3A_713 = arith.constant 1 : i32
        %scan3A_714 = arith.addi %scan3A_694, %scan3A_713 : i32
        %mul3A_715 = arith.constant 1024 : i32
        %mul3A_716 = arith.muli %sub3A_641, %mul3A_715 : i32
        %mul3A_717 = arith.constant 16 : i32
        %mul3A_718 = arith.muli %scan3A_714, %mul3A_717 : i32
        %add3A_719 = arith.addi %mul3A_716, %mul3A_718 : i32
        %get3A_720 = arith.index_cast %add3A_719 : i32 to index
        %get3A_721 = tpu.vector_load %arg4[%get3A_720] {strides = array<i32>} : memref<2048xi32, #tpu.memory_space<vmem>>, vector<16xi32>,
        %sub3A_722 = vector.broadcast %mul3A_640 : i32 to vector<16xi32>
        %sub3A_723 = arith.subi %get3A_721, %sub3A_722 : vector<16xi32>
        %ge3A_724 = arith.constant 0 : i32
        %ge3A_725 = vector.broadcast %ge3A_724 : i32 to vector<16xi32>
        %ge3A_726 = arith.cmpi sge, %sub3A_723, %ge3A_725 : vector<16xi32>
        %lt3A_727 = arith.constant 40 : i32
        %lt3A_728 = vector.broadcast %lt3A_727 : i32 to vector<16xi32>
        %lt3A_729 = arith.cmpi slt, %sub3A_723, %lt3A_728 : vector<16xi32>
        %and3A_730 = arith.andi %ge3A_726, %lt3A_729 : vector<16xi1>
        %mul3A_731 = arith.constant 16 : i32
        %mul3A_732 = arith.muli %scan3A_714, %mul3A_731 : i32
        %add3A_733 = vector.broadcast %mul3A_732 : i32 to vector<16xi32>
        %add3A_734 = arith.addi %add3A_733, %iota3A : vector<16xi32>
        tpu.vector_store_idx %arg7[%sub3A_723, %add3A_734], %broadcast_in_dim3A_23 masked %and3A_730 : memref<40x1024xi32, #tpu.memory_space<vmem>>[vector<16xi32>, vector<16xi32>], vector<16xi32>, vector<16xi1>
      }
      %scan3A_647 = arith.constant 64 : i32
      %add3A_648 = arith.constant 2 : i32
      %add3A_649 = arith.addi %add3A_405, %add3A_648 : i32
      %add3A_650 = arith.addi %add3A_4, %add3A_649 : i32
      %jit3A_651 = arith.constant 25 : i32
      %div3A_652 = arith.divsi %add3A_650, %jit3A_651 : i32
      %sign3A_653 = arith.constant 0 : i32
      %sign3A_654 = arith.cmpi sgt, %add3A_650, %sign3A_653 : i32
      %sign3A_655 = arith.extui %sign3A_654 : i1 to i32
      %sign3A_656 = arith.constant 0 : i32
      %sign3A_657 = arith.cmpi slt, %add3A_650, %sign3A_656 : i32
      %sign3A_658 = arith.extui %sign3A_657 : i1 to i32
      %sign3A_659 = arith.subi %sign3A_655, %sign3A_658 : i32
      %sign3A_660 = arith.constant 0 : i32
      %sign3A_661 = arith.cmpi sgt, %jit3A_651, %sign3A_660 : i32
      %sign3A_662 = arith.extui %sign3A_661 : i1 to i32
      %sign3A_663 = arith.constant 0 : i32
      %sign3A_664 = arith.cmpi slt, %jit3A_651, %sign3A_663 : i32
      %sign3A_665 = arith.extui %sign3A_664 : i1 to i32
      %sign3A_666 = arith.subi %sign3A_662, %sign3A_665 : i32
      %ne3A_667 = arith.cmpi ne, %sign3A_659, %sign3A_666 : i32
      %rem3A_668 = arith.remsi %add3A_650, %jit3A_651 : i32
      %ne3A_669 = arith.constant 0 : i32
      %ne3A_670 = arith.cmpi ne, %rem3A_668, %ne3A_669 : i32
      %and3A_671 = arith.andi %ne3A_667, %ne3A_670 : i1
      %sub3A_672 = arith.constant 1 : i32
      %sub3A_673 = arith.subi %div3A_652, %sub3A_672 : i32
      %select_n3A_674 = arith.select %and3A_671, %sub3A_673, %div3A_652 : i32
      %mul3A_675 = arith.constant 25 : i32
      %mul3A_676 = arith.muli %select_n3A_674, %mul3A_675 : i32
      %sub3A_677 = arith.subi %add3A_650, %mul3A_676 : i32
      %mul3A_678 = arith.constant 40 : i32
      %mul3A_679 = arith.muli %sub3A_677, %mul3A_678 : i32
      %sub3A_680 = arith.subi %select_n3A_674, %min3A_22 : i32
      %scan3A_681 = arith.constant 0 : i32
      %scan3A_682 = arith.constant 0 : i32
      %scan3A_683 = arith.constant 64 : i32
      %scan3A_684 = arith.addi %scan3A_682, %scan3A_683 : i32
      %scan3A_685 = arith.constant 2 : i32
      scf.for %scan3A_694 = %scan3A_682 to %scan3A_684 step %scan3A_685  : i32 {
        %mul3A_695 = arith.constant 1024 : i32
        %mul3A_696 = arith.muli %sub3A_680, %mul3A_695 : i32
        %mul3A_697 = arith.constant 16 : i32
        %mul3A_698 = arith.muli %scan3A_694, %mul3A_697 : i32
        %add3A_699 = arith.addi %mul3A_696, %mul3A_698 : i32
        %get3A = arith.index_cast %add3A_699 : i32 to index
        %get3A_700 = tpu.vector_load %arg4[%get3A] {strides = array<i32>} : memref<2048xi32, #tpu.memory_space<vmem>>, vector<16xi32>,
        %sub3A_701 = vector.broadcast %mul3A_679 : i32 to vector<16xi32>
        %sub3A_702 = arith.subi %get3A_700, %sub3A_701 : vector<16xi32>
        %ge3A = arith.constant 0 : i32
        %ge3A_703 = vector.broadcast %ge3A : i32 to vector<16xi32>
        %ge3A_704 = arith.cmpi sge, %sub3A_702, %ge3A_703 : vector<16xi32>
        %lt3A_705 = arith.constant 40 : i32
        %lt3A_706 = vector.broadcast %lt3A_705 : i32 to vector<16xi32>
        %lt3A_707 = arith.cmpi slt, %sub3A_702, %lt3A_706 : vector<16xi32>
        %and3A_708 = arith.andi %ge3A_704, %lt3A_707 : vector<16xi1>
        %mul3A_709 = arith.constant 16 : i32
        %mul3A_710 = arith.muli %scan3A_694, %mul3A_709 : i32
        %add3A_711 = vector.broadcast %mul3A_710 : i32 to vector<16xi32>
        %add3A_712 = arith.addi %add3A_711, %iota3A : vector<16xi32>
        tpu.vector_store_idx %arg7[%sub3A_702, %add3A_712], %broadcast_in_dim3A_25 masked %and3A_708 : memref<40x1024xi32, #tpu.memory_space<vmem>>[vector<16xi32>, vector<16xi32>], vector<16xi32>, vector<16xi1>
        %scan3A_713 = arith.constant 1 : i32
        %scan3A_714 = arith.addi %scan3A_694, %scan3A_713 : i32
        %mul3A_715 = arith.constant 1024 : i32
        %mul3A_716 = arith.muli %sub3A_680, %mul3A_715 : i32
        %mul3A_717 = arith.constant 16 : i32
        %mul3A_718 = arith.muli %scan3A_714, %mul3A_717 : i32
        %add3A_719 = arith.addi %mul3A_716, %mul3A_718 : i32
        %get3A_720 = arith.index_cast %add3A_719 : i32 to index
        %get3A_721 = tpu.vector_load %arg4[%get3A_720] {strides = array<i32>} : memref<2048xi32, #tpu.memory_space<vmem>>, vector<16xi32>,
        %sub3A_722 = vector.broadcast %mul3A_679 : i32 to vector<16xi32>
        %sub3A_723 = arith.subi %get3A_721, %sub3A_722 : vector<16xi32>
        %ge3A_724 = arith.constant 0 : i32
        %ge3A_725 = vector.broadcast %ge3A_724 : i32 to vector<16xi32>
        %ge3A_726 = arith.cmpi sge, %sub3A_723, %ge3A_725 : vector<16xi32>
        %lt3A_727 = arith.constant 40 : i32
        %lt3A_728 = vector.broadcast %lt3A_727 : i32 to vector<16xi32>
        %lt3A_729 = arith.cmpi slt, %sub3A_723, %lt3A_728 : vector<16xi32>
        %and3A_730 = arith.andi %ge3A_726, %lt3A_729 : vector<16xi1>
        %mul3A_731 = arith.constant 16 : i32
        %mul3A_732 = arith.muli %scan3A_714, %mul3A_731 : i32
        %add3A_733 = vector.broadcast %mul3A_732 : i32 to vector<16xi32>
        %add3A_734 = arith.addi %add3A_733, %iota3A : vector<16xi32>
        tpu.vector_store_idx %arg7[%sub3A_723, %add3A_734], %broadcast_in_dim3A_25 masked %and3A_730 : memref<40x1024xi32, #tpu.memory_space<vmem>>[vector<16xi32>, vector<16xi32>], vector<16xi32>, vector<16xi1>
      }
      %scan3A_686 = arith.constant 64 : i32
      %add3A_687 = arith.addi %sub3A_680, %min3A_22 : i32
      %dma_start3A_688 = arith.constant 0 : i32
      %dma_start3A_689 = tpu.memref_slice %arg3[%add3A_687, %mul3A_679, %dma_start3A_688] : memref<26x1000x1024xi32, #tpu.memory_space<hbm>> -> memref<1x40x1024xi32, #tpu.memory_space<hbm>>
      %dma_start3A_690 = tpu.memref_squeeze %dma_start3A_689 : memref<1x40x1024xi32, #tpu.memory_space<hbm>> -> memref<40x1024xi32, #tpu.memory_space<hbm>>
      %dma_start3A_691 = arith.constant 0 : i32
      %dma_start3A_692 = tpu.memref_slice %arg3[%add3A_687, %mul3A_679, %dma_start3A_691] : memref<26x1000x1024xi32, #tpu.memory_space<hbm>> -> memref<1x40x1024xi32, #tpu.memory_space<hbm>>
      %dma_start3A_693 = tpu.memref_squeeze %dma_start3A_692 : memref<1x40x1024xi32, #tpu.memory_space<hbm>> -> memref<40x1024xi32, #tpu.memory_space<hbm>>
      tpu.enqueue_dma source(%arg7 : memref<40x1024xi32, #tpu.memory_space<vmem>>) target(%dma_start3A_693 : memref<40x1024xi32, #tpu.memory_space<hbm>>) target_semaphore(%arg10 : memref<!tpu.dma_semaphore, #tpu.memory_space<semaphore_mem>>)
    }
    %scan3A_187 = arith.constant 5 : i32
    %dma_wait3A_188 = arith.constant 0 : i32
    %dma_wait3A_189 = arith.constant 0 : i32
    %dma_wait3A_190 = arith.constant 0 : i32
    %dma_wait3A_191 = tpu.memref_slice %arg3[%dma_wait3A_188, %dma_wait3A_189, %dma_wait3A_190] : memref<26x1000x1024xi32, #tpu.memory_space<hbm>> -> memref<1x40x1024xi32, #tpu.memory_space<hbm>>
    %dma_wait3A_192 = tpu.memref_squeeze %dma_wait3A_191 : memref<1x40x1024xi32, #tpu.memory_space<hbm>> -> memref<40x1024xi32, #tpu.memory_space<hbm>>
    %dma_wait3A_193 = arith.constant 0 : i32
    %dma_wait3A_194 = arith.constant 0 : i32
    %dma_wait3A_195 = tpu.memref_slice %arg3[%dma_wait3A_188, %dma_wait3A_193, %dma_wait3A_194] : memref<26x1000x1024xi32, #tpu.memory_space<hbm>> -> memref<1x40x1024xi32, #tpu.memory_space<hbm>>
    %dma_wait3A_196 = tpu.memref_squeeze %dma_wait3A_195 : memref<1x40x1024xi32, #tpu.memory_space<hbm>> -> memref<40x1024xi32, #tpu.memory_space<hbm>>
    tpu.wait_dma2 semaphore(%arg8 : memref<!tpu.dma_semaphore, #tpu.memory_space<semaphore_mem>>) src(%arg5 : memref<40x1024xi32, #tpu.memory_space<vmem>>) dst(%dma_wait3A_196 : memref<40x1024xi32, #tpu.memory_space<hbm>>)
    %add3A_197 = arith.constant 15 : i32
    %add3A_198 = arith.addi %add3A_4, %add3A_197 : i32
    %jit3A_199 = arith.constant 25 : i32
    %div3A_200 = arith.divsi %add3A_198, %jit3A_199 : i32
    %sign3A_201 = arith.constant 0 : i32
    %sign3A_202 = arith.cmpi sgt, %add3A_198, %sign3A_201 : i32
    %sign3A_203 = arith.extui %sign3A_202 : i1 to i32
    %sign3A_204 = arith.constant 0 : i32
    %sign3A_205 = arith.cmpi slt, %add3A_198, %sign3A_204 : i32
    %sign3A_206 = arith.extui %sign3A_205 : i1 to i32
    %sign3A_207 = arith.subi %sign3A_203, %sign3A_206 : i32
    %sign3A_208 = arith.constant 0 : i32
    %sign3A_209 = arith.cmpi sgt, %jit3A_199, %sign3A_208 : i32
    %sign3A_210 = arith.extui %sign3A_209 : i1 to i32
    %sign3A_211 = arith.constant 0 : i32
    %sign3A_212 = arith.cmpi slt, %jit3A_199, %sign3A_211 : i32
    %sign3A_213 = arith.extui %sign3A_212 : i1 to i32
    %sign3A_214 = arith.subi %sign3A_210, %sign3A_213 : i32
    %ne3A_215 = arith.cmpi ne, %sign3A_207, %sign3A_214 : i32
    %rem3A_216 = arith.remsi %add3A_198, %jit3A_199 : i32
    %ne3A_217 = arith.constant 0 : i32
    %ne3A_218 = arith.cmpi ne, %rem3A_216, %ne3A_217 : i32
    %and3A_219 = arith.andi %ne3A_215, %ne3A_218 : i1
    %sub3A_220 = arith.constant 1 : i32
    %sub3A_221 = arith.subi %div3A_200, %sub3A_220 : i32
    %select_n3A_222 = arith.select %and3A_219, %sub3A_221, %div3A_200 : i32
    %mul3A_223 = arith.constant 25 : i32
    %mul3A_224 = arith.muli %select_n3A_222, %mul3A_223 : i32
    %sub3A_225 = arith.subi %add3A_198, %mul3A_224 : i32
    %mul3A_226 = arith.constant 40 : i32
    %mul3A_227 = arith.muli %sub3A_225, %mul3A_226 : i32
    %sub3A_228 = arith.subi %select_n3A_222, %min3A_22 : i32
    %scan3A_229 = arith.constant 0 : i32
    %scan3A_230 = arith.constant 0 : i32
    %scan3A_231 = arith.constant 64 : i32
    %scan3A_232 = arith.addi %scan3A_230, %scan3A_231 : i32
    %scan3A_233 = arith.constant 2 : i32
    scf.for %scan3A_401 = %scan3A_230 to %scan3A_232 step %scan3A_233  : i32 {
      %mul3A_402 = arith.constant 1024 : i32
      %mul3A_403 = arith.muli %sub3A_228, %mul3A_402 : i32
      %mul3A_404 = arith.constant 16 : i32
      %mul3A_405 = arith.muli %scan3A_401, %mul3A_404 : i32
      %add3A_406 = arith.addi %mul3A_403, %mul3A_405 : i32
      %get3A = arith.index_cast %add3A_406 : i32 to index
      %get3A_407 = tpu.vector_load %arg4[%get3A] {strides = array<i32>} : memref<2048xi32, #tpu.memory_space<vmem>>, vector<16xi32>,
      %sub3A_408 = vector.broadcast %mul3A_227 : i32 to vector<16xi32>
      %sub3A_409 = arith.subi %get3A_407, %sub3A_408 : vector<16xi32>
      %ge3A = arith.constant 0 : i32
      %ge3A_410 = vector.broadcast %ge3A : i32 to vector<16xi32>
      %ge3A_411 = arith.cmpi sge, %sub3A_409, %ge3A_410 : vector<16xi32>
      %lt3A_412 = arith.constant 40 : i32
      %lt3A_413 = vector.broadcast %lt3A_412 : i32 to vector<16xi32>
      %lt3A_414 = arith.cmpi slt, %sub3A_409, %lt3A_413 : vector<16xi32>
      %and3A_415 = arith.andi %ge3A_411, %lt3A_414 : vector<16xi1>
      %mul3A_416 = arith.constant 16 : i32
      %mul3A_417 = arith.muli %scan3A_401, %mul3A_416 : i32
      %add3A_418 = vector.broadcast %mul3A_417 : i32 to vector<16xi32>
      %add3A_419 = arith.addi %add3A_418, %iota3A : vector<16xi32>
      tpu.vector_store_idx %arg5[%sub3A_409, %add3A_419], %broadcast_in_dim3A_23 masked %and3A_415 : memref<40x1024xi32, #tpu.memory_space<vmem>>[vector<16xi32>, vector<16xi32>], vector<16xi32>, vector<16xi1>
      %scan3A_420 = arith.constant 1 : i32
      %scan3A_421 = arith.addi %scan3A_401, %scan3A_420 : i32
      %mul3A_422 = arith.constant 1024 : i32
      %mul3A_423 = arith.muli %sub3A_228, %mul3A_422 : i32
      %mul3A_424 = arith.constant 16 : i32
      %mul3A_425 = arith.muli %scan3A_421, %mul3A_424 : i32
      %add3A_426 = arith.addi %mul3A_423, %mul3A_425 : i32
      %get3A_427 = arith.index_cast %add3A_426 : i32 to index
      %get3A_428 = tpu.vector_load %arg4[%get3A_427] {strides = array<i32>} : memref<2048xi32, #tpu.memory_space<vmem>>, vector<16xi32>,
      %sub3A_429 = vector.broadcast %mul3A_227 : i32 to vector<16xi32>
      %sub3A_430 = arith.subi %get3A_428, %sub3A_429 : vector<16xi32>
      %ge3A_431 = arith.constant 0 : i32
      %ge3A_432 = vector.broadcast %ge3A_431 : i32 to vector<16xi32>
      %ge3A_433 = arith.cmpi sge, %sub3A_430, %ge3A_432 : vector<16xi32>
      %lt3A_434 = arith.constant 40 : i32
      %lt3A_435 = vector.broadcast %lt3A_434 : i32 to vector<16xi32>
      %lt3A_436 = arith.cmpi slt, %sub3A_430, %lt3A_435 : vector<16xi32>
      %and3A_437 = arith.andi %ge3A_433, %lt3A_436 : vector<16xi1>
      %mul3A_438 = arith.constant 16 : i32
      %mul3A_439 = arith.muli %scan3A_421, %mul3A_438 : i32
      %add3A_440 = vector.broadcast %mul3A_439 : i32 to vector<16xi32>
      %add3A_441 = arith.addi %add3A_440, %iota3A : vector<16xi32>
      tpu.vector_store_idx %arg5[%sub3A_430, %add3A_441], %broadcast_in_dim3A_23 masked %and3A_437 : memref<40x1024xi32, #tpu.memory_space<vmem>>[vector<16xi32>, vector<16xi32>], vector<16xi32>, vector<16xi1>
    }
    %scan3A_234 = arith.constant 64 : i32
    %add3A_235 = arith.constant 18 : i32
    %add3A_236 = arith.addi %add3A_4, %add3A_235 : i32
    %jit3A_237 = arith.constant 25 : i32
    %div3A_238 = arith.divsi %add3A_236, %jit3A_237 : i32
    %sign3A_239 = arith.constant 0 : i32
    %sign3A_240 = arith.cmpi sgt, %add3A_236, %sign3A_239 : i32
    %sign3A_241 = arith.extui %sign3A_240 : i1 to i32
    %sign3A_242 = arith.constant 0 : i32
    %sign3A_243 = arith.cmpi slt, %add3A_236, %sign3A_242 : i32
    %sign3A_244 = arith.extui %sign3A_243 : i1 to i32
    %sign3A_245 = arith.subi %sign3A_241, %sign3A_244 : i32
    %sign3A_246 = arith.constant 0 : i32
    %sign3A_247 = arith.cmpi sgt, %jit3A_237, %sign3A_246 : i32
    %sign3A_248 = arith.extui %sign3A_247 : i1 to i32
    %sign3A_249 = arith.constant 0 : i32
    %sign3A_250 = arith.cmpi slt, %jit3A_237, %sign3A_249 : i32
    %sign3A_251 = arith.extui %sign3A_250 : i1 to i32
    %sign3A_252 = arith.subi %sign3A_248, %sign3A_251 : i32
    %ne3A_253 = arith.cmpi ne, %sign3A_245, %sign3A_252 : i32
    %rem3A_254 = arith.remsi %add3A_236, %jit3A_237 : i32
    %ne3A_255 = arith.constant 0 : i32
    %ne3A_256 = arith.cmpi ne, %rem3A_254, %ne3A_255 : i32
    %and3A_257 = arith.andi %ne3A_253, %ne3A_256 : i1
    %sub3A_258 = arith.constant 1 : i32
    %sub3A_259 = arith.subi %div3A_238, %sub3A_258 : i32
    %select_n3A_260 = arith.select %and3A_257, %sub3A_259, %div3A_238 : i32
    %mul3A_261 = arith.constant 25 : i32
    %mul3A_262 = arith.muli %select_n3A_260, %mul3A_261 : i32
    %sub3A_263 = arith.subi %add3A_236, %mul3A_262 : i32
    %mul3A_264 = arith.constant 40 : i32
    %mul3A_265 = arith.muli %sub3A_263, %mul3A_264 : i32
    %sub3A_266 = arith.subi %select_n3A_260, %min3A_22 : i32
    %scan3A_267 = arith.constant 0 : i32
    %scan3A_268 = arith.constant 0 : i32
    %scan3A_269 = arith.constant 64 : i32
    %scan3A_270 = arith.addi %scan3A_268, %scan3A_269 : i32
    %scan3A_271 = arith.constant 2 : i32
    scf.for %scan3A_401 = %scan3A_268 to %scan3A_270 step %scan3A_271  : i32 {
      %mul3A_402 = arith.constant 1024 : i32
      %mul3A_403 = arith.muli %sub3A_266, %mul3A_402 : i32
      %mul3A_404 = arith.constant 16 : i32
      %mul3A_405 = arith.muli %scan3A_401, %mul3A_404 : i32
      %add3A_406 = arith.addi %mul3A_403, %mul3A_405 : i32
      %get3A = arith.index_cast %add3A_406 : i32 to index
      %get3A_407 = tpu.vector_load %arg4[%get3A] {strides = array<i32>} : memref<2048xi32, #tpu.memory_space<vmem>>, vector<16xi32>,
      %sub3A_408 = vector.broadcast %mul3A_265 : i32 to vector<16xi32>
      %sub3A_409 = arith.subi %get3A_407, %sub3A_408 : vector<16xi32>
      %ge3A = arith.constant 0 : i32
      %ge3A_410 = vector.broadcast %ge3A : i32 to vector<16xi32>
      %ge3A_411 = arith.cmpi sge, %sub3A_409, %ge3A_410 : vector<16xi32>
      %lt3A_412 = arith.constant 40 : i32
      %lt3A_413 = vector.broadcast %lt3A_412 : i32 to vector<16xi32>
      %lt3A_414 = arith.cmpi slt, %sub3A_409, %lt3A_413 : vector<16xi32>
      %and3A_415 = arith.andi %ge3A_411, %lt3A_414 : vector<16xi1>
      %mul3A_416 = arith.constant 16 : i32
      %mul3A_417 = arith.muli %scan3A_401, %mul3A_416 : i32
      %add3A_418 = vector.broadcast %mul3A_417 : i32 to vector<16xi32>
      %add3A_419 = arith.addi %add3A_418, %iota3A : vector<16xi32>
      tpu.vector_store_idx %arg5[%sub3A_409, %add3A_419], %broadcast_in_dim3A_25 masked %and3A_415 : memref<40x1024xi32, #tpu.memory_space<vmem>>[vector<16xi32>, vector<16xi32>], vector<16xi32>, vector<16xi1>
      %scan3A_420 = arith.constant 1 : i32
      %scan3A_421 = arith.addi %scan3A_401, %scan3A_420 : i32
      %mul3A_422 = arith.constant 1024 : i32
      %mul3A_423 = arith.muli %sub3A_266, %mul3A_422 : i32
      %mul3A_424 = arith.constant 16 : i32
      %mul3A_425 = arith.muli %scan3A_421, %mul3A_424 : i32
      %add3A_426 = arith.addi %mul3A_423, %mul3A_425 : i32
      %get3A_427 = arith.index_cast %add3A_426 : i32 to index
      %get3A_428 = tpu.vector_load %arg4[%get3A_427] {strides = array<i32>} : memref<2048xi32, #tpu.memory_space<vmem>>, vector<16xi32>,
      %sub3A_429 = vector.broadcast %mul3A_265 : i32 to vector<16xi32>
      %sub3A_430 = arith.subi %get3A_428, %sub3A_429 : vector<16xi32>
      %ge3A_431 = arith.constant 0 : i32
      %ge3A_432 = vector.broadcast %ge3A_431 : i32 to vector<16xi32>
      %ge3A_433 = arith.cmpi sge, %sub3A_430, %ge3A_432 : vector<16xi32>
      %lt3A_434 = arith.constant 40 : i32
      %lt3A_435 = vector.broadcast %lt3A_434 : i32 to vector<16xi32>
      %lt3A_436 = arith.cmpi slt, %sub3A_430, %lt3A_435 : vector<16xi32>
      %and3A_437 = arith.andi %ge3A_433, %lt3A_436 : vector<16xi1>
      %mul3A_438 = arith.constant 16 : i32
      %mul3A_439 = arith.muli %scan3A_421, %mul3A_438 : i32
      %add3A_440 = vector.broadcast %mul3A_439 : i32 to vector<16xi32>
      %add3A_441 = arith.addi %add3A_440, %iota3A : vector<16xi32>
      tpu.vector_store_idx %arg5[%sub3A_430, %add3A_441], %broadcast_in_dim3A_25 masked %and3A_437 : memref<40x1024xi32, #tpu.memory_space<vmem>>[vector<16xi32>, vector<16xi32>], vector<16xi32>, vector<16xi1>
    }
    %scan3A_272 = arith.constant 64 : i32
    %add3A_273 = arith.addi %sub3A_266, %min3A_22 : i32
    %dma_start3A_274 = arith.constant 0 : i32
    %dma_start3A_275 = tpu.memref_slice %arg3[%add3A_273, %mul3A_265, %dma_start3A_274] : memref<26x1000x1024xi32, #tpu.memory_space<hbm>> -> memref<1x40x1024xi32, #tpu.memory_space<hbm>>
    %dma_start3A_276 = tpu.memref_squeeze %dma_start3A_275 : memref<1x40x1024xi32, #tpu.memory_space<hbm>> -> memref<40x1024xi32, #tpu.memory_space<hbm>>
    %dma_start3A_277 = arith.constant 0 : i32
    %dma_start3A_278 = tpu.memref_slice %arg3[%add3A_273, %mul3A_265, %dma_start3A_277] : memref<26x1000x1024xi32, #tpu.memory_space<hbm>> -> memref<1x40x1024xi32, #tpu.memory_space<hbm>>
    %dma_start3A_279 = tpu.memref_squeeze %dma_start3A_278 : memref<1x40x1024xi32, #tpu.memory_space<hbm>> -> memref<40x1024xi32, #tpu.memory_space<hbm>>
    tpu.enqueue_dma source(%arg5 : memref<40x1024xi32, #tpu.memory_space<vmem>>) target(%dma_start3A_279 : memref<40x1024xi32, #tpu.memory_space<hbm>>) target_semaphore(%arg8 : memref<!tpu.dma_semaphore, #tpu.memory_space<semaphore_mem>>)
    %dma_wait3A_280 = arith.constant 0 : i32
    %dma_wait3A_281 = arith.constant 0 : i32
    %dma_wait3A_282 = arith.constant 0 : i32
    %dma_wait3A_283 = tpu.memref_slice %arg3[%dma_wait3A_280, %dma_wait3A_281, %dma_wait3A_282] : memref<26x1000x1024xi32, #tpu.memory_space<hbm>> -> memref<1x40x1024xi32, #tpu.memory_space<hbm>>
    %dma_wait3A_284 = tpu.memref_squeeze %dma_wait3A_283 : memref<1x40x1024xi32, #tpu.memory_space<hbm>> -> memref<40x1024xi32, #tpu.memory_space<hbm>>
    %dma_wait3A_285 = arith.constant 0 : i32
    %dma_wait3A_286 = arith.constant 0 : i32
    %dma_wait3A_287 = tpu.memref_slice %arg3[%dma_wait3A_280, %dma_wait3A_285, %dma_wait3A_286] : memref<26x1000x1024xi32, #tpu.memory_space<hbm>> -> memref<1x40x1024xi32, #tpu.memory_space<hbm>>
    %dma_wait3A_288 = tpu.memref_squeeze %dma_wait3A_287 : memref<1x40x1024xi32, #tpu.memory_space<hbm>> -> memref<40x1024xi32, #tpu.memory_space<hbm>>
    tpu.wait_dma2 semaphore(%arg9 : memref<!tpu.dma_semaphore, #tpu.memory_space<semaphore_mem>>) src(%arg6 : memref<40x1024xi32, #tpu.memory_space<vmem>>) dst(%dma_wait3A_288 : memref<40x1024xi32, #tpu.memory_space<hbm>>)
    %add3A_289 = arith.constant 16 : i32
    %add3A_290 = arith.addi %add3A_4, %add3A_289 : i32
    %jit3A_291 = arith.constant 25 : i32
    %div3A_292 = arith.divsi %add3A_290, %jit3A_291 : i32
    %sign3A_293 = arith.constant 0 : i32
    %sign3A_294 = arith.cmpi sgt, %add3A_290, %sign3A_293 : i32
    %sign3A_295 = arith.extui %sign3A_294 : i1 to i32
    %sign3A_296 = arith.constant 0 : i32
    %sign3A_297 = arith.cmpi slt, %add3A_290, %sign3A_296 : i32
    %sign3A_298 = arith.extui %sign3A_297 : i1 to i32
    %sign3A_299 = arith.subi %sign3A_295, %sign3A_298 : i32
    %sign3A_300 = arith.constant 0 : i32
    %sign3A_301 = arith.cmpi sgt, %jit3A_291, %sign3A_300 : i32
    %sign3A_302 = arith.extui %sign3A_301 : i1 to i32
    %sign3A_303 = arith.constant 0 : i32
    %sign3A_304 = arith.cmpi slt, %jit3A_291, %sign3A_303 : i32
    %sign3A_305 = arith.extui %sign3A_304 : i1 to i32
    %sign3A_306 = arith.subi %sign3A_302, %sign3A_305 : i32
    %ne3A_307 = arith.cmpi ne, %sign3A_299, %sign3A_306 : i32
    %rem3A_308 = arith.remsi %add3A_290, %jit3A_291 : i32
    %ne3A_309 = arith.constant 0 : i32
    %ne3A_310 = arith.cmpi ne, %rem3A_308, %ne3A_309 : i32
    %and3A_311 = arith.andi %ne3A_307, %ne3A_310 : i1
    %sub3A_312 = arith.constant 1 : i32
    %sub3A_313 = arith.subi %div3A_292, %sub3A_312 : i32
    %select_n3A_314 = arith.select %and3A_311, %sub3A_313, %div3A_292 : i32
    %mul3A_315 = arith.constant 25 : i32
    %mul3A_316 = arith.muli %select_n3A_314, %mul3A_315 : i32
    %sub3A_317 = arith.subi %add3A_290, %mul3A_316 : i32
    %mul3A_318 = arith.constant 40 : i32
    %mul3A_319 = arith.muli %sub3A_317, %mul3A_318 : i32
    %sub3A_320 = arith.subi %select_n3A_314, %min3A_22 : i32
    %scan3A_321 = arith.constant 0 : i32
    %scan3A_322 = arith.constant 0 : i32
    %scan3A_323 = arith.constant 64 : i32
    %scan3A_324 = arith.addi %scan3A_322, %scan3A_323 : i32
    %scan3A_325 = arith.constant 2 : i32
    scf.for %scan3A_401 = %scan3A_322 to %scan3A_324 step %scan3A_325  : i32 {
      %mul3A_402 = arith.constant 1024 : i32
      %mul3A_403 = arith.muli %sub3A_320, %mul3A_402 : i32
      %mul3A_404 = arith.constant 16 : i32
      %mul3A_405 = arith.muli %scan3A_401, %mul3A_404 : i32
      %add3A_406 = arith.addi %mul3A_403, %mul3A_405 : i32
      %get3A = arith.index_cast %add3A_406 : i32 to index
      %get3A_407 = tpu.vector_load %arg4[%get3A] {strides = array<i32>} : memref<2048xi32, #tpu.memory_space<vmem>>, vector<16xi32>,
      %sub3A_408 = vector.broadcast %mul3A_319 : i32 to vector<16xi32>
      %sub3A_409 = arith.subi %get3A_407, %sub3A_408 : vector<16xi32>
      %ge3A = arith.constant 0 : i32
      %ge3A_410 = vector.broadcast %ge3A : i32 to vector<16xi32>
      %ge3A_411 = arith.cmpi sge, %sub3A_409, %ge3A_410 : vector<16xi32>
      %lt3A_412 = arith.constant 40 : i32
      %lt3A_413 = vector.broadcast %lt3A_412 : i32 to vector<16xi32>
      %lt3A_414 = arith.cmpi slt, %sub3A_409, %lt3A_413 : vector<16xi32>
      %and3A_415 = arith.andi %ge3A_411, %lt3A_414 : vector<16xi1>
      %mul3A_416 = arith.constant 16 : i32
      %mul3A_417 = arith.muli %scan3A_401, %mul3A_416 : i32
      %add3A_418 = vector.broadcast %mul3A_417 : i32 to vector<16xi32>
      %add3A_419 = arith.addi %add3A_418, %iota3A : vector<16xi32>
      tpu.vector_store_idx %arg6[%sub3A_409, %add3A_419], %broadcast_in_dim3A_23 masked %and3A_415 : memref<40x1024xi32, #tpu.memory_space<vmem>>[vector<16xi32>, vector<16xi32>], vector<16xi32>, vector<16xi1>
      %scan3A_420 = arith.constant 1 : i32
      %scan3A_421 = arith.addi %scan3A_401, %scan3A_420 : i32
      %mul3A_422 = arith.constant 1024 : i32
      %mul3A_423 = arith.muli %sub3A_320, %mul3A_422 : i32
      %mul3A_424 = arith.constant 16 : i32
      %mul3A_425 = arith.muli %scan3A_421, %mul3A_424 : i32
      %add3A_426 = arith.addi %mul3A_423, %mul3A_425 : i32
      %get3A_427 = arith.index_cast %add3A_426 : i32 to index
      %get3A_428 = tpu.vector_load %arg4[%get3A_427] {strides = array<i32>} : memref<2048xi32, #tpu.memory_space<vmem>>, vector<16xi32>,
      %sub3A_429 = vector.broadcast %mul3A_319 : i32 to vector<16xi32>
      %sub3A_430 = arith.subi %get3A_428, %sub3A_429 : vector<16xi32>
      %ge3A_431 = arith.constant 0 : i32
      %ge3A_432 = vector.broadcast %ge3A_431 : i32 to vector<16xi32>
      %ge3A_433 = arith.cmpi sge, %sub3A_430, %ge3A_432 : vector<16xi32>
      %lt3A_434 = arith.constant 40 : i32
      %lt3A_435 = vector.broadcast %lt3A_434 : i32 to vector<16xi32>
      %lt3A_436 = arith.cmpi slt, %sub3A_430, %lt3A_435 : vector<16xi32>
      %and3A_437 = arith.andi %ge3A_433, %lt3A_436 : vector<16xi1>
      %mul3A_438 = arith.constant 16 : i32
      %mul3A_439 = arith.muli %scan3A_421, %mul3A_438 : i32
      %add3A_440 = vector.broadcast %mul3A_439 : i32 to vector<16xi32>
      %add3A_441 = arith.addi %add3A_440, %iota3A : vector<16xi32>
      tpu.vector_store_idx %arg6[%sub3A_430, %add3A_441], %broadcast_in_dim3A_23 masked %and3A_437 : memref<40x1024xi32, #tpu.memory_space<vmem>>[vector<16xi32>, vector<16xi32>], vector<16xi32>, vector<16xi1>
    }
    %scan3A_326 = arith.constant 64 : i32
    %add3A_327 = arith.constant 19 : i32
    %add3A_328 = arith.addi %add3A_4, %add3A_327 : i32
    %jit3A_329 = arith.constant 25 : i32
    %div3A_330 = arith.divsi %add3A_328, %jit3A_329 : i32
    %sign3A_331 = arith.constant 0 : i32
    %sign3A_332 = arith.cmpi sgt, %add3A_328, %sign3A_331 : i32
    %sign3A_333 = arith.extui %sign3A_332 : i1 to i32
    %sign3A_334 = arith.constant 0 : i32
    %sign3A_335 = arith.cmpi slt, %add3A_328, %sign3A_334 : i32
    %sign3A_336 = arith.extui %sign3A_335 : i1 to i32
    %sign3A_337 = arith.subi %sign3A_333, %sign3A_336 : i32
    %sign3A_338 = arith.constant 0 : i32
    %sign3A_339 = arith.cmpi sgt, %jit3A_329, %sign3A_338 : i32
    %sign3A_340 = arith.extui %sign3A_339 : i1 to i32
    %sign3A_341 = arith.constant 0 : i32
    %sign3A_342 = arith.cmpi slt, %jit3A_329, %sign3A_341 : i32
    %sign3A_343 = arith.extui %sign3A_342 : i1 to i32
    %sign3A_344 = arith.subi %sign3A_340, %sign3A_343 : i32
    %ne3A_345 = arith.cmpi ne, %sign3A_337, %sign3A_344 : i32
    %rem3A_346 = arith.remsi %add3A_328, %jit3A_329 : i32
    %ne3A_347 = arith.constant 0 : i32
    %ne3A_348 = arith.cmpi ne, %rem3A_346, %ne3A_347 : i32
    %and3A_349 = arith.andi %ne3A_345, %ne3A_348 : i1
    %sub3A_350 = arith.constant 1 : i32
    %sub3A_351 = arith.subi %div3A_330, %sub3A_350 : i32
    %select_n3A_352 = arith.select %and3A_349, %sub3A_351, %div3A_330 : i32
    %mul3A_353 = arith.constant 25 : i32
    %mul3A_354 = arith.muli %select_n3A_352, %mul3A_353 : i32
    %sub3A_355 = arith.subi %add3A_328, %mul3A_354 : i32
    %mul3A_356 = arith.constant 40 : i32
    %mul3A_357 = arith.muli %sub3A_355, %mul3A_356 : i32
    %sub3A_358 = arith.subi %select_n3A_352, %min3A_22 : i32
    %scan3A_359 = arith.constant 0 : i32
    %scan3A_360 = arith.constant 0 : i32
    %scan3A_361 = arith.constant 64 : i32
    %scan3A_362 = arith.addi %scan3A_360, %scan3A_361 : i32
    %scan3A_363 = arith.constant 2 : i32
    scf.for %scan3A_401 = %scan3A_360 to %scan3A_362 step %scan3A_363  : i32 {
      %mul3A_402 = arith.constant 1024 : i32
      %mul3A_403 = arith.muli %sub3A_358, %mul3A_402 : i32
      %mul3A_404 = arith.constant 16 : i32
      %mul3A_405 = arith.muli %scan3A_401, %mul3A_404 : i32
      %add3A_406 = arith.addi %mul3A_403, %mul3A_405 : i32
      %get3A = arith.index_cast %add3A_406 : i32 to index
      %get3A_407 = tpu.vector_load %arg4[%get3A] {strides = array<i32>} : memref<2048xi32, #tpu.memory_space<vmem>>, vector<16xi32>,
      %sub3A_408 = vector.broadcast %mul3A_357 : i32 to vector<16xi32>
      %sub3A_409 = arith.subi %get3A_407, %sub3A_408 : vector<16xi32>
      %ge3A = arith.constant 0 : i32
      %ge3A_410 = vector.broadcast %ge3A : i32 to vector<16xi32>
      %ge3A_411 = arith.cmpi sge, %sub3A_409, %ge3A_410 : vector<16xi32>
      %lt3A_412 = arith.constant 40 : i32
      %lt3A_413 = vector.broadcast %lt3A_412 : i32 to vector<16xi32>
      %lt3A_414 = arith.cmpi slt, %sub3A_409, %lt3A_413 : vector<16xi32>
      %and3A_415 = arith.andi %ge3A_411, %lt3A_414 : vector<16xi1>
      %mul3A_416 = arith.constant 16 : i32
      %mul3A_417 = arith.muli %scan3A_401, %mul3A_416 : i32
      %add3A_418 = vector.broadcast %mul3A_417 : i32 to vector<16xi32>
      %add3A_419 = arith.addi %add3A_418, %iota3A : vector<16xi32>
      tpu.vector_store_idx %arg6[%sub3A_409, %add3A_419], %broadcast_in_dim3A_25 masked %and3A_415 : memref<40x1024xi32, #tpu.memory_space<vmem>>[vector<16xi32>, vector<16xi32>], vector<16xi32>, vector<16xi1>
      %scan3A_420 = arith.constant 1 : i32
      %scan3A_421 = arith.addi %scan3A_401, %scan3A_420 : i32
      %mul3A_422 = arith.constant 1024 : i32
      %mul3A_423 = arith.muli %sub3A_358, %mul3A_422 : i32
      %mul3A_424 = arith.constant 16 : i32
      %mul3A_425 = arith.muli %scan3A_421, %mul3A_424 : i32
      %add3A_426 = arith.addi %mul3A_423, %mul3A_425 : i32
      %get3A_427 = arith.index_cast %add3A_426 : i32 to index
      %get3A_428 = tpu.vector_load %arg4[%get3A_427] {strides = array<i32>} : memref<2048xi32, #tpu.memory_space<vmem>>, vector<16xi32>,
      %sub3A_429 = vector.broadcast %mul3A_357 : i32 to vector<16xi32>
      %sub3A_430 = arith.subi %get3A_428, %sub3A_429 : vector<16xi32>
      %ge3A_431 = arith.constant 0 : i32
      %ge3A_432 = vector.broadcast %ge3A_431 : i32 to vector<16xi32>
      %ge3A_433 = arith.cmpi sge, %sub3A_430, %ge3A_432 : vector<16xi32>
      %lt3A_434 = arith.constant 40 : i32
      %lt3A_435 = vector.broadcast %lt3A_434 : i32 to vector<16xi32>
      %lt3A_436 = arith.cmpi slt, %sub3A_430, %lt3A_435 : vector<16xi32>
      %and3A_437 = arith.andi %ge3A_433, %lt3A_436 : vector<16xi1>
      %mul3A_438 = arith.constant 16 : i32
      %mul3A_439 = arith.muli %scan3A_421, %mul3A_438 : i32
      %add3A_440 = vector.broadcast %mul3A_439 : i32 to vector<16xi32>
      %add3A_441 = arith.addi %add3A_440, %iota3A : vector<16xi32>
      tpu.vector_store_idx %arg6[%sub3A_430, %add3A_441], %broadcast_in_dim3A_25 masked %and3A_437 : memref<40x1024xi32, #tpu.memory_space<vmem>>[vector<16xi32>, vector<16xi32>], vector<16xi32>, vector<16xi1>
    }
    %scan3A_364 = arith.constant 64 : i32
    %add3A_365 = arith.addi %sub3A_358, %min3A_22 : i32
    %dma_start3A_366 = arith.constant 0 : i32
    %dma_start3A_367 = tpu.memref_slice %arg3[%add3A_365, %mul3A_357, %dma_start3A_366] : memref<26x1000x1024xi32, #tpu.memory_space<hbm>> -> memref<1x40x1024xi32, #tpu.memory_space<hbm>>
    %dma_start3A_368 = tpu.memref_squeeze %dma_start3A_367 : memref<1x40x1024xi32, #tpu.memory_space<hbm>> -> memref<40x1024xi32, #tpu.memory_space<hbm>>
    %dma_start3A_369 = arith.constant 0 : i32
    %dma_start3A_370 = tpu.memref_slice %arg3[%add3A_365, %mul3A_357, %dma_start3A_369] : memref<26x1000x1024xi32, #tpu.memory_space<hbm>> -> memref<1x40x1024xi32, #tpu.memory_space<hbm>>
    %dma_start3A_371 = tpu.memref_squeeze %dma_start3A_370 : memref<1x40x1024xi32, #tpu.memory_space<hbm>> -> memref<40x1024xi32, #tpu.memory_space<hbm>>
    tpu.enqueue_dma source(%arg6 : memref<40x1024xi32, #tpu.memory_space<vmem>>) target(%dma_start3A_371 : memref<40x1024xi32, #tpu.memory_space<hbm>>) target_semaphore(%arg9 : memref<!tpu.dma_semaphore, #tpu.memory_space<semaphore_mem>>)
    %dma_wait3A_372 = arith.constant 0 : i32
    %dma_wait3A_373 = arith.constant 0 : i32
    %dma_wait3A_374 = arith.constant 0 : i32
    %dma_wait3A_375 = tpu.memref_slice %arg3[%dma_wait3A_372, %dma_wait3A_373, %dma_wait3A_374] : memref<26x1000x1024xi32, #tpu.memory_space<hbm>> -> memref<1x40x1024xi32, #tpu.memory_space<hbm>>
    %dma_wait3A_376 = tpu.memref_squeeze %dma_wait3A_375 : memref<1x40x1024xi32, #tpu.memory_space<hbm>> -> memref<40x1024xi32, #tpu.memory_space<hbm>>
    %dma_wait3A_377 = arith.constant 0 : i32
    %dma_wait3A_378 = arith.constant 0 : i32
    %dma_wait3A_379 = tpu.memref_slice %arg3[%dma_wait3A_372, %dma_wait3A_377, %dma_wait3A_378] : memref<26x1000x1024xi32, #tpu.memory_space<hbm>> -> memref<1x40x1024xi32, #tpu.memory_space<hbm>>
    %dma_wait3A_380 = tpu.memref_squeeze %dma_wait3A_379 : memref<1x40x1024xi32, #tpu.memory_space<hbm>> -> memref<40x1024xi32, #tpu.memory_space<hbm>>
    tpu.wait_dma2 semaphore(%arg10 : memref<!tpu.dma_semaphore, #tpu.memory_space<semaphore_mem>>) src(%arg7 : memref<40x1024xi32, #tpu.memory_space<vmem>>) dst(%dma_wait3A_380 : memref<40x1024xi32, #tpu.memory_space<hbm>>)
    %lt3A = arith.constant 10 : i32
    %lt3A_381 = arith.cmpi slt, %add3A, %lt3A : i32
    %convert_element_type3A = arith.extui %lt3A_381 : i1 to i32
    %cond3A = arith.constant 0 : i32
    %cond3A_382 = arith.cmpi ne, %convert_element_type3A, %cond3A : i32
    scf.if %cond3A_382 {
      %add3A_401 = arith.constant 17 : i32
      %add3A_402 = arith.addi %add3A_4, %add3A_401 : i32
      %jit3A_403 = arith.constant 25 : i32
      %div3A_404 = arith.divsi %add3A_402, %jit3A_403 : i32
      %sign3A_405 = arith.constant 0 : i32
      %sign3A_406 = arith.cmpi sgt, %add3A_402, %sign3A_405 : i32
      %sign3A_407 = arith.extui %sign3A_406 : i1 to i32
      %sign3A_408 = arith.constant 0 : i32
      %sign3A_409 = arith.cmpi slt, %add3A_402, %sign3A_408 : i32
      %sign3A_410 = arith.extui %sign3A_409 : i1 to i32
      %sign3A_411 = arith.subi %sign3A_407, %sign3A_410 : i32
      %sign3A_412 = arith.constant 0 : i32
      %sign3A_413 = arith.cmpi sgt, %jit3A_403, %sign3A_412 : i32
      %sign3A_414 = arith.extui %sign3A_413 : i1 to i32
      %sign3A_415 = arith.constant 0 : i32
      %sign3A_416 = arith.cmpi slt, %jit3A_403, %sign3A_415 : i32
      %sign3A_417 = arith.extui %sign3A_416 : i1 to i32
      %sign3A_418 = arith.subi %sign3A_414, %sign3A_417 : i32
      %ne3A_419 = arith.cmpi ne, %sign3A_411, %sign3A_418 : i32
      %rem3A_420 = arith.remsi %add3A_402, %jit3A_403 : i32
      %ne3A_421 = arith.constant 0 : i32
      %ne3A_422 = arith.cmpi ne, %rem3A_420, %ne3A_421 : i32
      %and3A_423 = arith.andi %ne3A_419, %ne3A_422 : i1
      %sub3A_424 = arith.constant 1 : i32
      %sub3A_425 = arith.subi %div3A_404, %sub3A_424 : i32
      %select_n3A_426 = arith.select %and3A_423, %sub3A_425, %div3A_404 : i32
      %mul3A_427 = arith.constant 25 : i32
      %mul3A_428 = arith.muli %select_n3A_426, %mul3A_427 : i32
      %sub3A_429 = arith.subi %add3A_402, %mul3A_428 : i32
      %mul3A_430 = arith.constant 40 : i32
      %mul3A_431 = arith.muli %sub3A_429, %mul3A_430 : i32
      %sub3A_432 = arith.subi %select_n3A_426, %min3A_22 : i32
      %scan3A_433 = arith.constant 0 : i32
      %scan3A_434 = arith.constant 0 : i32
      %scan3A_435 = arith.constant 64 : i32
      %scan3A_436 = arith.addi %scan3A_434, %scan3A_435 : i32
      %scan3A_437 = arith.constant 2 : i32
      scf.for %scan3A_490 = %scan3A_434 to %scan3A_436 step %scan3A_437  : i32 {
        %mul3A_491 = arith.constant 1024 : i32
        %mul3A_492 = arith.muli %sub3A_432, %mul3A_491 : i32
        %mul3A_493 = arith.constant 16 : i32
        %mul3A_494 = arith.muli %scan3A_490, %mul3A_493 : i32
        %add3A_495 = arith.addi %mul3A_492, %mul3A_494 : i32
        %get3A = arith.index_cast %add3A_495 : i32 to index
        %get3A_496 = tpu.vector_load %arg4[%get3A] {strides = array<i32>} : memref<2048xi32, #tpu.memory_space<vmem>>, vector<16xi32>,
        %sub3A_497 = vector.broadcast %mul3A_431 : i32 to vector<16xi32>
        %sub3A_498 = arith.subi %get3A_496, %sub3A_497 : vector<16xi32>
        %ge3A = arith.constant 0 : i32
        %ge3A_499 = vector.broadcast %ge3A : i32 to vector<16xi32>
        %ge3A_500 = arith.cmpi sge, %sub3A_498, %ge3A_499 : vector<16xi32>
        %lt3A_501 = arith.constant 40 : i32
        %lt3A_502 = vector.broadcast %lt3A_501 : i32 to vector<16xi32>
        %lt3A_503 = arith.cmpi slt, %sub3A_498, %lt3A_502 : vector<16xi32>
        %and3A_504 = arith.andi %ge3A_500, %lt3A_503 : vector<16xi1>
        %mul3A_505 = arith.constant 16 : i32
        %mul3A_506 = arith.muli %scan3A_490, %mul3A_505 : i32
        %add3A_507 = vector.broadcast %mul3A_506 : i32 to vector<16xi32>
        %add3A_508 = arith.addi %add3A_507, %iota3A : vector<16xi32>
        tpu.vector_store_idx %arg7[%sub3A_498, %add3A_508], %broadcast_in_dim3A_23 masked %and3A_504 : memref<40x1024xi32, #tpu.memory_space<vmem>>[vector<16xi32>, vector<16xi32>], vector<16xi32>, vector<16xi1>
        %scan3A_509 = arith.constant 1 : i32
        %scan3A_510 = arith.addi %scan3A_490, %scan3A_509 : i32
        %mul3A_511 = arith.constant 1024 : i32
        %mul3A_512 = arith.muli %sub3A_432, %mul3A_511 : i32
        %mul3A_513 = arith.constant 16 : i32
        %mul3A_514 = arith.muli %scan3A_510, %mul3A_513 : i32
        %add3A_515 = arith.addi %mul3A_512, %mul3A_514 : i32
        %get3A_516 = arith.index_cast %add3A_515 : i32 to index
        %get3A_517 = tpu.vector_load %arg4[%get3A_516] {strides = array<i32>} : memref<2048xi32, #tpu.memory_space<vmem>>, vector<16xi32>,
        %sub3A_518 = vector.broadcast %mul3A_431 : i32 to vector<16xi32>
        %sub3A_519 = arith.subi %get3A_517, %sub3A_518 : vector<16xi32>
        %ge3A_520 = arith.constant 0 : i32
        %ge3A_521 = vector.broadcast %ge3A_520 : i32 to vector<16xi32>
        %ge3A_522 = arith.cmpi sge, %sub3A_519, %ge3A_521 : vector<16xi32>
        %lt3A_523 = arith.constant 40 : i32
        %lt3A_524 = vector.broadcast %lt3A_523 : i32 to vector<16xi32>
        %lt3A_525 = arith.cmpi slt, %sub3A_519, %lt3A_524 : vector<16xi32>
        %and3A_526 = arith.andi %ge3A_522, %lt3A_525 : vector<16xi1>
        %mul3A_527 = arith.constant 16 : i32
        %mul3A_528 = arith.muli %scan3A_510, %mul3A_527 : i32
        %add3A_529 = vector.broadcast %mul3A_528 : i32 to vector<16xi32>
        %add3A_530 = arith.addi %add3A_529, %iota3A : vector<16xi32>
        tpu.vector_store_idx %arg7[%sub3A_519, %add3A_530], %broadcast_in_dim3A_23 masked %and3A_526 : memref<40x1024xi32, #tpu.memory_space<vmem>>[vector<16xi32>, vector<16xi32>], vector<16xi32>, vector<16xi1>
      }
      %scan3A_438 = arith.constant 64 : i32
      %add3A_439 = arith.constant 20 : i32
      %add3A_440 = arith.addi %add3A_4, %add3A_439 : i32
      %jit3A_441 = arith.constant 25 : i32
      %div3A_442 = arith.divsi %add3A_440, %jit3A_441 : i32
      %sign3A_443 = arith.constant 0 : i32
      %sign3A_444 = arith.cmpi sgt, %add3A_440, %sign3A_443 : i32
      %sign3A_445 = arith.extui %sign3A_444 : i1 to i32
      %sign3A_446 = arith.constant 0 : i32
      %sign3A_447 = arith.cmpi slt, %add3A_440, %sign3A_446 : i32
      %sign3A_448 = arith.extui %sign3A_447 : i1 to i32
      %sign3A_449 = arith.subi %sign3A_445, %sign3A_448 : i32
      %sign3A_450 = arith.constant 0 : i32
      %sign3A_451 = arith.cmpi sgt, %jit3A_441, %sign3A_450 : i32
      %sign3A_452 = arith.extui %sign3A_451 : i1 to i32
      %sign3A_453 = arith.constant 0 : i32
      %sign3A_454 = arith.cmpi slt, %jit3A_441, %sign3A_453 : i32
      %sign3A_455 = arith.extui %sign3A_454 : i1 to i32
      %sign3A_456 = arith.subi %sign3A_452, %sign3A_455 : i32
      %ne3A_457 = arith.cmpi ne, %sign3A_449, %sign3A_456 : i32
      %rem3A_458 = arith.remsi %add3A_440, %jit3A_441 : i32
      %ne3A_459 = arith.constant 0 : i32
      %ne3A_460 = arith.cmpi ne, %rem3A_458, %ne3A_459 : i32
      %and3A_461 = arith.andi %ne3A_457, %ne3A_460 : i1
      %sub3A_462 = arith.constant 1 : i32
      %sub3A_463 = arith.subi %div3A_442, %sub3A_462 : i32
      %select_n3A_464 = arith.select %and3A_461, %sub3A_463, %div3A_442 : i32
      %mul3A_465 = arith.constant 25 : i32
      %mul3A_466 = arith.muli %select_n3A_464, %mul3A_465 : i32
      %sub3A_467 = arith.subi %add3A_440, %mul3A_466 : i32
      %mul3A_468 = arith.constant 40 : i32
      %mul3A_469 = arith.muli %sub3A_467, %mul3A_468 : i32
      %sub3A_470 = arith.subi %select_n3A_464, %min3A_22 : i32
      %scan3A_471 = arith.constant 0 : i32
      %scan3A_472 = arith.constant 0 : i32
      %scan3A_473 = arith.constant 64 : i32
      %scan3A_474 = arith.addi %scan3A_472, %scan3A_473 : i32
      %scan3A_475 = arith.constant 2 : i32
      scf.for %scan3A_490 = %scan3A_472 to %scan3A_474 step %scan3A_475  : i32 {
        %mul3A_491 = arith.constant 1024 : i32
        %mul3A_492 = arith.muli %sub3A_470, %mul3A_491 : i32
        %mul3A_493 = arith.constant 16 : i32
        %mul3A_494 = arith.muli %scan3A_490, %mul3A_493 : i32
        %add3A_495 = arith.addi %mul3A_492, %mul3A_494 : i32
        %get3A = arith.index_cast %add3A_495 : i32 to index
        %get3A_496 = tpu.vector_load %arg4[%get3A] {strides = array<i32>} : memref<2048xi32, #tpu.memory_space<vmem>>, vector<16xi32>,
        %sub3A_497 = vector.broadcast %mul3A_469 : i32 to vector<16xi32>
        %sub3A_498 = arith.subi %get3A_496, %sub3A_497 : vector<16xi32>
        %ge3A = arith.constant 0 : i32
        %ge3A_499 = vector.broadcast %ge3A : i32 to vector<16xi32>
        %ge3A_500 = arith.cmpi sge, %sub3A_498, %ge3A_499 : vector<16xi32>
        %lt3A_501 = arith.constant 40 : i32
        %lt3A_502 = vector.broadcast %lt3A_501 : i32 to vector<16xi32>
        %lt3A_503 = arith.cmpi slt, %sub3A_498, %lt3A_502 : vector<16xi32>
        %and3A_504 = arith.andi %ge3A_500, %lt3A_503 : vector<16xi1>
        %mul3A_505 = arith.constant 16 : i32
        %mul3A_506 = arith.muli %scan3A_490, %mul3A_505 : i32
        %add3A_507 = vector.broadcast %mul3A_506 : i32 to vector<16xi32>
        %add3A_508 = arith.addi %add3A_507, %iota3A : vector<16xi32>
        tpu.vector_store_idx %arg7[%sub3A_498, %add3A_508], %broadcast_in_dim3A_25 masked %and3A_504 : memref<40x1024xi32, #tpu.memory_space<vmem>>[vector<16xi32>, vector<16xi32>], vector<16xi32>, vector<16xi1>
        %scan3A_509 = arith.constant 1 : i32
        %scan3A_510 = arith.addi %scan3A_490, %scan3A_509 : i32
        %mul3A_511 = arith.constant 1024 : i32
        %mul3A_512 = arith.muli %sub3A_470, %mul3A_511 : i32
        %mul3A_513 = arith.constant 16 : i32
        %mul3A_514 = arith.muli %scan3A_510, %mul3A_513 : i32
        %add3A_515 = arith.addi %mul3A_512, %mul3A_514 : i32
        %get3A_516 = arith.index_cast %add3A_515 : i32 to index
        %get3A_517 = tpu.vector_load %arg4[%get3A_516] {strides = array<i32>} : memref<2048xi32, #tpu.memory_space<vmem>>, vector<16xi32>,
        %sub3A_518 = vector.broadcast %mul3A_469 : i32 to vector<16xi32>
        %sub3A_519 = arith.subi %get3A_517, %sub3A_518 : vector<16xi32>
        %ge3A_520 = arith.constant 0 : i32
        %ge3A_521 = vector.broadcast %ge3A_520 : i32 to vector<16xi32>
        %ge3A_522 = arith.cmpi sge, %sub3A_519, %ge3A_521 : vector<16xi32>
        %lt3A_523 = arith.constant 40 : i32
        %lt3A_524 = vector.broadcast %lt3A_523 : i32 to vector<16xi32>
        %lt3A_525 = arith.cmpi slt, %sub3A_519, %lt3A_524 : vector<16xi32>
        %and3A_526 = arith.andi %ge3A_522, %lt3A_525 : vector<16xi1>
        %mul3A_527 = arith.constant 16 : i32
        %mul3A_528 = arith.muli %scan3A_510, %mul3A_527 : i32
        %add3A_529 = vector.broadcast %mul3A_528 : i32 to vector<16xi32>
        %add3A_530 = arith.addi %add3A_529, %iota3A : vector<16xi32>
        tpu.vector_store_idx %arg7[%sub3A_519, %add3A_530], %broadcast_in_dim3A_25 masked %and3A_526 : memref<40x1024xi32, #tpu.memory_space<vmem>>[vector<16xi32>, vector<16xi32>], vector<16xi32>, vector<16xi1>
      }
      %scan3A_476 = arith.constant 64 : i32
      %add3A_477 = arith.addi %sub3A_470, %min3A_22 : i32
      %dma_start3A_478 = arith.constant 0 : i32
      %dma_start3A_479 = tpu.memref_slice %arg3[%add3A_477, %mul3A_469, %dma_start3A_478] : memref<26x1000x1024xi32, #tpu.memory_space<hbm>> -> memref<1x40x1024xi32, #tpu.memory_space<hbm>>
      %dma_start3A_480 = tpu.memref_squeeze %dma_start3A_479 : memref<1x40x1024xi32, #tpu.memory_space<hbm>> -> memref<40x1024xi32, #tpu.memory_space<hbm>>
      %dma_start3A_481 = arith.constant 0 : i32
      %dma_start3A_482 = tpu.memref_slice %arg3[%add3A_477, %mul3A_469, %dma_start3A_481] : memref<26x1000x1024xi32, #tpu.memory_space<hbm>> -> memref<1x40x1024xi32, #tpu.memory_space<hbm>>
      %dma_start3A_483 = tpu.memref_squeeze %dma_start3A_482 : memref<1x40x1024xi32, #tpu.memory_space<hbm>> -> memref<40x1024xi32, #tpu.memory_space<hbm>>
      tpu.enqueue_dma source(%arg7 : memref<40x1024xi32, #tpu.memory_space<vmem>>) target(%dma_start3A_483 : memref<40x1024xi32, #tpu.memory_space<hbm>>) target_semaphore(%arg10 : memref<!tpu.dma_semaphore, #tpu.memory_space<semaphore_mem>>)
      %dma_wait3A_484 = arith.constant 0 : i32
      %dma_wait3A_485 = tpu.memref_slice %arg3[%add3A_477, %mul3A_469, %dma_wait3A_484] : memref<26x1000x1024xi32, #tpu.memory_space<hbm>> -> memref<1x40x1024xi32, #tpu.memory_space<hbm>>
      %dma_wait3A_486 = tpu.memref_squeeze %dma_wait3A_485 : memref<1x40x1024xi32, #tpu.memory_space<hbm>> -> memref<40x1024xi32, #tpu.memory_space<hbm>>
      %dma_wait3A_487 = arith.constant 0 : i32
      %dma_wait3A_488 = tpu.memref_slice %arg3[%add3A_477, %mul3A_469, %dma_wait3A_487] : memref<26x1000x1024xi32, #tpu.memory_space<hbm>> -> memref<1x40x1024xi32, #tpu.memory_space<hbm>>
      %dma_wait3A_489 = tpu.memref_squeeze %dma_wait3A_488 : memref<1x40x1024xi32, #tpu.memory_space<hbm>> -> memref<40x1024xi32, #tpu.memory_space<hbm>>
      tpu.wait_dma2 semaphore(%arg10 : memref<!tpu.dma_semaphore, #tpu.memory_space<semaphore_mem>>) src(%arg7 : memref<40x1024xi32, #tpu.memory_space<vmem>>) dst(%dma_wait3A_489 : memref<40x1024xi32, #tpu.memory_space<hbm>>)
    } else {
    }
    %dma_wait3A_383 = arith.constant 0 : i32
    %dma_wait3A_384 = arith.constant 0 : i32
    %dma_wait3A_385 = arith.constant 0 : i32
    %dma_wait3A_386 = tpu.memref_slice %arg3[%dma_wait3A_383, %dma_wait3A_384, %dma_wait3A_385] : memref<26x1000x1024xi32, #tpu.memory_space<hbm>> -> memref<1x40x1024xi32, #tpu.memory_space<hbm>>
    %dma_wait3A_387 = tpu.memref_squeeze %dma_wait3A_386 : memref<1x40x1024xi32, #tpu.memory_space<hbm>> -> memref<40x1024xi32, #tpu.memory_space<hbm>>
    %dma_wait3A_388 = arith.constant 0 : i32
    %dma_wait3A_389 = arith.constant 0 : i32
    %dma_wait3A_390 = tpu.memref_slice %arg3[%dma_wait3A_383, %dma_wait3A_388, %dma_wait3A_389] : memref<26x1000x1024xi32, #tpu.memory_space<hbm>> -> memref<1x40x1024xi32, #tpu.memory_space<hbm>>
    %dma_wait3A_391 = tpu.memref_squeeze %dma_wait3A_390 : memref<1x40x1024xi32, #tpu.memory_space<hbm>> -> memref<40x1024xi32, #tpu.memory_space<hbm>>
    tpu.wait_dma2 semaphore(%arg8 : memref<!tpu.dma_semaphore, #tpu.memory_space<semaphore_mem>>) src(%arg5 : memref<40x1024xi32, #tpu.memory_space<vmem>>) dst(%dma_wait3A_391 : memref<40x1024xi32, #tpu.memory_space<hbm>>)
    %dma_wait3A_392 = arith.constant 0 : i32
    %dma_wait3A_393 = arith.constant 0 : i32
    %dma_wait3A_394 = arith.constant 0 : i32
    %dma_wait3A_395 = tpu.memref_slice %arg3[%dma_wait3A_392, %dma_wait3A_393, %dma_wait3A_394] : memref<26x1000x1024xi32, #tpu.memory_space<hbm>> -> memref<1x40x1024xi32, #tpu.memory_space<hbm>>
    %dma_wait3A_396 = tpu.memref_squeeze %dma_wait3A_395 : memref<1x40x1024xi32, #tpu.memory_space<hbm>> -> memref<40x1024xi32, #tpu.memory_space<hbm>>
    %dma_wait3A_397 = arith.constant 0 : i32
    %dma_wait3A_398 = arith.constant 0 : i32
    %dma_wait3A_399 = tpu.memref_slice %arg3[%dma_wait3A_392, %dma_wait3A_397, %dma_wait3A_398] : memref<26x1000x1024xi32, #tpu.memory_space<hbm>> -> memref<1x40x1024xi32, #tpu.memory_space<hbm>>
    %dma_wait3A_400 = tpu.memref_squeeze %dma_wait3A_399 : memref<1x40x1024xi32, #tpu.memory_space<hbm>> -> memref<40x1024xi32, #tpu.memory_space<hbm>>
    tpu.wait_dma2 semaphore(%arg9 : memref<!tpu.dma_semaphore, #tpu.memory_space<semaphore_mem>>) src(%arg6 : memref<40x1024xi32, #tpu.memory_space<vmem>>) dst(%dma_wait3A_400 : memref<40x1024xi32, #tpu.memory_space<hbm>>)
    return
  }
}

</mosaic_0001>

<sc_bundles>
// kernel: kernel.3.cloned.1.call-start
scs
__scs_entry_jumppad:
0x0: {  	(pc) =	sbr.rel $0x88, $3  }
0x1: {  	(tag) =	ssettag $0x0;
	lr =	simm.s32 $0x1  }
0x2: {  	[smem:$0x3FA0] =	sst lr;
	_ =	strace $0xD0000000  }
0x3: {  	_ = 	snop  }
0x4: {  	_ = 	snop  }
0x5: {  	_ = 	snop  }
0x6: {  	_ = 	snop  }
0x7: {  	_ = 	snop  }
__scs_overlays_trampoline_lowered:
0x8: {  	[smem:$0x3FAF] =	sst s0  }
0x9: {  	[smem:$0x3FB0] =	sst s1  }
0xa: {  	[smem:$0x3FB1] =	sst s2  }
0xb: {  	[smem:$0x3FB2] =	sst s3  }
0xc: {  	[smem:$0x3FB3] =	sst s4  }
0xd: {  	[smem:$0x3FB4] =	sst s5  }
0xe: {  	[smem:$0x3FB5] =	sst s6  }
0xf: {  	[smem:$0x3FB6] =	sst s7  }
0x10: {  	[smem:$0x3FB7] =	sst s8  }
0x11: {  	[smem:$0x3FB8] =	sst s9;
	s0 =	simm.s32 @!p0 $0x0  }
0x12: {  	s1 =	sld [smem:$0x3F9E];
	s0 =	simm.s32 @p0 $0x1  }
0x13: {  	[smem:$0x3FB9] =	sst s0;
	s0 =	simm.s32 @!p1 $0x0  }
0x14: {  	s2 =	sld [smem:$0x3F9D];
	s0 =	simm.s32 @p1 $0x1  }
0x15: {  	[smem:$0x3FBA] =	sst s0;
	s0 =	simm.s32 @!p2 $0x0  }
0x16: {  	s3 =	sld [smem:$0x3FDB];
	s0 =	simm.s32 @p2 $0x1  }
0x17: {  	s4 =	simm.s32 $0x1BF5;
	[smem:$0x3FBC] =	sst s0  }
0x18: {  	s0 =	sld [smem:$0x3F9F];
	_ =	swait.ge [sflag:s4], $0x0  }
0x19: {  	s7 =	sld [smem:$0x3FA0]  }
0x1a: {  	s8 =	sadd.s32 $0xFFFFE003, lr  }
0x1b: {  	s9 =	sadd.s32 $0xFFFFFEF7, lr;
	s5 =	simm.s32 $0xFFFFFFFF;
	p2 =	slt.u32 s8, $0xFFFFF086  }
0x1c: {  	p1 =	slt.u32 s9, $0xF7A;
	s5 =	simm.s32 @!p2 $0x0  }
0x1d: {  	s5 =	simm.s32 @p1 $0x1;
	p0 =	seq.s32 s7, s2  }
0x1e: {  	s7 =	smul.u32 @!p0 $0xF7A, s2;
	p2 =	seq.s32 @!p0 s5, $0x0  }
0x1f: {  	s9 =	smul.u32 $0xF7A, s1;
	s8 =	simm.s32 @!p0 $0x1BF5;
	p2 =	por !p2, p0  }
0x20: {  	[sflag:s8] =	ssyncset.s32 @!p0 $0xFFFFF086;
	s6 =	sadd.s32 @!p0 s3, s7;
	s7 =	simm.s32 @!p0 $0x108  }
0x21: {  	s3 =	sadd.s32 s3, s9;
	s6 =	sadd.s32 @!p0 $0x88, s6;
	s7 =	simm.s32 @p2 $0x1082  }
0x22: {  	[simem:s7], [sflag:s8] =	dma.local @!p0 [hbm:s6], $0xF7A  }
0x23: {  	s9 =	sor.u32 $0xD0000000, s2;
	s6 =	simm.s32 $0x108;
	_ =	swait.ge @!p0 [sflag:s8], $0x0  }
0x24: {  	s3 =	sadd.s32 $0x88, s3;
	s6 =	simm.s32 @!p1 $0x1082;
	[sflag:s4] =	ssyncset.s32 $0xFFFFF086  }
0x25: {  	[simem:s6], [sflag:s4] =	dma.local [hbm:s3], $0xF7A  }
0x26: {  	[smem:$0x3FA0] =	sst s1;
	(tag) =	ssettag s2;
	_ =	strace s9  }
0x27: {  	s1 =	sld [smem:$0x3FB0]  }
0x28: {  	s2 =	sld [smem:$0x3FB1]  }
0x29: {  	s4 =	sld [smem:$0x3FB3]  }
0x2a: {  	p0 =	seq.s32 s5, $0x0;
	s5 =	sld [smem:$0x3FB4]  }
0x2b: {  	s6 =	sld [smem:$0x3FB5]  }
0x2c: {  	s7 =	sld [smem:$0x3FB6]  }
0x2d: {  	s3 =	simm.s32 $0x108;
	s8 =	sld [smem:$0x3FB7]  }
0x2e: {  	s3 =	simm.s32 @!p0 $0x1082;
	s9 =	sld [smem:$0x3FB8]  }
0x2f: {  	lr =	sadd.s32 s0, s3;
	s0 =	sld [smem:$0x3FAF]  }
0x30: {  	s3 =	sld [smem:$0x3FB2]  }
0x31: {  	[smem:$0x3FBB] =	sst s10  }
0x32: {  	s10 =	sld [smem:$0x3FB9];
	_ =	sdelay $0x3  }
0x33: {  	p0 =	seq.s32 s10, $0x1;
	s10 =	sld [smem:$0x3FBB];
	_ =	sdelay $0x3  }
0x34: {  	[smem:$0x3FBB] =	sst s10  }
0x35: {  	s10 =	sld [smem:$0x3FBA];
	_ =	sdelay $0x3  }
0x36: {  	p1 =	seq.s32 s10, $0x1;
	s10 =	sld [smem:$0x3FBB];
	_ =	sdelay $0x3  }
0x37: {  	[smem:$0x3FBB] =	sst s10  }
0x38: {  	s10 =	sld [smem:$0x3FBC]  }
0x39: {  	_ = 	snop;
	(pc) =	sbr.ind lr, $3  }
0x3a: {  	_ = 	snop  }
0x3b: {  	_ = 	snop  }
0x3c: {  	p2 =	seq.s32 s10, $0x1;
	s10 =	sld [smem:$0x3FBB]  }
0x3d: {  	_ =	shalt  }
0x3e: {  	_ =	shalt  }
0x3f: {  	_ =	shalt  }
0x40: {  	_ =	shalt  }
0x41: {  	_ =	shalt  }
0x42: {  	_ =	shalt  }
0x43: {  	_ =	shalt  }
0x44: {  	_ =	shalt  }
0x45: {  	_ =	shalt  }
0x46: {  	_ =	shalt  }
0x47: {  	_ =	shalt  }
0x48: {  	_ =	shalt  }
0x49: {  	_ =	shalt  }
0x4a: {  	_ =	shalt  }
0x4b: {  	_ =	shalt  }
0x4c: {  	_ =	shalt  }
0x4d: {  	_ =	shalt  }
0x4e: {  	_ =	shalt  }
0x4f: {  	_ =	shalt  }
0x50: {  	_ =	shalt  }
0x51: {  	_ =	shalt  }
0x52: {  	_ =	shalt  }
0x53: {  	_ =	shalt  }
0x54: {  	_ =	shalt  }
0x55: {  	_ =	shalt  }
0x56: {  	_ =	shalt  }
0x57: {  	_ =	shalt  }
0x58: {  	_ =	shalt  }
0x59: {  	_ =	shalt  }
0x5a: {  	_ =	shalt  }
0x5b: {  	_ =	shalt  }
0x5c: {  	_ =	shalt  }
0x5d: {  	_ =	shalt  }
0x5e: {  	_ =	shalt  }
0x5f: {  	_ =	shalt  }
0x60: {  	_ =	shalt  }
0x61: {  	_ =	shalt  }
0x62: {  	_ =	shalt  }
0x63: {  	_ =	shalt  }
0x64: {  	_ =	shalt  }
0x65: {  	_ =	shalt  }
0x66: {  	_ =	shalt  }
0x67: {  	_ =	shalt  }
0x68: {  	_ =	shalt  }
0x69: {  	_ =	shalt  }
0x6a: {  	_ =	shalt  }
0x6b: {  	_ =	shalt  }
0x6c: {  	_ =	shalt  }
0x6d: {  	_ =	shalt  }
0x6e: {  	_ =	shalt  }
0x6f: {  	_ =	shalt  }
0x70: {  	_ =	shalt  }
0x71: {  	_ =	shalt  }
0x72: {  	_ =	shalt  }
0x73: {  	_ =	shalt  }
0x74: {  	_ =	shalt  }
0x75: {  	_ =	shalt  }
0x76: {  	_ =	shalt  }
0x77: {  	_ =	shalt  }
0x78: {  	_ =	shalt  }
0x79: {  	_ =	shalt  }
0x7a: {  	_ =	shalt  }
0x7b: {  	_ =	shalt  }
0x7c: {  	_ =	shalt  }
0x7d: {  	_ =	shalt  }
0x7e: {  	_ =	shalt  }
0x7f: {  	_ =	shalt  }
0x80: {  	_ =	shalt  }
0x81: {  	_ =	shalt  }
0x82: {  	_ =	shalt  }
0x83: {  	_ =	shalt  }
0x84: {  	_ =	shalt  }
0x85: {  	_ =	shalt  }
0x86: {  	_ =	shalt  }
0x87: {  	_ =	shalt  }
.Lfunc_end0:
.L_simem_size_0:
called_computation_lowered:
.L_overlay_start_0:
0x88: {  	s2 =	sld [smem:$0x3FD9]  }
0x89: {  	s3 =	sld [smem:$0x3FFE];
	_ =	sdelay $0x1  }
0x8a: {  	s1 =	srdreg.scid  }
0x8b: {  	s0 =	sand.u32 $0x1, s1  }
0x8c: {  	s17 =	sshll.u32 s0, $0xA;
	s2 =	sadd.s32 s3, s2  }
0x8d: {  	s2 =	sadd.s32 s2, s17  }
0x8e: {  	[smem:$0x3FC7] =	sst s2  }
0x8f: {  	_ = 	snop  }
0x90: {  	s2 =	sld [smem:$0x3FD0];
	(tm) =	ssettm $0x1  }
0x91: {  	s18 =	sld [smem:$0x3FFB];
	_ =	sdelay $0x3  }
0x92: {  	_ =	strace s18  }
0x93: {  	s3 =	sld [smem:$0x3FFC];
	_ =	sdelay $0x3  }
0x94: {  	_ =	strace s3  }
0x95: {  	s3 =	sld [smem:$0x3FFD];
	_ =	sdelay $0x3  }
0x96: {  	_ =	strace s3  }
0x97: {  	_ =	strace $0x8FFFFFFF  }
0x98: {  	s19 =	sld [smem:$0x3FDB];
	_ =	sdelay $0x1  }
0x99: {  	s4 =	simm.s32 $_scs_section_size  }
0x9a: {  	s5 =	simm.s32 $_size__tile_overlayer_lowered;
	s6 =	simm.s32 $_tile_overlayer_lowered  }
0x9b: {  	s22 =	simm.s32 $0x1BFF;
	s21 =	sshll.u32 s6, $0x1;
	s3 =	sadd.s32 s4, s19  }
0x9c: {  	s7 =	simm.s32 $0x0;
	s20 =	sshll.u32 s5, $0x1;
	s5 =	sadd.s32 s21, s3  }
0x9d: {  	[timem:s7], [sflag:s22] =	dma.local [hbm:s5], s20  }
0x9e: {  	_ =	swait.ge [sflag:s22], s20  }
0x9f: {  	s4 =	ssub.s32 $0x0, s20;
	[sflag:s22] =	ssyncset.done $0x0  }
0xa0: {  	[sflag:s22] =	ssyncadd.s32 s4;
	_ =	sdelay $0x1  }
0xa1: {  	s23 =	simm.s32 $0x1B8B  }
0xa2: {  	_ =	swait.ge [sflag:s23], $0x1  }
0xa3: {  	[sflag:s23] =	ssyncset.done $0x0  }
0xa4: {  	s25 =	simm.s32 $0x1B8E;
	s24 =	sld [smem:$0x3FFE];
	[sflag:s23] =	ssyncadd.s32 $0xFFFFFFFF  }
0xa5: {  	s26 =	simm.s32 $execute0_lowered;
	[smem:$0x3FD2] =	sst s25  }
0xa6: {  	s5 =	sshll.u32 s26, $0x1;
	_ =	strace $0x80000046;
	[dreg:$0x1] =	wrdreg $0xFFFFFFFF  }
0xa7: {  	s28 =	simm.s32 $_size_execute0_lowered;
	s3 =	sadd.s32 s3, s5;
	[dreg:$0x0] =	wrdreg $0x0  }
0xa8: {  	s5 =	sshll.u32 s28, $0x1;
	[dreg:$0x2] =	wrdreg s3  }
0xa9: {  	[dreg:$0x3] =	wrdreg s5  }
0xaa: {  	[dreg:$0x4] =	wrdreg $0xC0  }
0xab: {  	_ =	task [dreg:s7], $0x5FFFF  }
0xac: {  	[dreg:$0x1] =	wrdreg $0xFFFFFFFF  }
0xad: {  	[dreg:$0x0] =	wrdreg $0x60  }
0xae: {  	[dreg:$0x2] =	wrdreg s24  }
0xaf: {  	[dreg:$0x3] =	wrdreg s2  }
0xb0: {  	[dreg:$0x4] =	wrdreg $0x9  }
0xb1: {  	_ =	task.clear_ibuf [dreg:s7], $0x5FFFF;
	_ =	strace $0x90000046  }
0xb2: {  	s29 =	simm.s32 $0x9;
	_ =	strace $0x80000048  }
0xb3: {  	_ =	swait.ge [sflag:s29], $0x1  }
0xb4: {  	[sflag:s29] =	ssyncadd.s32 $0xFFFFFFFF  }
0xb5: {  	_ =	strace $0x90000048  }
0xb6: {  	_ =	sfence  }
0xb7: {  	s30 =	sld [smem:$0x0];
	_ =	sdelay $0x2  }
0xb8: {  	s31 =	sshll.u32 s1, $0xD;
	s1 =	sshrl.u32 s1, $0x2  }
0xb9: {  	s3 =	sand.u32 $0x4000, s31;
	s1 =	sadd.s32 s1, s30  }
0xba: {  	s0 =	sor.u32 s3, s0;
	s1 =	sshll.u32 s1, $0x11  }
0xbb: {  	s0 =	sor.u32 s1, s0  }
0xbc: {  	s0 =	sadd.s32 $0x8F2B, s0  }
0xbd: {  	[sflag:s0] =	ssyncadd.remote.s32 $0x1  }
0xbe: {  	_ =	sfence.sel $0xFFFF  }
0xbf: {  	[dreg:$0x0] =	wrdreg $0xFFFFFFFF;
	(pc) =	sbr.abs _section_cstart, $3  }
0xc0: {  	[dreg:$0x1] =	wrdreg $0xFFFFFFFF  }
0xc1: {  	_ =	task.clear_ibuf [dreg:s7], $0x2FFFF;
	_ =	strace $0x9FFFFFFF  }
0xc2: {  	(tm) =	ssettm $0x7FFFFFFF  }
0xc3: {  	_ =	shalt  }
tec
execute0_lowered:
.L_overlay_start_1:
0x0: {  	(tag) =	ssettag $0x1  }
0x1: {  	s0 =	srdreg.scid;
	s1 =	stileid.u32  }
0x2: {  	s0 =	sand.u32 $0x1, s0;
	s1 =	sshll.u32 s1, $0x1  }
0x3: {  	s1 =	sor.u32 s0, s1  }
0x4: {  	s0 =	ssub.s32 $0x2, s0;
	s2 =	smul.u32 $0x14, s1  }
0x5: {  	s1 =	smin.u32 s1, $0xA;
	s19 =	sshrl.u32 s0, $0x1  }
0x6: {  	s3 =	rddreg [dreg:$0x0];
	s0 =	ssub.s32 s0, s19;
	s1 =	sadd.s32 s1, s2  }
0x7: {  	[dreg:$0xf] =	wrdreg s0;
	s5 =	smul.u32 $0x47AF, s1;
	s6 =	sadd.s32 $0x1, s1  }
0x8: {  	s2 =	smul.u32 $0xA3E, s1;
	s16 =	sadd.s32 $0x2, s1;
	[dreg:$0x3] =	wrdreg s6  }
0x9: {  	[dreg:$0x4] =	wrdreg s16;
	s4 =	sadd.s32 $0x47AF, s5  }
0xa: {  	s12 =	sshrl.u32 s2, $0x10;
	s8 =	sadd.s32 $0x8F5E, s5;
	s22 =	sshrl.u32 s4, $0x10  }
0xb: {  	s7 =	smul.u32 $0xFFFFFFE7, s12;
	s11 =	sshrl.u32 s8, $0x10;
	s4 =	ssub.s32 s6, s22  }
0xc: {  	s14 =	smul.u32 $0xFA000, s12;
	s10 =	ssub.s32 s16, s11;
	s9 =	sand.u32 $0xFFFE, s4  }
0xd: {  	s4 =	smin.u32 s12, $0x18;
	s23 =	sadd.s32 s1, s7;
	s24 =	sand.u32 $0xFFFE, s10  }
0xe: {  	s9 =	sshrl.u32 s9, $0x1;
	[dreg:$0x10] =	wrdreg s23;
	s7 =	sshrl.u32 s24, $0x1  }
0xf: {  	s15 =	smul.u32 $0xA000, s23;
	s26 =	sshll.u32 s4, $0x7;
	s24 =	sadd.s32 $0x50A4E, s5  }
0x10: {  	s12 =	ssub.s32 s12, s4;
	s2 =	sadd.s32 s22, s9;
	s25 =	sadd.s32 s11, s7  }
0x11: {  	s9 =	sadd.s32 s26, s3;
	s22 =	sadd.s32 $0x43341, s5;
	s7 =	sadd.s32 $0xF, s1  }
0x12: {  	s3 =	sshrl.u32 s24, $0x10;
	s26 =	sadd.s32 $0x551FD, s5;
	s2 =	sand.u32 $0xFFF0, s2  }
0x13: {  	s12 =	sshll.u32 s12, $0xC;
	s19 =	sshrl.u32 s22, $0x10;
	s10 =	sshrl.u32 s2, $0x4  }
0x14: {  	s9 =	sadd.s32 $0x400, s9;
	s2 =	sand.u32 $0xFFF0, s25;
	s18 =	smul.u32 $0xFFFFFFE7, s10  }
0x15: {  	s23 =	ssub.s32 s7, s19;
	s17 =	smul.u32 $0xFA000, s10;
	s8 =	sshrl.u32 s2, $0x4  }
0x16: {  	s2 =	sand.u32 $0xFFFE, s23;
	s23 =	sadd.s32 $0x10, s1;
	s13 =	smul.u32 $0xFFFFFFE7, s8  }
0x17: {  	s10 =	ssub.s32 s10, s4;
	s21 =	smul.u32 $0xFA000, s8;
	s2 =	sshrl.u32 s2, $0x1  }
0x18: {  	s10 =	sshll.u32 s10, $0xC;
	s8 =	ssub.s32 s8, s4;
	s11 =	sadd.s32 s6, s18  }
0x19: {  	s2 =	sadd.s32 s19, s2;
	s20 =	smul.u32 $0xA000, s11;
	s13 =	sadd.s32 s16, s13  }
0x1a: {  	s19 =	sadd.s32 $0x13, s1;
	s16 =	sadd.s32 s14, s15;
	s18 =	smul.u32 $0xA000, s13  }
0x1b: {  	s8 =	sshll.u32 s8, $0xC;
	s2 =	sand.u32 $0xFFF0, s2;
	s16 =	sshrl.u32 s16, $0x3  }
0x1c: {  	s15 =	sadd.s32 s17, s20;
	s20 =	sadd.s32 $0x12, s1;
	s14 =	sadd.s32 s21, s18  }
0x1d: {  	s25 =	ssub.s32 s20, s3;
	s18 =	sshrl.u32 s26, $0x10;
	s21 =	sadd.s32 $0x47AF0, s5  }
0x1e: {  	s15 =	sshrl.u32 s15, $0x3;
	s17 =	sand.u32 $0xFFFE, s25;
	s22 =	ssub.s32 s19, s18  }
0x1f: {  	s21 =	sshrl.u32 s21, $0x10;
	s17 =	sshrl.u32 s17, $0x1;
	s22 =	sand.u32 $0xFFFE, s22  }
0x20: {  	s6 =	ssub.s32 s23, s21;
	s3 =	sadd.s32 s3, s17;
	s0 =	sshrl.u32 s22, $0x1  }
0x21: {  	s22 =	sand.u32 $0xFFFE, s6;
	s6 =	sshrl.u32 s2, $0x4;
	s17 =	sadd.s32 s18, s0  }
0x22: {  	s3 =	sand.u32 $0xFFF0, s3;
	s24 =	sshrl.u32 s22, $0x1;
	s0 =	sadd.s32 $0x4C29F, s5  }
0x23: {  	s5 =	sadd.s32 $0x599AC, s5;
	s22 =	sadd.s32 $0x14, s1;
	s18 =	sshrl.u32 s3, $0x4  }
0x24: {  	s17 =	sand.u32 $0xFFF0, s17;
	s3 =	sadd.s32 s21, s24;
	s24 =	smul.u32 $0xFFFFFFE7, s6  }
0x25: {  	s5 =	sshrl.u32 s5, $0x10;
	s6 =	ssub.s32 s6, s4;
	s25 =	smul.u32 $0xFFFFFFE7, s18  }
0x26: {  	s17 =	sshrl.u32 s17, $0x4;
	s3 =	sand.u32 $0xFFF0, s3;
	s28 =	smul.u32 $0xFA000, s18  }
0x27: {  	s6 =	sshll.u32 s6, $0xC;
	s26 =	smul.u32 $0xFFFFFFE7, s17;
	s24 =	sadd.s32 s7, s24  }
0x28: {  	s21 =	sadd.s32 s20, s25;
	s20 =	sshrl.u32 s3, $0x4;
	s3 =	sshrl.u32 s0, $0x10  }
0x29: {  	s25 =	sadd.s32 $0x11, s1;
	s19 =	sadd.s32 s19, s26;
	s26 =	ssub.s32 s22, s5  }
0x2a: {  	s29 =	ssub.s32 s25, s3;
	s30 =	smul.u32 $0xA000, s21;
	s26 =	sand.u32 $0xFFFE, s26  }
0x2b: {  	s7 =	rddreg [dreg:$0x1];
	s29 =	sand.u32 $0xFFFE, s29;
	s26 =	sshrl.u32 s26, $0x1  }
0x2c: {  	s2 =	sshrl.u32 s29, $0x1;
	s29 =	smul.u32 $0xFFFFFFE7, s20;
	s28 =	sadd.s32 s28, s30  }
0x2d: {  	s20 =	ssub.s32 s20, s4;
	s5 =	sadd.s32 s5, s26;
	s26 =	smul.u32 $0xFA000, s17  }
0x2e: {  	s3 =	sadd.s32 s3, s2;
	s2 =	smul.u32 $0xA000, s19;
	s5 =	sand.u32 $0xFFF0, s5  }
0x2f: {  	s3 =	sand.u32 $0xFFF0, s3;
	s23 =	sadd.s32 s23, s29;
	s31 =	sshrl.u32 s5, $0x4  }
0x30: {  	s3 =	sshrl.u32 s3, $0x4;
	s5 =	simm.s32 $0x0;
	s0 =	smul.u32 $0xFFFFFFE7, s31  }
0x31: {  	s2 =	sadd.s32 s26, s2;
	s30 =	smul.u32 $0xFFFFFFE7, s3;
	[smem:$0x7FF] =	sst s5  }
0x32: {  	s2 =	sshrl.u32 s2, $0x3;
	_ =	strace $0x80000047;
	[dreg:$0x5] =	wrdreg s9  }
0x33: {  	s9 =	sshra.s32 s12, $0x2;
	s12 =	sadd.s32 s7, s16;
	s16 =	sshrl.u32 s14, $0x3  }
0x34: {  	s2 =	sadd.s32 s7, s2;
	s22 =	sadd.s32 s22, s0;
	s0 =	smul.u32 $0xFA000, s31  }
0x35: {  	[dreg:$0x6] =	wrdreg s12;
	s12 =	smul.u32 $0x28, s11;
	s11 =	sshra.s32 s10, $0x2  }
0x36: {  	s10 =	sadd.s32 s7, s15;
	s15 =	sshra.s32 s6, $0x2;
	s6 =	smul.u32 $0x28, s21  }
0x37: {  	s25 =	sadd.s32 s25, s30;
	s26 =	rddreg [dreg:$0x10];
	s29 =	smul.u32 $0xA000, s22  }
0x38: {  	s21 =	ssub.s32 s18, s4;
	[dreg:$0xa] =	wrdreg s2;
	s26 =	smul.u32 $0x28, s26  }
0x39: {  	[dreg:$0x7] =	wrdreg s10;
	s10 =	smul.u32 $0x28, s13;
	s13 =	sshra.s32 s8, $0x2  }
0x3a: {  	s14 =	sshll.u32 s21, $0xC;
	s21 =	sshll.u32 s20, $0xC;
	s20 =	smul.u32 $0x28, s23  }
0x3b: {  	s8 =	sadd.s32 s7, s16;
	s23 =	ssub.s32 s17, s4;
	s17 =	smul.u32 $0x28, s19  }
0x3c: {  	s30 =	simm.s32 $0x800;
	[dreg:$0x8] =	wrdreg s8;
	s8 =	smul.u32 $0x28, s24  }
0x3d: {  	s24 =	sshrl.u32 s28, $0x3;
	s16 =	sshra.s32 s14, $0x2;
	s14 =	sshll.u32 s23, $0xC  }
0x3e: {  	s23 =	smul.u32 $0x28, s22;
	v4 =	vmov s6;
	s28 =	sadd.s32 $0x5, s1;
	s6 =	simm.s32 $0x14800  }
0x3f: {  	s0 =	sadd.s32 s0, s29;
	s18 =	sadd.s32 s7, s24;
	s19 =	sshra.s32 s14, $0x2  }
0x40: {  	s24 =	ssub.s32 s3, s4;
	s3 =	smul.u32 $0x28, s25;
	s25 =	ssub.s32 s31, s4  }
0x41: {  	v0 =	vmov s26;
	s26 =	sadd.s32 $0x3, s1;
	s29 =	simm.s32 $0x1;
	s31 =	simm.s32 $0xA800  }
0x42: {  	[dreg:$0x9] =	wrdreg s18;
	s18 =	sshra.s32 s21, $0x2;
	s2 =	sshll.u32 s24, $0xC  }
0x43: {  	s14 =	sshll.u32 s25, $0xC;
	s24 =	rddreg [dreg:$0xf];
	s25 =	stileid.u32  }
.Ltmp0:
0x44: {  	s0 =	sshrl.u32 s0, $0x3;
	[dreg:$0xd] =	wrdreg s26;
	(pc) =	sbr.rel .LBB2_1-.Ltmp0, $4  }
0x45: {  	s26 =	sadd.s32 $0x4, s1;
	v8 =	vmov s23;
	s23 =	simm.s32 $0x3;
	s21 =	sshra.s32 s2, $0x2  }
0x46: {  	v9 =	vimm.s32 $0x0;
	v10 =	vlaneseq.u32;
	v11 =	vimm.s32 $0x1;
	s22 =	sshra.s32 s14, $0x2;
	s0 =	sadd.s32 s7, s0;
	p0 =	sgt.u32 s25, $0x4  }
0x47: {  	v1 =	vmov s12;
	v2 =	vmov s10;
	v5 =	vmov s20;
	s25 =	smov.u32 s1;
	[dreg:$0xb] =	wrdreg s0;
	s0 =	smax.u32 s24, $0x1  }
0x48: {  	v6 =	vmov s17;
	v3 =	vmov s8;
	v7 =	vmov s3;
	s3 =	simm.s32 $0x0;
	[dreg:$0xc] =	wrdreg s0;
	s0 =	simm.s32 $0x2  }
.LBB2_41:
0x49: {  	_ =	swait.ge [sflag:s29], $0xA000  }
0x4a: {  	[sflag:s29] =	ssyncset.done $0x0  }
0x4b: {  	[sflag:s29] =	ssyncadd.s32 $0xFFFF6000  }
0x4c: {  	_ =	swait.ge [sflag:s0], $0xA000  }
0x4d: {  	s3 =	sadd.s32 $0x1, s3;
	s1 =	rddreg [dreg:$0xc]  }
0x4e: {  	p1 =	sne.s32 s3, s1  }
.Ltmp1:
0x4f: {  	_ = 	snop;
	(pc) =	sbr.rel @!p1 .LBB2_42-.Ltmp1, $3  }
0x50: {  	_ =	sdelay $0x1  }
0x51: {  	[sflag:s0] =	ssyncset.done $0x0  }
0x52: {  	[sflag:s0] =	ssyncadd.s32 $0xFFFF6000  }
.LBB2_1:
0x53: {  	[dreg:$0xe] =	wrdreg s3  }
0x54: {  	s1 =	rddreg [dreg:$0x5];
	s10 =	simm.s32 $0xFFFF6000  }
0x55: {  	s12 =	simm.s32 $0x0;
	s14 =	simm.s32 $0x0;
	s17 =	simm.s32 $0x0  }
0x56: {  	[tilespmem:s5], [sflag:$0x1] =	stream.linear.gather [hbm4b:s1+s5], $0x800, $0x38;
	[tilespmem:$0x1E800] =	vst v63  }
.LBB2_2:
0x57: {  	s2 =	sadd.s32 $0xA000, s10  }
0x58: {  	s3 =	sand.u32 $0x380, s17;
	s2 =	sand.u32 $0xE000, s2  }
0x59: {  	s2 =	sor.u32 s3, s2  }
0x5a: {  	[tilespmem:s2+$0x800] =	vst v9  }
0x5b: {  	[tilespmem:s2+$0x810] =	vst v9  }
0x5c: {  	[tilespmem:s2+$0x820] =	vst v9  }
0x5d: {  	[tilespmem:s2+$0x830] =	vst v9  }
0x5e: {  	[tilespmem:s2+$0x840] =	vst v9  }
0x5f: {  	[tilespmem:s2+$0x850] =	vst v9  }
0x60: {  	[tilespmem:s2+$0x860] =	vst v9  }
0x61: {  	[tilespmem:s2+$0x870] =	vst v9  }
0x62: {  	[tilespmem:s2+$0xC00] =	vst v9  }
0x63: {  	[tilespmem:s2+$0xC10] =	vst v9  }
0x64: {  	[tilespmem:s2+$0xC20] =	vst v9  }
0x65: {  	[tilespmem:s2+$0xC30] =	vst v9  }
0x66: {  	[tilespmem:s2+$0xC40] =	vst v9  }
0x67: {  	[tilespmem:s2+$0xC50] =	vst v9  }
0x68: {  	[tilespmem:s2+$0xC60] =	vst v9  }
0x69: {  	[tilespmem:s2+$0xC70] =	vst v9  }
0x6a: {  	[tilespmem:s2+$0x1000] =	vst v9  }
0x6b: {  	[tilespmem:s2+$0x1010] =	vst v9  }
0x6c: {  	[tilespmem:s2+$0x1020] =	vst v9  }
0x6d: {  	[tilespmem:s2+$0x1030] =	vst v9  }
0x6e: {  	[tilespmem:s2+$0x1040] =	vst v9  }
0x6f: {  	[tilespmem:s2+$0x1050] =	vst v9  }
0x70: {  	[tilespmem:s2+$0x1060] =	vst v9  }
0x71: {  	[tilespmem:s2+$0x1070] =	vst v9  }
0x72: {  	[tilespmem:s2+$0x1400] =	vst v9  }
0x73: {  	[tilespmem:s2+$0x1410] =	vst v9  }
0x74: {  	[tilespmem:s2+$0x1420] =	vst v9  }
0x75: {  	[tilespmem:s2+$0x1430] =	vst v9  }
0x76: {  	[tilespmem:s2+$0x1440] =	vst v9  }
0x77: {  	[tilespmem:s2+$0x1450] =	vst v9  }
0x78: {  	[tilespmem:s2+$0x1460] =	vst v9  }
0x79: {  	[tilespmem:s2+$0x1470] =	vst v9  }
0x7a: {  	[tilespmem:s2+$0x1800] =	vst v9  }
0x7b: {  	[tilespmem:s2+$0x1810] =	vst v9  }
0x7c: {  	[tilespmem:s2+$0x1820] =	vst v9  }
0x7d: {  	[tilespmem:s2+$0x1830] =	vst v9  }
0x7e: {  	[tilespmem:s2+$0x1840] =	vst v9  }
0x7f: {  	[tilespmem:s2+$0x1850] =	vst v9  }
0x80: {  	[tilespmem:s2+$0x1860] =	vst v9  }
0x81: {  	[tilespmem:s2+$0x1870] =	vst v9  }
0x82: {  	[tilespmem:s2+$0x1C00] =	vst v9  }
0x83: {  	[tilespmem:s2+$0x1C10] =	vst v9  }
0x84: {  	[tilespmem:s2+$0x1C20] =	vst v9  }
0x85: {  	[tilespmem:s2+$0x1C30] =	vst v9  }
0x86: {  	[tilespmem:s2+$0x1C40] =	vst v9  }
0x87: {  	[tilespmem:s2+$0x1C50] =	vst v9  }
0x88: {  	[tilespmem:s2+$0x1C60] =	vst v9  }
0x89: {  	[tilespmem:s2+$0x1C70] =	vst v9  }
0x8a: {  	[tilespmem:s2+$0x2000] =	vst v9  }
0x8b: {  	[tilespmem:s2+$0x2010] =	vst v9  }
0x8c: {  	[tilespmem:s2+$0x2020] =	vst v9  }
0x8d: {  	[tilespmem:s2+$0x2030] =	vst v9  }
0x8e: {  	s24 =	sand.u32 $0x7, s12;
	[tilespmem:s2+$0x2040] =	vst v9  }
0x8f: {  	s3 =	sshll.u32 s24, $0x7;
	[tilespmem:s2+$0x2050] =	vst v9  }
0x90: {  	s3 =	sadd.s32 s3, s14;
	[tilespmem:s2+$0x2060] =	vst v9  }
0x91: {  	[tilespmem:s2+$0x2070] =	vst v9;
	s1 =	sor.u32 $0x1C00, s3  }
0x92: {  	s8 =	sor.u32 $0x1C10, s3;
	[tilespmem:s1+$0x800] =	vst v9  }
0x93: {  	s20 =	sor.u32 $0x1C20, s3;
	[tilespmem:s8+$0x800] =	vst v9  }
0x94: {  	p1 =	sne.s32 s17, $0x1380;
	s24 =	sor.u32 $0x1C30, s3;
	[tilespmem:s20+$0x800] =	vst v9  }
.Ltmp2:
0x95: {  	s1 =	sor.u32 $0x1C40, s3;
	[tilespmem:s24+$0x800] =	vst v9;
	(pc) =	sbr.rel @p1 .LBB2_2-.Ltmp2, $4  }
0x96: {  	s8 =	sor.u32 $0x1C50, s3;
	[tilespmem:s1+$0x800] =	vst v9  }
0x97: {  	s20 =	sor.u32 $0x1C60, s3;
	[tilespmem:s8+$0x800] =	vst v9  }
0x98: {  	s12 =	sadd.s32 $0x1, s12;
	s24 =	sor.u32 $0x1C70, s3;
	[tilespmem:s20+$0x800] =	vst v9  }
0x99: {  	s10 =	sadd.s32 $0x400, s10;
	s17 =	sadd.s32 $0x80, s17;
	s14 =	sadd.s32 $0x400, s14;
	[tilespmem:s24+$0x800] =	vst v9  }
0x9a: {  	s2 =	simm.s32 $0x0  }
0x9b: {  	_ =	swait.ge [sflag:s29], $0x800;
	s3 =	sand.u32 $0x380, s2  }
0x9c: {  	[sflag:s29] =	ssyncset.done $0x0;
	s8 =	sand.u32 $0x60, s2;
	s3 =	sadd.s32 s3, s9  }
0x9d: {  	[sflag:s29] =	ssyncadd.s32 $0xFFFFF800;
	s8 =	sadd.s32 s8, s3  }
0x9e: {  	v12 =	vld [tilespmem:s8+$0x0];
	_ =	sdelay $0x2  }
0x9f: {  	v13 =	vmov s2;
	v14 =	vor.u32 s2, v10  }
0xa0: {  	v13 =	vshll.u32 v13, $0x3;
	v14 =	vand.u32 $0x6F, v14  }
0xa1: {  	v13 =	vand.u32 $0x1C00, v13;
	v15 =	vsub.s32 v12, v0;
	v12 =	vshll.u32 v12, $0x7  }
0xa2: {  	v13 =	vor.u32 v13, v14;
	v14 =	vshll.u32 v15, $0xA;
	v12 =	vand.u32 $0x380, v12  }
0xa3: {  	vm0 =	vlt.u32 v15, $0x28;
	v14 =	vand.u32 $0xFFFFE000, v14;
	v12 =	vor.u32 v12, v13  }
0xa4: {  	v12 =	vor.u32 v14, v12;
	_ =	sdelay $0x2  }
0xa5: {  	s14 =	simm.s32 $0x10  }
0xa6: {  	s17 =	sand.u32 $0x70, s14  }
0xa7: {  	s3 =	sadd.s32 s17, s3;
	[tilespmem:v12+s30+$0x0] =	vst.idx.msk vm0, v11  }
0xa8: {  	v12 =	vld [tilespmem:s3+$0x0];
	_ =	sdelay $0x1  }
0xa9: {  	v13 =	vmov s14  }
0xaa: {  	v13 =	vshll.u32 v13, $0x3  }
0xab: {  	v14 =	vor.u32 s14, v10;
	v13 =	vand.u32 $0x1C00, v13  }
0xac: {  	v14 =	vand.u32 $0x7F, v14;
	v15 =	vsub.s32 v12, v0;
	v12 =	vshll.u32 v12, $0x7  }
0xad: {  	v13 =	vor.u32 v13, v14;
	v14 =	vshll.u32 v15, $0xA;
	v12 =	vand.u32 $0x380, v12  }
0xae: {  	s20 =	simm.s32 $0x20;
	vm0 =	vlt.u32 v15, $0x28;
	v14 =	vand.u32 $0xFFFFE000, v14;
	v13 =	vor.u32 v12, v13  }
0xaf: {  	s12 =	simm.s32 $0x2;
	s24 =	sand.u32 $0x380, s20;
	v15 =	vmov s20;
	v14 =	vor.u32 v14, v13  }
0xb0: {  	s10 =	simm.s32 $0x30;
	s2 =	sand.u32 $0x60, s20;
	s8 =	sadd.s32 s24, s9;
	v12 =	vor.u32 s20, v10;
	v13 =	vshll.u32 v15, $0x3  }
.LBB2_4:
0xb1: {  	s12 =	sadd.s32 $0x2, s12;
	s2 =	sadd.s32 s2, s8  }
0xb2: {  	p1 =	slt.u32 s12, $0x3E;
	_ =	sdelay $0x1  }
0xb3: {  	[tilespmem:v14+s30+$0x0] =	vst.idx.msk vm0, v11  }
0xb4: {  	v14 =	vld [tilespmem:s2+$0x0]  }
0xb5: {  	v12 =	vand.u32 $0x6F, v12  }
0xb6: {  	v13 =	vand.u32 $0x1C00, v13  }
0xb7: {  	v12 =	vor.u32 v13, v12;
	_ =	sdelay $0x1  }
0xb8: {  	v13 =	vsub.s32 v14, v0;
	v14 =	vshll.u32 v14, $0x7  }
0xb9: {  	v15 =	vshll.u32 v13, $0xA;
	v14 =	vand.u32 $0x380, v14  }
0xba: {  	vm0 =	vlt.u32 v13, $0x28;
	v13 =	vand.u32 $0xFFFFE000, v15;
	v12 =	vor.u32 v14, v12  }
0xbb: {  	v12 =	vor.u32 v13, v12  }
0xbc: {  	s2 =	sand.u32 $0x70, s10  }
0xbd: {  	s2 =	sadd.s32 s2, s8;
	_ =	sdelay $0x2  }
0xbe: {  	[tilespmem:v12+s30+$0x0] =	vst.idx.msk vm0, v11  }
0xbf: {  	v13 =	vmov s10;
	v12 =	vld [tilespmem:s2+$0x0]  }
0xc0: {  	v14 =	vor.u32 s10, v10;
	v13 =	vshll.u32 v13, $0x3  }
0xc1: {  	v13 =	vand.u32 $0x1C00, v13  }
0xc2: {  	v14 =	vand.u32 $0x7F, v14;
	_ =	sdelay $0x1  }
.Ltmp3:
0xc3: {  	v13 =	vor.u32 v13, v14;
	v15 =	vsub.s32 v12, v0;
	v12 =	vshll.u32 v12, $0x7;
	(pc) =	sbr.rel @p1 .LBB2_4-.Ltmp3, $4  }
0xc4: {  	s10 =	sadd.s32 $0x20, s10;
	vm0 =	vlt.u32 v15, $0x28;
	v14 =	vshll.u32 v15, $0xA;
	v12 =	vand.u32 $0x380, v12  }
0xc5: {  	s2 =	sadd.s32 $0xFFFFFFF0, s10;
	v14 =	vand.u32 $0xFFFFE000, v14;
	v13 =	vor.u32 v12, v13  }
0xc6: {  	s3 =	sand.u32 $0x380, s2;
	v15 =	vmov s2;
	v12 =	vor.u32 s2, v10;
	v14 =	vor.u32 v14, v13  }
0xc7: {  	s8 =	sadd.s32 s3, s9;
	s2 =	sand.u32 $0x60, s2;
	v13 =	vshll.u32 v15, $0x3  }
0xc8: {  	_ =	sdelay $0x4  }
0xc9: {  	s2 =	sadd.s32 s2, s8;
	[tilespmem:v14+s30+$0x0] =	vst.idx.msk vm0, v11  }
0xca: {  	v14 =	vld [tilespmem:s2+$0x0];
	_ =	sdelay $0x3  }
0xcb: {  	v12 =	vand.u32 $0x6F, v12  }
0xcc: {  	v13 =	vand.u32 $0x1C00, v13;
	v15 =	vsub.s32 v14, v0;
	v14 =	vshll.u32 v14, $0x7  }
0xcd: {  	v12 =	vor.u32 v13, v12;
	v59 =	vshll.u32 v15, $0xA;
	v14 =	vand.u32 $0x380, v14  }
0xce: {  	vm14 =	vlt.u32 v15, $0x28;
	v13 =	vand.u32 $0xFFFFE000, v59;
	v12 =	vor.u32 v14, v12  }
0xcf: {  	v12 =	vor.u32 v13, v12;
	_ =	sdelay $0x3  }
0xd0: {  	s24 =	sand.u32 $0x70, s10  }
0xd1: {  	s2 =	sadd.s32 s24, s8;
	[tilespmem:v12+s30+$0x0] =	vst.idx.msk vm14, v11  }
0xd2: {  	v12 =	vld [tilespmem:s2+$0x0];
	_ =	sdelay $0x2  }
0xd3: {  	v60 =	vmov s10;
	v61 =	vor.u32 s10, v10  }
0xd4: {  	v14 =	vand.u32 $0x7F, v61;
	v13 =	vshll.u32 v60, $0x3  }
0xd5: {  	v13 =	vand.u32 $0x1C00, v13;
	v62 =	vsub.s32 v12, v0;
	v12 =	vshll.u32 v12, $0x7  }
0xd6: {  	v13 =	vor.u32 v13, v14;
	v63 =	vshll.u32 v62, $0xA;
	v12 =	vand.u32 $0x380, v12  }
0xd7: {  	vm15 =	vlt.u32 v62, $0x28;
	v14 =	vand.u32 $0xFFFFE000, v63;
	v12 =	vor.u32 v12, v13  }
0xd8: {  	v12 =	vor.u32 v14, v12;
	_ =	sdelay $0x3  }
0xd9: {  	s10 =	simm.s32 $0x0;
	s1 =	rddreg [dreg:$0x6]  }
0xda: {  	s12 =	simm.s32 $0xFFFF6000;
	s14 =	simm.s32 $0x0;
	s17 =	simm.s32 $0x0;
	[tilespmem:v12+s30+$0x0] =	vst.idx.msk vm15, v11  }
0xdb: {  	[hbm4b:s1+s10] =	stream.linear.scatter [tilespmem:s30], [sflag:$0x1], $0xA000, $0x38;
	[tilespmem:$0x1E800] =	vst v63  }
.LBB2_6:
0xdc: {  	s2 =	sadd.s32 $0xA000, s12  }
0xdd: {  	s3 =	sand.u32 $0x380, s17;
	s2 =	sand.u32 $0xE000, s2  }
0xde: {  	s2 =	sor.u32 s3, s2  }
0xdf: {  	[tilespmem:s2+$0xA800] =	vst v9  }
0xe0: {  	[tilespmem:s2+$0xA810] =	vst v9  }
0xe1: {  	[tilespmem:s2+$0xA820] =	vst v9  }
0xe2: {  	[tilespmem:s2+$0xA830] =	vst v9  }
0xe3: {  	[tilespmem:s2+$0xA840] =	vst v9  }
0xe4: {  	[tilespmem:s2+$0xA850] =	vst v9  }
0xe5: {  	[tilespmem:s2+$0xA860] =	vst v9  }
0xe6: {  	[tilespmem:s2+$0xA870] =	vst v9  }
0xe7: {  	[tilespmem:s2+$0xAC00] =	vst v9  }
0xe8: {  	[tilespmem:s2+$0xAC10] =	vst v9  }
0xe9: {  	[tilespmem:s2+$0xAC20] =	vst v9  }
0xea: {  	[tilespmem:s2+$0xAC30] =	vst v9  }
0xeb: {  	[tilespmem:s2+$0xAC40] =	vst v9  }
0xec: {  	[tilespmem:s2+$0xAC50] =	vst v9  }
0xed: {  	[tilespmem:s2+$0xAC60] =	vst v9  }
0xee: {  	[tilespmem:s2+$0xAC70] =	vst v9  }
0xef: {  	[tilespmem:s2+$0xB000] =	vst v9  }
0xf0: {  	[tilespmem:s2+$0xB010] =	vst v9  }
0xf1: {  	[tilespmem:s2+$0xB020] =	vst v9  }
0xf2: {  	[tilespmem:s2+$0xB030] =	vst v9  }
0xf3: {  	[tilespmem:s2+$0xB040] =	vst v9  }
0xf4: {  	[tilespmem:s2+$0xB050] =	vst v9  }
0xf5: {  	[tilespmem:s2+$0xB060] =	vst v9  }
0xf6: {  	[tilespmem:s2+$0xB070] =	vst v9  }
0xf7: {  	[tilespmem:s2+$0xB400] =	vst v9  }
0xf8: {  	[tilespmem:s2+$0xB410] =	vst v9  }
0xf9: {  	[tilespmem:s2+$0xB420] =	vst v9  }
0xfa: {  	[tilespmem:s2+$0xB430] =	vst v9  }
0xfb: {  	[tilespmem:s2+$0xB440] =	vst v9  }
0xfc: {  	[tilespmem:s2+$0xB450] =	vst v9  }
0xfd: {  	[tilespmem:s2+$0xB460] =	vst v9  }
0xfe: {  	[tilespmem:s2+$0xB470] =	vst v9  }
0xff: {  	[tilespmem:s2+$0xB800] =	vst v9  }
0x100: {  	[tilespmem:s2+$0xB810] =	vst v9  }
0x101: {  	[tilespmem:s2+$0xB820] =	vst v9  }
0x102: {  	[tilespmem:s2+$0xB830] =	vst v9  }
0x103: {  	[tilespmem:s2+$0xB840] =	vst v9  }
0x104: {  	[tilespmem:s2+$0xB850] =	vst v9  }
0x105: {  	[tilespmem:s2+$0xB860] =	vst v9  }
0x106: {  	[tilespmem:s2+$0xB870] =	vst v9  }
0x107: {  	[tilespmem:s2+$0xBC00] =	vst v9  }
0x108: {  	[tilespmem:s2+$0xBC10] =	vst v9  }
0x109: {  	[tilespmem:s2+$0xBC20] =	vst v9  }
0x10a: {  	[tilespmem:s2+$0xBC30] =	vst v9  }
0x10b: {  	[tilespmem:s2+$0xBC40] =	vst v9  }
0x10c: {  	[tilespmem:s2+$0xBC50] =	vst v9  }
0x10d: {  	[tilespmem:s2+$0xBC60] =	vst v9  }
0x10e: {  	[tilespmem:s2+$0xBC70] =	vst v9  }
0x10f: {  	[tilespmem:s2+$0xC000] =	vst v9  }
0x110: {  	[tilespmem:s2+$0xC010] =	vst v9  }
0x111: {  	[tilespmem:s2+$0xC020] =	vst v9  }
0x112: {  	[tilespmem:s2+$0xC030] =	vst v9  }
0x113: {  	s24 =	sand.u32 $0x7, s10;
	[tilespmem:s2+$0xC040] =	vst v9  }
0x114: {  	s3 =	sshll.u32 s24, $0x7;
	[tilespmem:s2+$0xC050] =	vst v9  }
0x115: {  	s3 =	sadd.s32 s3, s14;
	[tilespmem:s2+$0xC060] =	vst v9  }
0x116: {  	[tilespmem:s2+$0xC070] =	vst v9;
	s1 =	sor.u32 $0x1C00, s3  }
0x117: {  	s8 =	sor.u32 $0x1C10, s3;
	[tilespmem:s1+$0xA800] =	vst v9  }
0x118: {  	s20 =	sor.u32 $0x1C20, s3;
	[tilespmem:s8+$0xA800] =	vst v9  }
0x119: {  	p1 =	sne.s32 s17, $0x1380;
	s24 =	sor.u32 $0x1C30, s3;
	[tilespmem:s20+$0xA800] =	vst v9  }
.Ltmp4:
0x11a: {  	s1 =	sor.u32 $0x1C40, s3;
	[tilespmem:s24+$0xA800] =	vst v9;
	(pc) =	sbr.rel @p1 .LBB2_6-.Ltmp4, $4  }
0x11b: {  	s8 =	sor.u32 $0x1C50, s3;
	[tilespmem:s1+$0xA800] =	vst v9  }
0x11c: {  	s20 =	sor.u32 $0x1C60, s3;
	[tilespmem:s8+$0xA800] =	vst v9  }
0x11d: {  	s10 =	sadd.s32 $0x1, s10;
	s24 =	sor.u32 $0x1C70, s3;
	[tilespmem:s20+$0xA800] =	vst v9  }
0x11e: {  	s12 =	sadd.s32 $0x400, s12;
	s17 =	sadd.s32 $0x80, s17;
	s14 =	sadd.s32 $0x400, s14;
	[tilespmem:s24+$0xA800] =	vst v9  }
0x11f: {  	s2 =	simm.s32 $0x0  }
0x120: {  	s3 =	sand.u32 $0x380, s2  }
0x121: {  	s8 =	sand.u32 $0x60, s2;
	s3 =	sadd.s32 s3, s11  }
0x122: {  	s8 =	sadd.s32 s8, s3  }
0x123: {  	v12 =	vld [tilespmem:s8+$0x0];
	_ =	sdelay $0x2  }
0x124: {  	v13 =	vmov s2;
	v14 =	vor.u32 s2, v10  }
0x125: {  	v13 =	vshll.u32 v13, $0x3;
	v14 =	vand.u32 $0x6F, v14  }
0x126: {  	v13 =	vand.u32 $0x1C00, v13;
	v15 =	vsub.s32 v12, v1;
	v12 =	vshll.u32 v12, $0x7  }
0x127: {  	v13 =	vor.u32 v13, v14;
	v14 =	vshll.u32 v15, $0xA;
	v12 =	vand.u32 $0x380, v12  }
0x128: {  	vm0 =	vlt.u32 v15, $0x28;
	v14 =	vand.u32 $0xFFFFE000, v14;
	v12 =	vor.u32 v12, v13  }
0x129: {  	v12 =	vor.u32 v14, v12;
	_ =	sdelay $0x2  }
0x12a: {  	s14 =	simm.s32 $0x10  }
0x12b: {  	s17 =	sand.u32 $0x70, s14  }
0x12c: {  	s3 =	sadd.s32 s17, s3;
	[tilespmem:v12+s31+$0x0] =	vst.idx.msk vm0, v11  }
0x12d: {  	v12 =	vld [tilespmem:s3+$0x0];
	_ =	sdelay $0x1  }
0x12e: {  	v13 =	vmov s14  }
0x12f: {  	v13 =	vshll.u32 v13, $0x3  }
0x130: {  	v14 =	vor.u32 s14, v10;
	v13 =	vand.u32 $0x1C00, v13  }
0x131: {  	v14 =	vand.u32 $0x7F, v14;
	v15 =	vsub.s32 v12, v1;
	v12 =	vshll.u32 v12, $0x7  }
0x132: {  	v13 =	vor.u32 v13, v14;
	v14 =	vshll.u32 v15, $0xA;
	v12 =	vand.u32 $0x380, v12  }
0x133: {  	s20 =	simm.s32 $0x20;
	vm0 =	vlt.u32 v15, $0x28;
	v14 =	vand.u32 $0xFFFFE000, v14;
	v13 =	vor.u32 v12, v13  }
0x134: {  	s12 =	simm.s32 $0x2;
	s24 =	sand.u32 $0x380, s20;
	v15 =	vmov s20;
	v14 =	vor.u32 v14, v13  }
0x135: {  	s10 =	simm.s32 $0x30;
	s2 =	sand.u32 $0x60, s20;
	s8 =	sadd.s32 s24, s11;
	v12 =	vor.u32 s20, v10;
	v13 =	vshll.u32 v15, $0x3  }
.LBB2_8:
0x136: {  	s12 =	sadd.s32 $0x2, s12;
	s2 =	sadd.s32 s2, s8  }
0x137: {  	p1 =	slt.u32 s12, $0x3E;
	_ =	sdelay $0x1  }
0x138: {  	[tilespmem:v14+s31+$0x0] =	vst.idx.msk vm0, v11  }
0x139: {  	v14 =	vld [tilespmem:s2+$0x0]  }
0x13a: {  	v12 =	vand.u32 $0x6F, v12  }
0x13b: {  	v13 =	vand.u32 $0x1C00, v13  }
0x13c: {  	v12 =	vor.u32 v13, v12;
	_ =	sdelay $0x1  }
0x13d: {  	v13 =	vsub.s32 v14, v1;
	v14 =	vshll.u32 v14, $0x7  }
0x13e: {  	v15 =	vshll.u32 v13, $0xA;
	v14 =	vand.u32 $0x380, v14  }
0x13f: {  	vm0 =	vlt.u32 v13, $0x28;
	v13 =	vand.u32 $0xFFFFE000, v15;
	v12 =	vor.u32 v14, v12  }
0x140: {  	v12 =	vor.u32 v13, v12  }
0x141: {  	s2 =	sand.u32 $0x70, s10  }
0x142: {  	s2 =	sadd.s32 s2, s8;
	_ =	sdelay $0x2  }
0x143: {  	[tilespmem:v12+s31+$0x0] =	vst.idx.msk vm0, v11  }
0x144: {  	v13 =	vmov s10;
	v12 =	vld [tilespmem:s2+$0x0]  }
0x145: {  	v14 =	vor.u32 s10, v10;
	v13 =	vshll.u32 v13, $0x3  }
0x146: {  	v13 =	vand.u32 $0x1C00, v13  }
0x147: {  	v14 =	vand.u32 $0x7F, v14;
	_ =	sdelay $0x1  }
.Ltmp5:
0x148: {  	v13 =	vor.u32 v13, v14;
	v15 =	vsub.s32 v12, v1;
	v12 =	vshll.u32 v12, $0x7;
	(pc) =	sbr.rel @p1 .LBB2_8-.Ltmp5, $4  }
0x149: {  	s10 =	sadd.s32 $0x20, s10;
	vm0 =	vlt.u32 v15, $0x28;
	v14 =	vshll.u32 v15, $0xA;
	v12 =	vand.u32 $0x380, v12  }
0x14a: {  	s2 =	sadd.s32 $0xFFFFFFF0, s10;
	v14 =	vand.u32 $0xFFFFE000, v14;
	v13 =	vor.u32 v12, v13  }
0x14b: {  	s3 =	sand.u32 $0x380, s2;
	v15 =	vmov s2;
	v12 =	vor.u32 s2, v10;
	v14 =	vor.u32 v14, v13  }
0x14c: {  	s8 =	sadd.s32 s3, s11;
	s2 =	sand.u32 $0x60, s2;
	v13 =	vshll.u32 v15, $0x3  }
0x14d: {  	_ =	sdelay $0x4  }
0x14e: {  	s2 =	sadd.s32 s2, s8;
	[tilespmem:v14+s31+$0x0] =	vst.idx.msk vm0, v11  }
0x14f: {  	v14 =	vld [tilespmem:s2+$0x0];
	_ =	sdelay $0x3  }
0x150: {  	v12 =	vand.u32 $0x6F, v12  }
0x151: {  	v13 =	vand.u32 $0x1C00, v13;
	v15 =	vsub.s32 v14, v1;
	v14 =	vshll.u32 v14, $0x7  }
0x152: {  	v12 =	vor.u32 v13, v12;
	v59 =	vshll.u32 v15, $0xA;
	v14 =	vand.u32 $0x380, v14  }
0x153: {  	vm14 =	vlt.u32 v15, $0x28;
	v13 =	vand.u32 $0xFFFFE000, v59;
	v12 =	vor.u32 v14, v12  }
0x154: {  	v12 =	vor.u32 v13, v12;
	_ =	sdelay $0x3  }
0x155: {  	s24 =	sand.u32 $0x70, s10  }
0x156: {  	s2 =	sadd.s32 s24, s8;
	[tilespmem:v12+s31+$0x0] =	vst.idx.msk vm14, v11  }
0x157: {  	v12 =	vld [tilespmem:s2+$0x0];
	_ =	sdelay $0x2  }
0x158: {  	v60 =	vmov s10;
	v61 =	vor.u32 s10, v10  }
0x159: {  	v14 =	vand.u32 $0x7F, v61;
	v13 =	vshll.u32 v60, $0x3  }
0x15a: {  	v13 =	vand.u32 $0x1C00, v13;
	v62 =	vsub.s32 v12, v1;
	v12 =	vshll.u32 v12, $0x7  }
0x15b: {  	v13 =	vor.u32 v13, v14;
	v63 =	vshll.u32 v62, $0xA;
	v12 =	vand.u32 $0x380, v12  }
0x15c: {  	vm15 =	vlt.u32 v62, $0x28;
	v14 =	vand.u32 $0xFFFFE000, v63;
	v12 =	vor.u32 v12, v13  }
0x15d: {  	v12 =	vor.u32 v14, v12;
	_ =	sdelay $0x3  }
0x15e: {  	s10 =	simm.s32 $0x0;
	s1 =	rddreg [dreg:$0x7]  }
0x15f: {  	s12 =	simm.s32 $0xFFFF6000;
	s14 =	simm.s32 $0x0;
	s17 =	simm.s32 $0x0;
	[tilespmem:v12+s31+$0x0] =	vst.idx.msk vm15, v11  }
0x160: {  	[hbm4b:s1+s10] =	stream.linear.scatter [tilespmem:s31], [sflag:$0x2], $0xA000, $0x38;
	[tilespmem:$0x1E800] =	vst v63  }
.LBB2_10:
0x161: {  	s2 =	sadd.s32 $0xA000, s12  }
0x162: {  	s3 =	sand.u32 $0x380, s17;
	s2 =	sand.u32 $0xE000, s2  }
0x163: {  	s2 =	sor.u32 s3, s2  }
0x164: {  	s3 =	sadd.s32 $0x14800, s2;
	[tilespmem:s2+$0x14800] =	vst v9  }
0x165: {  	[tilespmem:s3+$0x10] =	vst v9  }
0x166: {  	[tilespmem:s3+$0x20] =	vst v9  }
0x167: {  	[tilespmem:s3+$0x30] =	vst v9  }
0x168: {  	[tilespmem:s3+$0x40] =	vst v9  }
0x169: {  	[tilespmem:s3+$0x50] =	vst v9  }
0x16a: {  	[tilespmem:s3+$0x60] =	vst v9  }
0x16b: {  	[tilespmem:s3+$0x70] =	vst v9  }
0x16c: {  	[tilespmem:s3+$0x400] =	vst v9  }
0x16d: {  	[tilespmem:s3+$0x410] =	vst v9  }
0x16e: {  	[tilespmem:s3+$0x420] =	vst v9  }
0x16f: {  	[tilespmem:s3+$0x430] =	vst v9  }
0x170: {  	[tilespmem:s3+$0x440] =	vst v9  }
0x171: {  	[tilespmem:s3+$0x450] =	vst v9  }
0x172: {  	[tilespmem:s3+$0x460] =	vst v9  }
0x173: {  	[tilespmem:s3+$0x470] =	vst v9  }
0x174: {  	[tilespmem:s3+$0x800] =	vst v9  }
0x175: {  	[tilespmem:s3+$0x810] =	vst v9  }
0x176: {  	[tilespmem:s3+$0x820] =	vst v9  }
0x177: {  	[tilespmem:s3+$0x830] =	vst v9  }
0x178: {  	[tilespmem:s3+$0x840] =	vst v9  }
0x179: {  	[tilespmem:s3+$0x850] =	vst v9  }
0x17a: {  	[tilespmem:s3+$0x860] =	vst v9  }
0x17b: {  	[tilespmem:s3+$0x870] =	vst v9  }
0x17c: {  	[tilespmem:s3+$0xC00] =	vst v9  }
0x17d: {  	[tilespmem:s3+$0xC10] =	vst v9  }
0x17e: {  	[tilespmem:s3+$0xC20] =	vst v9  }
0x17f: {  	[tilespmem:s3+$0xC30] =	vst v9  }
0x180: {  	[tilespmem:s3+$0xC40] =	vst v9  }
0x181: {  	[tilespmem:s3+$0xC50] =	vst v9  }
0x182: {  	[tilespmem:s3+$0xC60] =	vst v9  }
0x183: {  	[tilespmem:s3+$0xC70] =	vst v9  }
0x184: {  	[tilespmem:s3+$0x1000] =	vst v9  }
0x185: {  	[tilespmem:s3+$0x1010] =	vst v9  }
0x186: {  	[tilespmem:s3+$0x1020] =	vst v9  }
0x187: {  	[tilespmem:s3+$0x1030] =	vst v9  }
0x188: {  	[tilespmem:s3+$0x1040] =	vst v9  }
0x189: {  	[tilespmem:s3+$0x1050] =	vst v9  }
0x18a: {  	[tilespmem:s3+$0x1060] =	vst v9  }
0x18b: {  	[tilespmem:s3+$0x1070] =	vst v9  }
0x18c: {  	[tilespmem:s3+$0x1400] =	vst v9  }
0x18d: {  	[tilespmem:s3+$0x1410] =	vst v9  }
0x18e: {  	[tilespmem:s3+$0x1420] =	vst v9  }
0x18f: {  	[tilespmem:s3+$0x1430] =	vst v9  }
0x190: {  	[tilespmem:s3+$0x1440] =	vst v9  }
0x191: {  	[tilespmem:s3+$0x1450] =	vst v9  }
0x192: {  	[tilespmem:s3+$0x1460] =	vst v9  }
0x193: {  	[tilespmem:s3+$0x1470] =	vst v9  }
0x194: {  	[tilespmem:s3+$0x1800] =	vst v9  }
0x195: {  	[tilespmem:s3+$0x1810] =	vst v9  }
0x196: {  	[tilespmem:s3+$0x1820] =	vst v9  }
0x197: {  	[tilespmem:s3+$0x1830] =	vst v9  }
0x198: {  	s1 =	sand.u32 $0x7, s10;
	[tilespmem:s3+$0x1840] =	vst v9  }
0x199: {  	s2 =	sshll.u32 s1, $0x7;
	[tilespmem:s3+$0x1850] =	vst v9  }
0x19a: {  	s2 =	sadd.s32 s2, s14;
	[tilespmem:s3+$0x1860] =	vst v9  }
0x19b: {  	[tilespmem:s3+$0x1870] =	vst v9;
	s8 =	sor.u32 $0x1C00, s2  }
0x19c: {  	s20 =	sor.u32 $0x1C10, s2;
	[tilespmem:s8+$0x14800] =	vst v9  }
0x19d: {  	s24 =	sor.u32 $0x1C20, s2;
	[tilespmem:s20+$0x14800] =	vst v9  }
0x19e: {  	p1 =	sne.s32 s17, $0x1380;
	s1 =	sor.u32 $0x1C30, s2;
	[tilespmem:s24+$0x14800] =	vst v9  }
.Ltmp6:
0x19f: {  	s8 =	sor.u32 $0x1C40, s2;
	[tilespmem:s1+$0x14800] =	vst v9;
	(pc) =	sbr.rel @p1 .LBB2_10-.Ltmp6, $4  }
0x1a0: {  	s20 =	sor.u32 $0x1C50, s2;
	[tilespmem:s8+$0x14800] =	vst v9  }
0x1a1: {  	s24 =	sor.u32 $0x1C60, s2;
	[tilespmem:s20+$0x14800] =	vst v9  }
0x1a2: {  	s10 =	sadd.s32 $0x1, s10;
	s2 =	sor.u32 $0x1C70, s2;
	[tilespmem:s24+$0x14800] =	vst v9  }
0x1a3: {  	s12 =	sadd.s32 $0x400, s12;
	s17 =	sadd.s32 $0x80, s17;
	s14 =	sadd.s32 $0x400, s14;
	[tilespmem:s2+$0x14800] =	vst v9  }
0x1a4: {  	s2 =	simm.s32 $0x0  }
0x1a5: {  	s3 =	sand.u32 $0x380, s2  }
0x1a6: {  	s8 =	sand.u32 $0x60, s2;
	s3 =	sadd.s32 s3, s13  }
0x1a7: {  	s8 =	sadd.s32 s8, s3  }
0x1a8: {  	v12 =	vld [tilespmem:s8+$0x0];
	_ =	sdelay $0x2  }
0x1a9: {  	v13 =	vmov s2;
	v14 =	vor.u32 s2, v10  }
0x1aa: {  	v13 =	vshll.u32 v13, $0x3;
	v14 =	vand.u32 $0x6F, v14  }
0x1ab: {  	v13 =	vand.u32 $0x1C00, v13;
	v15 =	vsub.s32 v12, v2;
	v12 =	vshll.u32 v12, $0x7  }
0x1ac: {  	v13 =	vor.u32 v13, v14;
	v14 =	vshll.u32 v15, $0xA;
	v12 =	vand.u32 $0x380, v12  }
0x1ad: {  	vm0 =	vlt.u32 v15, $0x28;
	v14 =	vand.u32 $0xFFFFE000, v14;
	v12 =	vor.u32 v12, v13  }
0x1ae: {  	v12 =	vor.u32 v14, v12;
	_ =	sdelay $0x2  }
0x1af: {  	s14 =	simm.s32 $0x10  }
0x1b0: {  	s17 =	sand.u32 $0x70, s14  }
0x1b1: {  	s3 =	sadd.s32 s17, s3;
	[tilespmem:v12+s6+$0x0] =	vst.idx.msk vm0, v11  }
0x1b2: {  	v12 =	vld [tilespmem:s3+$0x0];
	_ =	sdelay $0x1  }
0x1b3: {  	v13 =	vmov s14  }
0x1b4: {  	v13 =	vshll.u32 v13, $0x3  }
0x1b5: {  	v14 =	vor.u32 s14, v10;
	v13 =	vand.u32 $0x1C00, v13  }
0x1b6: {  	v14 =	vand.u32 $0x7F, v14;
	v15 =	vsub.s32 v12, v2;
	v12 =	vshll.u32 v12, $0x7  }
0x1b7: {  	v13 =	vor.u32 v13, v14;
	v14 =	vshll.u32 v15, $0xA;
	v12 =	vand.u32 $0x380, v12  }
0x1b8: {  	s20 =	simm.s32 $0x20;
	vm0 =	vlt.u32 v15, $0x28;
	v14 =	vand.u32 $0xFFFFE000, v14;
	v13 =	vor.u32 v12, v13  }
0x1b9: {  	s12 =	simm.s32 $0x2;
	s24 =	sand.u32 $0x380, s20;
	v15 =	vmov s20;
	v14 =	vor.u32 v14, v13  }
0x1ba: {  	s10 =	simm.s32 $0x30;
	s2 =	sand.u32 $0x60, s20;
	s8 =	sadd.s32 s24, s13;
	v12 =	vor.u32 s20, v10;
	v13 =	vshll.u32 v15, $0x3  }
.LBB2_12:
0x1bb: {  	s12 =	sadd.s32 $0x2, s12;
	s2 =	sadd.s32 s2, s8  }
0x1bc: {  	p1 =	slt.u32 s12, $0x3E;
	_ =	sdelay $0x1  }
0x1bd: {  	[tilespmem:v14+s6+$0x0] =	vst.idx.msk vm0, v11  }
0x1be: {  	v14 =	vld [tilespmem:s2+$0x0]  }
0x1bf: {  	v12 =	vand.u32 $0x6F, v12  }
0x1c0: {  	v13 =	vand.u32 $0x1C00, v13  }
0x1c1: {  	v12 =	vor.u32 v13, v12;
	_ =	sdelay $0x1  }
0x1c2: {  	v13 =	vsub.s32 v14, v2;
	v14 =	vshll.u32 v14, $0x7  }
0x1c3: {  	v15 =	vshll.u32 v13, $0xA;
	v14 =	vand.u32 $0x380, v14  }
0x1c4: {  	vm0 =	vlt.u32 v13, $0x28;
	v13 =	vand.u32 $0xFFFFE000, v15;
	v12 =	vor.u32 v14, v12  }
0x1c5: {  	v12 =	vor.u32 v13, v12  }
0x1c6: {  	s2 =	sand.u32 $0x70, s10  }
0x1c7: {  	s2 =	sadd.s32 s2, s8;
	_ =	sdelay $0x2  }
0x1c8: {  	[tilespmem:v12+s6+$0x0] =	vst.idx.msk vm0, v11  }
0x1c9: {  	v13 =	vmov s10;
	v12 =	vld [tilespmem:s2+$0x0]  }
0x1ca: {  	v14 =	vor.u32 s10, v10;
	v13 =	vshll.u32 v13, $0x3  }
0x1cb: {  	v13 =	vand.u32 $0x1C00, v13  }
0x1cc: {  	v14 =	vand.u32 $0x7F, v14;
	_ =	sdelay $0x1  }
.Ltmp7:
0x1cd: {  	v13 =	vor.u32 v13, v14;
	v15 =	vsub.s32 v12, v2;
	v12 =	vshll.u32 v12, $0x7;
	(pc) =	sbr.rel @p1 .LBB2_12-.Ltmp7, $4  }
0x1ce: {  	s10 =	sadd.s32 $0x20, s10;
	vm0 =	vlt.u32 v15, $0x28;
	v14 =	vshll.u32 v15, $0xA;
	v12 =	vand.u32 $0x380, v12  }
0x1cf: {  	s2 =	sadd.s32 $0xFFFFFFF0, s10;
	v14 =	vand.u32 $0xFFFFE000, v14;
	v13 =	vor.u32 v12, v13  }
0x1d0: {  	s3 =	sand.u32 $0x380, s2;
	v15 =	vmov s2;
	v12 =	vor.u32 s2, v10;
	v14 =	vor.u32 v14, v13  }
0x1d1: {  	s8 =	sadd.s32 s3, s13;
	s2 =	sand.u32 $0x60, s2;
	v13 =	vshll.u32 v15, $0x3  }
0x1d2: {  	_ =	sdelay $0x4  }
0x1d3: {  	s2 =	sadd.s32 s2, s8;
	[tilespmem:v14+s6+$0x0] =	vst.idx.msk vm0, v11  }
0x1d4: {  	v14 =	vld [tilespmem:s2+$0x0];
	_ =	sdelay $0x3  }
0x1d5: {  	v12 =	vand.u32 $0x6F, v12  }
0x1d6: {  	v13 =	vand.u32 $0x1C00, v13;
	v15 =	vsub.s32 v14, v2;
	v14 =	vshll.u32 v14, $0x7  }
0x1d7: {  	v12 =	vor.u32 v13, v12;
	v59 =	vshll.u32 v15, $0xA;
	v14 =	vand.u32 $0x380, v14  }
0x1d8: {  	vm14 =	vlt.u32 v15, $0x28;
	v13 =	vand.u32 $0xFFFFE000, v59;
	v12 =	vor.u32 v14, v12  }
0x1d9: {  	v12 =	vor.u32 v13, v12;
	_ =	sdelay $0x3  }
0x1da: {  	s24 =	sand.u32 $0x70, s10  }
0x1db: {  	s2 =	sadd.s32 s24, s8;
	[tilespmem:v12+s6+$0x0] =	vst.idx.msk vm14, v11  }
0x1dc: {  	v12 =	vld [tilespmem:s2+$0x0];
	_ =	sdelay $0x2  }
0x1dd: {  	v60 =	vmov s10;
	v61 =	vor.u32 s10, v10  }
0x1de: {  	v14 =	vand.u32 $0x7F, v61;
	v13 =	vshll.u32 v60, $0x3  }
0x1df: {  	v13 =	vand.u32 $0x1C00, v13;
	v62 =	vsub.s32 v12, v2;
	v12 =	vshll.u32 v12, $0x7  }
0x1e0: {  	v13 =	vor.u32 v13, v14;
	v63 =	vshll.u32 v62, $0xA;
	v12 =	vand.u32 $0x380, v12  }
0x1e1: {  	vm15 =	vlt.u32 v62, $0x28;
	v14 =	vand.u32 $0xFFFFE000, v63;
	v12 =	vor.u32 v12, v13  }
0x1e2: {  	v12 =	vor.u32 v14, v12;
	_ =	sdelay $0x4  }
0x1e3: {  	s10 =	simm.s32 $0x0;
	s1 =	rddreg [dreg:$0x8];
	[tilespmem:v12+s6+$0x0] =	vst.idx.msk vm15, v11  }
0x1e4: {  	[hbm4b:s1+s10] =	stream.linear.scatter [tilespmem:s6], [sflag:$0x3], $0xA000, $0x38;
	[tilespmem:$0x1E800] =	vst v63  }
.LBB2_14:
0x1e5: {  	s12 =	smul.u32 $0x3, s10;
	_ =	sdelay $0x1  }
0x1e6: {  	s2 =	sadd.s32 s25, s12  }
0x1e7: {  	s3 =	smulhi.u32 $0x51EB851F, s2;
	_ =	sdelay $0x1  }
0x1e8: {  	s3 =	sshrl.u32 s3, $0x3  }
0x1e9: {  	s8 =	ssub.s32 s3, s4  }
0x1ea: {  	s17 =	simm.s32 $0x0;
	s8 =	sshll.u32 s8, $0xC  }
0x1eb: {  	_ =	swait.ge [sflag:s29], $0xA000;
	s1 =	sand.u32 $0x380, s17;
	s14 =	sshra.s32 s8, $0x2  }
0x1ec: {  	[sflag:s29] =	ssyncset.done $0x0;
	s20 =	sand.u32 $0x60, s17;
	s8 =	sadd.s32 s1, s14  }
0x1ed: {  	[sflag:s29] =	ssyncadd.s32 $0xFFFF6000;
	s3 =	smul.u32 $0xFFFFFFE7, s3;
	s20 =	sadd.s32 s20, s8  }
0x1ee: {  	v13 =	vld [tilespmem:s20+$0x0]  }
0x1ef: {  	s2 =	sadd.s32 s2, s3  }
0x1f0: {  	s2 =	smul.u32 $0x28, s2  }
0x1f1: {  	v14 =	vmov s17;
	v15 =	vor.u32 s17, v10  }
0x1f2: {  	v14 =	vshll.u32 v14, $0x3;
	v15 =	vand.u32 $0x6F, v15;
	v12 =	vmov s2  }
0x1f3: {  	v14 =	vand.u32 $0x1C00, v14;
	v16 =	vsub.s32 v13, v12;
	v13 =	vshll.u32 v13, $0x7  }
0x1f4: {  	v14 =	vor.u32 v14, v15;
	v15 =	vshll.u32 v16, $0xA;
	v13 =	vand.u32 $0x380, v13  }
0x1f5: {  	vm0 =	vlt.u32 v16, $0x28;
	v15 =	vand.u32 $0xFFFFE000, v15;
	v13 =	vor.u32 v13, v14  }
0x1f6: {  	v13 =	vor.u32 v15, v13;
	_ =	sdelay $0x2  }
0x1f7: {  	s24 =	simm.s32 $0x10  }
0x1f8: {  	s1 =	sand.u32 $0x70, s24  }
0x1f9: {  	s3 =	sadd.s32 s1, s8;
	[tilespmem:v13+s30+$0x0] =	vst.idx.msk vm0, v9  }
0x1fa: {  	v13 =	vld [tilespmem:s3+$0x0];
	_ =	sdelay $0x1  }
0x1fb: {  	v14 =	vmov s24  }
0x1fc: {  	v14 =	vshll.u32 v14, $0x3  }
0x1fd: {  	v15 =	vor.u32 s24, v10;
	v14 =	vand.u32 $0x1C00, v14  }
0x1fe: {  	v15 =	vand.u32 $0x7F, v15;
	v16 =	vsub.s32 v13, v12;
	v13 =	vshll.u32 v13, $0x7  }
0x1ff: {  	v14 =	vor.u32 v14, v15;
	v15 =	vshll.u32 v16, $0xA;
	v13 =	vand.u32 $0x380, v13  }
0x200: {  	s8 =	simm.s32 $0x20;
	vm0 =	vlt.u32 v16, $0x28;
	v15 =	vand.u32 $0xFFFFE000, v15;
	v14 =	vor.u32 v13, v14  }
0x201: {  	s17 =	simm.s32 $0x30;
	s24 =	sand.u32 $0x380, s8;
	v16 =	vmov s8;
	v15 =	vor.u32 v15, v14  }
0x202: {  	s20 =	simm.s32 $0x2;
	s2 =	sand.u32 $0x60, s8;
	v13 =	vor.u32 s8, v10;
	s8 =	sadd.s32 s24, s14;
	v14 =	vshll.u32 v16, $0x3  }
.LBB2_15:
0x203: {  	s20 =	sadd.s32 $0x2, s20;
	s2 =	sadd.s32 s2, s8  }
0x204: {  	p1 =	slt.u32 s20, $0x3E;
	_ =	sdelay $0x1  }
0x205: {  	[tilespmem:v15+s30+$0x0] =	vst.idx.msk vm0, v9  }
0x206: {  	v15 =	vld [tilespmem:s2+$0x0]  }
0x207: {  	v13 =	vand.u32 $0x6F, v13  }
0x208: {  	v14 =	vand.u32 $0x1C00, v14  }
0x209: {  	v13 =	vor.u32 v14, v13;
	_ =	sdelay $0x1  }
0x20a: {  	v14 =	vsub.s32 v15, v12;
	v15 =	vshll.u32 v15, $0x7  }
0x20b: {  	v16 =	vshll.u32 v14, $0xA;
	v15 =	vand.u32 $0x380, v15  }
0x20c: {  	vm0 =	vlt.u32 v14, $0x28;
	v14 =	vand.u32 $0xFFFFE000, v16;
	v13 =	vor.u32 v15, v13  }
0x20d: {  	v13 =	vor.u32 v14, v13  }
0x20e: {  	s2 =	sand.u32 $0x70, s17  }
0x20f: {  	s2 =	sadd.s32 s2, s8;
	_ =	sdelay $0x2  }
0x210: {  	[tilespmem:v13+s30+$0x0] =	vst.idx.msk vm0, v9  }
0x211: {  	v14 =	vmov s17;
	v13 =	vld [tilespmem:s2+$0x0]  }
0x212: {  	v15 =	vor.u32 s17, v10;
	v14 =	vshll.u32 v14, $0x3  }
0x213: {  	v14 =	vand.u32 $0x1C00, v14  }
0x214: {  	v15 =	vand.u32 $0x7F, v15;
	_ =	sdelay $0x1  }
.Ltmp8:
0x215: {  	v14 =	vor.u32 v14, v15;
	v16 =	vsub.s32 v13, v12;
	v13 =	vshll.u32 v13, $0x7;
	(pc) =	sbr.rel @p1 .LBB2_15-.Ltmp8, $4  }
0x216: {  	s17 =	sadd.s32 $0x20, s17;
	vm0 =	vlt.u32 v16, $0x28;
	v15 =	vshll.u32 v16, $0xA;
	v13 =	vand.u32 $0x380, v13  }
0x217: {  	s2 =	sadd.s32 $0xFFFFFFF0, s17;
	v15 =	vand.u32 $0xFFFFE000, v15;
	v14 =	vor.u32 v13, v14  }
0x218: {  	s3 =	sand.u32 $0x380, s2;
	v16 =	vmov s2;
	v13 =	vor.u32 s2, v10;
	v15 =	vor.u32 v15, v14  }
0x219: {  	s8 =	sadd.s32 s3, s14;
	s2 =	sand.u32 $0x60, s2;
	v14 =	vshll.u32 v16, $0x3  }
0x21a: {  	_ =	sdelay $0x4  }
0x21b: {  	s2 =	sadd.s32 s2, s8;
	[tilespmem:v15+s30+$0x0] =	vst.idx.msk vm0, v9  }
0x21c: {  	v15 =	vld [tilespmem:s2+$0x0];
	_ =	sdelay $0x3  }
0x21d: {  	v13 =	vand.u32 $0x6F, v13  }
0x21e: {  	v14 =	vand.u32 $0x1C00, v14;
	v16 =	vsub.s32 v15, v12;
	v15 =	vshll.u32 v15, $0x7  }
0x21f: {  	v13 =	vor.u32 v14, v13;
	v14 =	vshll.u32 v16, $0xA;
	v15 =	vand.u32 $0x380, v15  }
0x220: {  	vm0 =	vlt.u32 v16, $0x28;
	v14 =	vand.u32 $0xFFFFE000, v14;
	v13 =	vor.u32 v15, v13  }
0x221: {  	v13 =	vor.u32 v14, v13;
	_ =	sdelay $0x3  }
0x222: {  	s20 =	sand.u32 $0x70, s17  }
0x223: {  	s2 =	sadd.s32 s20, s8;
	[tilespmem:v13+s30+$0x0] =	vst.idx.msk vm0, v9  }
0x224: {  	v13 =	vld [tilespmem:s2+$0x0];
	_ =	sdelay $0x2  }
0x225: {  	v15 =	vor.u32 s17, v10;
	v14 =	vmov s17  }
0x226: {  	s1 =	rddreg [dreg:$0xd];
	v15 =	vand.u32 $0x7F, v15;
	v14 =	vshll.u32 v14, $0x3  }
0x227: {  	v14 =	vand.u32 $0x1C00, v14;
	s2 =	sadd.s32 s12, s1;
	v12 =	vsub.s32 v13, v12;
	v13 =	vshll.u32 v13, $0x7  }
0x228: {  	v14 =	vor.u32 v14, v15;
	s3 =	smulhi.u32 $0x51EB851F, s2;
	v15 =	vshll.u32 v12, $0xA;
	v13 =	vand.u32 $0x380, v13  }
0x229: {  	vm0 =	vlt.u32 v12, $0x28;
	v12 =	vand.u32 $0xFFFFE000, v15;
	v13 =	vor.u32 v13, v14  }
0x22a: {  	s14 =	sshrl.u32 s3, $0x3;
	v12 =	vor.u32 v12, v13  }
0x22b: {  	s3 =	ssub.s32 s14, s4  }
0x22c: {  	s8 =	simm.s32 $0x0;
	s3 =	sshll.u32 s3, $0xC  }
0x22d: {  	s24 =	sand.u32 $0x380, s8;
	s20 =	sshra.s32 s3, $0x2  }
0x22e: {  	s1 =	sand.u32 $0x60, s8;
	s3 =	sadd.s32 s24, s20  }
0x22f: {  	s24 =	smul.u32 $0xFFFFFFE7, s14;
	s17 =	sadd.s32 s1, s3;
	[tilespmem:v12+s30+$0x0] =	vst.idx.msk vm0, v9  }
0x230: {  	v13 =	vld [tilespmem:s17+$0x0]  }
0x231: {  	s17 =	sadd.s32 s2, s24  }
0x232: {  	s2 =	smul.u32 $0x28, s17  }
0x233: {  	v14 =	vmov s8;
	v15 =	vor.u32 s8, v10  }
0x234: {  	v14 =	vshll.u32 v14, $0x3;
	v15 =	vand.u32 $0x6F, v15;
	v12 =	vmov s2  }
0x235: {  	v14 =	vand.u32 $0x1C00, v14;
	v16 =	vsub.s32 v13, v12;
	v13 =	vshll.u32 v13, $0x7  }
0x236: {  	v14 =	vor.u32 v14, v15;
	v15 =	vshll.u32 v16, $0xA;
	v13 =	vand.u32 $0x380, v13  }
0x237: {  	vm0 =	vlt.u32 v16, $0x28;
	v15 =	vand.u32 $0xFFFFE000, v15;
	v13 =	vor.u32 v13, v14  }
0x238: {  	v13 =	vor.u32 v15, v13;
	_ =	sdelay $0x2  }
0x239: {  	s24 =	simm.s32 $0x10  }
0x23a: {  	s1 =	sand.u32 $0x70, s24  }
0x23b: {  	s3 =	sadd.s32 s1, s3;
	[tilespmem:v13+s30+$0x0] =	vst.idx.msk vm0, v11  }
0x23c: {  	v13 =	vld [tilespmem:s3+$0x0];
	_ =	sdelay $0x1  }
0x23d: {  	v14 =	vmov s24  }
0x23e: {  	v14 =	vshll.u32 v14, $0x3  }
0x23f: {  	v15 =	vor.u32 s24, v10;
	v14 =	vand.u32 $0x1C00, v14  }
0x240: {  	v15 =	vand.u32 $0x7F, v15;
	v16 =	vsub.s32 v13, v12;
	v13 =	vshll.u32 v13, $0x7  }
0x241: {  	v14 =	vor.u32 v14, v15;
	v15 =	vshll.u32 v16, $0xA;
	v13 =	vand.u32 $0x380, v13  }
0x242: {  	s3 =	simm.s32 $0x20;
	vm0 =	vlt.u32 v16, $0x28;
	v15 =	vand.u32 $0xFFFFE000, v15;
	v14 =	vor.u32 v13, v14  }
0x243: {  	s8 =	simm.s32 $0x2;
	s1 =	sand.u32 $0x380, s3;
	v16 =	vmov s3;
	v15 =	vor.u32 v15, v14  }
0x244: {  	s24 =	simm.s32 $0x30;
	s2 =	sadd.s32 s1, s20;
	v13 =	vor.u32 s3, v10;
	s3 =	sand.u32 $0x60, s3;
	v14 =	vshll.u32 v16, $0x3  }
.LBB2_17:
0x245: {  	s8 =	sadd.s32 $0x2, s8;
	s1 =	sadd.s32 s3, s2  }
0x246: {  	p1 =	slt.u32 s8, $0x3E;
	_ =	sdelay $0x1  }
0x247: {  	[tilespmem:v15+s30+$0x0] =	vst.idx.msk vm0, v11  }
0x248: {  	v15 =	vld [tilespmem:s1+$0x0]  }
0x249: {  	v13 =	vand.u32 $0x6F, v13  }
0x24a: {  	v14 =	vand.u32 $0x1C00, v14  }
0x24b: {  	v13 =	vor.u32 v14, v13;
	_ =	sdelay $0x1  }
0x24c: {  	v14 =	vsub.s32 v15, v12;
	v15 =	vshll.u32 v15, $0x7  }
0x24d: {  	v16 =	vshll.u32 v14, $0xA;
	v15 =	vand.u32 $0x380, v15  }
0x24e: {  	vm0 =	vlt.u32 v14, $0x28;
	v14 =	vand.u32 $0xFFFFE000, v16;
	v13 =	vor.u32 v15, v13  }
0x24f: {  	v13 =	vor.u32 v14, v13  }
0x250: {  	s1 =	sand.u32 $0x70, s24  }
0x251: {  	s1 =	sadd.s32 s1, s2;
	_ =	sdelay $0x2  }
0x252: {  	[tilespmem:v13+s30+$0x0] =	vst.idx.msk vm0, v11  }
0x253: {  	v14 =	vmov s24;
	v13 =	vld [tilespmem:s1+$0x0]  }
0x254: {  	v15 =	vor.u32 s24, v10;
	v14 =	vshll.u32 v14, $0x3  }
0x255: {  	v14 =	vand.u32 $0x1C00, v14  }
0x256: {  	v15 =	vand.u32 $0x7F, v15;
	_ =	sdelay $0x1  }
.Ltmp9:
0x257: {  	v14 =	vor.u32 v14, v15;
	v16 =	vsub.s32 v13, v12;
	v13 =	vshll.u32 v13, $0x7;
	(pc) =	sbr.rel @p1 .LBB2_17-.Ltmp9, $4  }
0x258: {  	s24 =	sadd.s32 $0x20, s24;
	vm0 =	vlt.u32 v16, $0x28;
	v15 =	vshll.u32 v16, $0xA;
	v13 =	vand.u32 $0x380, v13  }
0x259: {  	s1 =	sadd.s32 $0xFFFFFFF0, s24;
	v15 =	vand.u32 $0xFFFFE000, v15;
	v14 =	vor.u32 v13, v14  }
0x25a: {  	s2 =	sand.u32 $0x380, s1;
	v16 =	vmov s1;
	v13 =	vor.u32 s1, v10;
	v15 =	vor.u32 v15, v14  }
0x25b: {  	s3 =	sand.u32 $0x60, s1;
	s2 =	sadd.s32 s2, s20;
	v14 =	vshll.u32 v16, $0x3  }
0x25c: {  	_ =	sdelay $0x4  }
0x25d: {  	s1 =	sadd.s32 s3, s2;
	[tilespmem:v15+s30+$0x0] =	vst.idx.msk vm0, v11  }
0x25e: {  	v15 =	vld [tilespmem:s1+$0x0];
	_ =	sdelay $0x3  }
0x25f: {  	v13 =	vand.u32 $0x6F, v13  }
0x260: {  	v14 =	vand.u32 $0x1C00, v14;
	v16 =	vsub.s32 v15, v12;
	v15 =	vshll.u32 v15, $0x7  }
0x261: {  	v13 =	vor.u32 v14, v13;
	v14 =	vshll.u32 v16, $0xA;
	v15 =	vand.u32 $0x380, v15  }
0x262: {  	vm0 =	vlt.u32 v16, $0x28;
	v14 =	vand.u32 $0xFFFFE000, v14;
	v13 =	vor.u32 v15, v13  }
0x263: {  	v13 =	vor.u32 v14, v13;
	_ =	sdelay $0x3  }
0x264: {  	s20 =	sand.u32 $0x70, s24  }
0x265: {  	s1 =	sadd.s32 s20, s2;
	[tilespmem:v13+s30+$0x0] =	vst.idx.msk vm0, v11  }
0x266: {  	v13 =	vld [tilespmem:s1+$0x0];
	_ =	sdelay $0x2  }
0x267: {  	v15 =	vor.u32 s24, v10;
	v14 =	vmov s24  }
0x268: {  	v15 =	vand.u32 $0x7F, v15;
	v14 =	vshll.u32 v14, $0x3  }
0x269: {  	s3 =	smul.u32 $0xA000, s17;
	v14 =	vand.u32 $0x1C00, v14;
	v12 =	vsub.s32 v13, v12;
	v13 =	vshll.u32 v13, $0x7  }
0x26a: {  	s2 =	smul.u32 $0xFA000, s14;
	v14 =	vor.u32 v14, v15;
	v15 =	vshll.u32 v12, $0xA;
	v13 =	vand.u32 $0x380, v13  }
0x26b: {  	s8 =	rddreg [dreg:$0x3];
	vm0 =	vlt.u32 v12, $0x28;
	v12 =	vand.u32 $0xFFFFE000, v15;
	v13 =	vor.u32 v13, v14  }
0x26c: {  	s1 =	sadd.s32 s2, s3;
	s2 =	sadd.s32 s12, s8;
	v12 =	vor.u32 v12, v13  }
0x26d: {  	s14 =	smulhi.u32 $0x51EB851F, s2;
	_ =	sdelay $0x1  }
0x26e: {  	s17 =	sshrl.u32 s14, $0x3  }
0x26f: {  	s1 =	sshrl.u32 s1, $0x3;
	s3 =	ssub.s32 s17, s4  }
0x270: {  	s8 =	simm.s32 $0x0;
	s1 =	sadd.s32 s7, s1;
	s3 =	sshll.u32 s3, $0xC;
	[tilespmem:v12+s30+$0x0] =	vst.idx.msk vm0, v11  }
0x271: {  	[hbm4b:s1+s5] =	stream.linear.scatter [tilespmem:s30], [sflag:$0x1], $0xA000, $0x38;
	[tilespmem:$0x1E800] =	vst v63  }
0x272: {  	s20 =	sand.u32 $0x380, s8;
	s14 =	sshra.s32 s3, $0x2;
	_ =	swait.ge [sflag:s0], $0xA000  }
0x273: {  	s24 =	sand.u32 $0x60, s8;
	s3 =	sadd.s32 s20, s14;
	[sflag:s0] =	ssyncset.done $0x0  }
0x274: {  	s1 =	smul.u32 $0xFFFFFFE7, s17;
	s17 =	sadd.s32 s24, s3;
	[sflag:s0] =	ssyncadd.s32 $0xFFFF6000  }
0x275: {  	v13 =	vld [tilespmem:s17+$0x0]  }
0x276: {  	s1 =	sadd.s32 s2, s1  }
0x277: {  	s1 =	smul.u32 $0x28, s1  }
0x278: {  	v14 =	vmov s8;
	v15 =	vor.u32 s8, v10  }
0x279: {  	v14 =	vshll.u32 v14, $0x3;
	v15 =	vand.u32 $0x6F, v15;
	v12 =	vmov s1  }
0x27a: {  	v14 =	vand.u32 $0x1C00, v14;
	v16 =	vsub.s32 v13, v12;
	v13 =	vshll.u32 v13, $0x7  }
0x27b: {  	v14 =	vor.u32 v14, v15;
	v15 =	vshll.u32 v16, $0xA;
	v13 =	vand.u32 $0x380, v13  }
0x27c: {  	vm0 =	vlt.u32 v16, $0x28;
	v15 =	vand.u32 $0xFFFFE000, v15;
	v13 =	vor.u32 v13, v14  }
0x27d: {  	v13 =	vor.u32 v15, v13;
	_ =	sdelay $0x2  }
0x27e: {  	s8 =	simm.s32 $0x10  }
0x27f: {  	s17 =	sand.u32 $0x70, s8  }
0x280: {  	s2 =	sadd.s32 s17, s3;
	[tilespmem:v13+s31+$0x0] =	vst.idx.msk vm0, v9  }
0x281: {  	v13 =	vld [tilespmem:s2+$0x0];
	_ =	sdelay $0x1  }
0x282: {  	v14 =	vmov s8  }
0x283: {  	v14 =	vshll.u32 v14, $0x3  }
0x284: {  	v15 =	vor.u32 s8, v10;
	v14 =	vand.u32 $0x1C00, v14  }
0x285: {  	v15 =	vand.u32 $0x7F, v15;
	v16 =	vsub.s32 v13, v12;
	v13 =	vshll.u32 v13, $0x7  }
0x286: {  	v14 =	vor.u32 v14, v15;
	v15 =	vshll.u32 v16, $0xA;
	v13 =	vand.u32 $0x380, v13  }
0x287: {  	s20 =	simm.s32 $0x20;
	vm0 =	vlt.u32 v16, $0x28;
	v15 =	vand.u32 $0xFFFFE000, v15;
	v14 =	vor.u32 v13, v14  }
0x288: {  	s24 =	sand.u32 $0x380, s20;
	s17 =	simm.s32 $0x30;
	v16 =	vmov s20;
	v15 =	vor.u32 v15, v14  }
0x289: {  	s3 =	sand.u32 $0x60, s20;
	s8 =	simm.s32 $0x2;
	s2 =	sadd.s32 s24, s14;
	v13 =	vor.u32 s20, v10;
	v14 =	vshll.u32 v16, $0x3  }
.LBB2_19:
0x28a: {  	s8 =	sadd.s32 $0x2, s8;
	s1 =	sadd.s32 s3, s2  }
0x28b: {  	p1 =	slt.u32 s8, $0x3E;
	_ =	sdelay $0x1  }
0x28c: {  	[tilespmem:v15+s31+$0x0] =	vst.idx.msk vm0, v9  }
0x28d: {  	v15 =	vld [tilespmem:s1+$0x0]  }
0x28e: {  	v13 =	vand.u32 $0x6F, v13  }
0x28f: {  	v14 =	vand.u32 $0x1C00, v14  }
0x290: {  	v13 =	vor.u32 v14, v13;
	_ =	sdelay $0x1  }
0x291: {  	v14 =	vsub.s32 v15, v12;
	v15 =	vshll.u32 v15, $0x7  }
0x292: {  	v16 =	vshll.u32 v14, $0xA;
	v15 =	vand.u32 $0x380, v15  }
0x293: {  	vm0 =	vlt.u32 v14, $0x28;
	v14 =	vand.u32 $0xFFFFE000, v16;
	v13 =	vor.u32 v15, v13  }
0x294: {  	v13 =	vor.u32 v14, v13  }
0x295: {  	s1 =	sand.u32 $0x70, s17  }
0x296: {  	s1 =	sadd.s32 s1, s2;
	_ =	sdelay $0x2  }
0x297: {  	[tilespmem:v13+s31+$0x0] =	vst.idx.msk vm0, v9  }
0x298: {  	v14 =	vmov s17;
	v13 =	vld [tilespmem:s1+$0x0]  }
0x299: {  	v15 =	vor.u32 s17, v10;
	v14 =	vshll.u32 v14, $0x3  }
0x29a: {  	v14 =	vand.u32 $0x1C00, v14  }
0x29b: {  	v15 =	vand.u32 $0x7F, v15;
	_ =	sdelay $0x1  }
.Ltmp10:
0x29c: {  	v14 =	vor.u32 v14, v15;
	v16 =	vsub.s32 v13, v12;
	v13 =	vshll.u32 v13, $0x7;
	(pc) =	sbr.rel @p1 .LBB2_19-.Ltmp10, $4  }
0x29d: {  	s17 =	sadd.s32 $0x20, s17;
	vm0 =	vlt.u32 v16, $0x28;
	v15 =	vshll.u32 v16, $0xA;
	v13 =	vand.u32 $0x380, v13  }
0x29e: {  	s1 =	sadd.s32 $0xFFFFFFF0, s17;
	v15 =	vand.u32 $0xFFFFE000, v15;
	v14 =	vor.u32 v13, v14  }
0x29f: {  	s2 =	sand.u32 $0x380, s1;
	v16 =	vmov s1;
	v13 =	vor.u32 s1, v10;
	v15 =	vor.u32 v15, v14  }
0x2a0: {  	s3 =	sand.u32 $0x60, s1;
	s2 =	sadd.s32 s2, s14;
	v14 =	vshll.u32 v16, $0x3  }
0x2a1: {  	_ =	sdelay $0x4  }
0x2a2: {  	s1 =	sadd.s32 s3, s2;
	[tilespmem:v15+s31+$0x0] =	vst.idx.msk vm0, v9  }
0x2a3: {  	v15 =	vld [tilespmem:s1+$0x0];
	_ =	sdelay $0x3  }
0x2a4: {  	v13 =	vand.u32 $0x6F, v13  }
0x2a5: {  	v14 =	vand.u32 $0x1C00, v14;
	v16 =	vsub.s32 v15, v12;
	v15 =	vshll.u32 v15, $0x7  }
0x2a6: {  	v13 =	vor.u32 v14, v13;
	v14 =	vshll.u32 v16, $0xA;
	v15 =	vand.u32 $0x380, v15  }
0x2a7: {  	vm0 =	vlt.u32 v16, $0x28;
	v14 =	vand.u32 $0xFFFFE000, v14;
	v13 =	vor.u32 v15, v13  }
0x2a8: {  	v13 =	vor.u32 v14, v13;
	_ =	sdelay $0x3  }
0x2a9: {  	s8 =	sand.u32 $0x70, s17  }
0x2aa: {  	s1 =	sadd.s32 s8, s2;
	[tilespmem:v13+s31+$0x0] =	vst.idx.msk vm0, v9  }
0x2ab: {  	v13 =	vld [tilespmem:s1+$0x0];
	_ =	sdelay $0x2  }
0x2ac: {  	v15 =	vor.u32 s17, v10;
	v14 =	vmov s17  }
0x2ad: {  	v15 =	vand.u32 $0x7F, v15;
	v14 =	vshll.u32 v14, $0x3  }
0x2ae: {  	v14 =	vand.u32 $0x1C00, v14;
	s1 =	sadd.s32 s12, s26;
	v12 =	vsub.s32 v13, v12;
	v13 =	vshll.u32 v13, $0x7  }
0x2af: {  	v14 =	vor.u32 v14, v15;
	s14 =	smulhi.u32 $0x51EB851F, s1;
	v15 =	vshll.u32 v12, $0xA;
	v13 =	vand.u32 $0x380, v13  }
0x2b0: {  	vm0 =	vlt.u32 v12, $0x28;
	v12 =	vand.u32 $0xFFFFE000, v15;
	v13 =	vor.u32 v13, v14  }
0x2b1: {  	s14 =	sshrl.u32 s14, $0x3;
	v12 =	vor.u32 v12, v13  }
0x2b2: {  	s2 =	ssub.s32 s14, s4  }
0x2b3: {  	s3 =	simm.s32 $0x0;
	s2 =	sshll.u32 s2, $0xC  }
0x2b4: {  	s17 =	sand.u32 $0x380, s3;
	s20 =	sshra.s32 s2, $0x2  }
0x2b5: {  	s8 =	sand.u32 $0x60, s3;
	s2 =	sadd.s32 s17, s20  }
0x2b6: {  	s24 =	smul.u32 $0xFFFFFFE7, s14;
	s8 =	sadd.s32 s8, s2;
	[tilespmem:v12+s31+$0x0] =	vst.idx.msk vm0, v9  }
0x2b7: {  	v13 =	vld [tilespmem:s8+$0x0]  }
0x2b8: {  	s17 =	sadd.s32 s1, s24  }
0x2b9: {  	s1 =	smul.u32 $0x28, s17  }
0x2ba: {  	v14 =	vmov s3;
	v15 =	vor.u32 s3, v10  }
0x2bb: {  	v14 =	vshll.u32 v14, $0x3;
	v15 =	vand.u32 $0x6F, v15;
	v12 =	vmov s1  }
0x2bc: {  	v14 =	vand.u32 $0x1C00, v14;
	v16 =	vsub.s32 v13, v12;
	v13 =	vshll.u32 v13, $0x7  }
0x2bd: {  	v14 =	vor.u32 v14, v15;
	v15 =	vshll.u32 v16, $0xA;
	v13 =	vand.u32 $0x380, v13  }
0x2be: {  	vm0 =	vlt.u32 v16, $0x28;
	v15 =	vand.u32 $0xFFFFE000, v15;
	v13 =	vor.u32 v13, v14  }
0x2bf: {  	v13 =	vor.u32 v15, v13;
	_ =	sdelay $0x2  }
0x2c0: {  	s8 =	simm.s32 $0x10  }
0x2c1: {  	s24 =	sand.u32 $0x70, s8  }
0x2c2: {  	s2 =	sadd.s32 s24, s2;
	[tilespmem:v13+s31+$0x0] =	vst.idx.msk vm0, v11  }
0x2c3: {  	v13 =	vld [tilespmem:s2+$0x0];
	_ =	sdelay $0x1  }
0x2c4: {  	v14 =	vmov s8  }
0x2c5: {  	v14 =	vshll.u32 v14, $0x3  }
0x2c6: {  	v15 =	vor.u32 s8, v10;
	v14 =	vand.u32 $0x1C00, v14  }
0x2c7: {  	v15 =	vand.u32 $0x7F, v15;
	v16 =	vsub.s32 v13, v12;
	v13 =	vshll.u32 v13, $0x7  }
0x2c8: {  	v14 =	vor.u32 v14, v15;
	v15 =	vshll.u32 v16, $0xA;
	v13 =	vand.u32 $0x380, v13  }
0x2c9: {  	s3 =	simm.s32 $0x20;
	vm0 =	vlt.u32 v16, $0x28;
	v15 =	vand.u32 $0xFFFFE000, v15;
	v14 =	vor.u32 v13, v14  }
0x2ca: {  	s24 =	simm.s32 $0x30;
	s2 =	sand.u32 $0x380, s3;
	v16 =	vmov s3;
	v15 =	vor.u32 v15, v14  }
0x2cb: {  	s8 =	simm.s32 $0x2;
	s2 =	sadd.s32 s2, s20;
	v13 =	vor.u32 s3, v10;
	s3 =	sand.u32 $0x60, s3;
	v14 =	vshll.u32 v16, $0x3  }
.LBB2_21:
0x2cc: {  	s8 =	sadd.s32 $0x2, s8;
	s1 =	sadd.s32 s3, s2  }
0x2cd: {  	p1 =	slt.u32 s8, $0x3E;
	_ =	sdelay $0x1  }
0x2ce: {  	[tilespmem:v15+s31+$0x0] =	vst.idx.msk vm0, v11  }
0x2cf: {  	v15 =	vld [tilespmem:s1+$0x0]  }
0x2d0: {  	v13 =	vand.u32 $0x6F, v13  }
0x2d1: {  	v14 =	vand.u32 $0x1C00, v14  }
0x2d2: {  	v13 =	vor.u32 v14, v13;
	_ =	sdelay $0x1  }
0x2d3: {  	v14 =	vsub.s32 v15, v12;
	v15 =	vshll.u32 v15, $0x7  }
0x2d4: {  	v16 =	vshll.u32 v14, $0xA;
	v15 =	vand.u32 $0x380, v15  }
0x2d5: {  	vm0 =	vlt.u32 v14, $0x28;
	v14 =	vand.u32 $0xFFFFE000, v16;
	v13 =	vor.u32 v15, v13  }
0x2d6: {  	v13 =	vor.u32 v14, v13  }
0x2d7: {  	s1 =	sand.u32 $0x70, s24  }
0x2d8: {  	s1 =	sadd.s32 s1, s2;
	_ =	sdelay $0x2  }
0x2d9: {  	[tilespmem:v13+s31+$0x0] =	vst.idx.msk vm0, v11  }
0x2da: {  	v14 =	vmov s24;
	v13 =	vld [tilespmem:s1+$0x0]  }
0x2db: {  	v15 =	vor.u32 s24, v10;
	v14 =	vshll.u32 v14, $0x3  }
0x2dc: {  	v14 =	vand.u32 $0x1C00, v14  }
0x2dd: {  	v15 =	vand.u32 $0x7F, v15;
	_ =	sdelay $0x1  }
.Ltmp11:
0x2de: {  	v14 =	vor.u32 v14, v15;
	v16 =	vsub.s32 v13, v12;
	v13 =	vshll.u32 v13, $0x7;
	(pc) =	sbr.rel @p1 .LBB2_21-.Ltmp11, $4  }
0x2df: {  	s24 =	sadd.s32 $0x20, s24;
	vm0 =	vlt.u32 v16, $0x28;
	v15 =	vshll.u32 v16, $0xA;
	v13 =	vand.u32 $0x380, v13  }
0x2e0: {  	s1 =	sadd.s32 $0xFFFFFFF0, s24;
	v15 =	vand.u32 $0xFFFFE000, v15;
	v14 =	vor.u32 v13, v14  }
0x2e1: {  	s2 =	sand.u32 $0x380, s1;
	v16 =	vmov s1;
	v13 =	vor.u32 s1, v10;
	v15 =	vor.u32 v15, v14  }
0x2e2: {  	s3 =	sand.u32 $0x60, s1;
	s2 =	sadd.s32 s2, s20;
	v14 =	vshll.u32 v16, $0x3  }
0x2e3: {  	_ =	sdelay $0x4  }
0x2e4: {  	s1 =	sadd.s32 s3, s2;
	[tilespmem:v15+s31+$0x0] =	vst.idx.msk vm0, v11  }
0x2e5: {  	v15 =	vld [tilespmem:s1+$0x0];
	_ =	sdelay $0x3  }
0x2e6: {  	v13 =	vand.u32 $0x6F, v13  }
0x2e7: {  	v14 =	vand.u32 $0x1C00, v14;
	v16 =	vsub.s32 v15, v12;
	v15 =	vshll.u32 v15, $0x7  }
0x2e8: {  	v13 =	vor.u32 v14, v13;
	v14 =	vshll.u32 v16, $0xA;
	v15 =	vand.u32 $0x380, v15  }
0x2e9: {  	vm0 =	vlt.u32 v16, $0x28;
	v14 =	vand.u32 $0xFFFFE000, v14;
	v13 =	vor.u32 v15, v13  }
0x2ea: {  	v13 =	vor.u32 v14, v13;
	_ =	sdelay $0x3  }
0x2eb: {  	s20 =	sand.u32 $0x70, s24  }
0x2ec: {  	s1 =	sadd.s32 s20, s2;
	[tilespmem:v13+s31+$0x0] =	vst.idx.msk vm0, v11  }
0x2ed: {  	v13 =	vld [tilespmem:s1+$0x0];
	_ =	sdelay $0x2  }
0x2ee: {  	v15 =	vor.u32 s24, v10;
	v14 =	vmov s24  }
0x2ef: {  	v15 =	vand.u32 $0x7F, v15;
	v14 =	vshll.u32 v14, $0x3  }
0x2f0: {  	s3 =	smul.u32 $0xA000, s17;
	v14 =	vand.u32 $0x1C00, v14;
	v12 =	vsub.s32 v13, v12;
	v13 =	vshll.u32 v13, $0x7  }
0x2f1: {  	s2 =	smul.u32 $0xFA000, s14;
	v14 =	vor.u32 v14, v15;
	v15 =	vshll.u32 v12, $0xA;
	v13 =	vand.u32 $0x380, v13  }
0x2f2: {  	s8 =	rddreg [dreg:$0x4];
	vm0 =	vlt.u32 v12, $0x28;
	v12 =	vand.u32 $0xFFFFE000, v15;
	v13 =	vor.u32 v13, v14  }
0x2f3: {  	s1 =	sadd.s32 s2, s3;
	s2 =	sadd.s32 s12, s8;
	v12 =	vor.u32 v12, v13  }
0x2f4: {  	s14 =	smulhi.u32 $0x51EB851F, s2;
	_ =	sdelay $0x1  }
0x2f5: {  	s17 =	sshrl.u32 s14, $0x3  }
0x2f6: {  	s1 =	sshrl.u32 s1, $0x3;
	s3 =	ssub.s32 s17, s4  }
0x2f7: {  	s8 =	simm.s32 $0x0;
	s1 =	sadd.s32 s7, s1;
	s3 =	sshll.u32 s3, $0xC;
	[tilespmem:v12+s31+$0x0] =	vst.idx.msk vm0, v11  }
0x2f8: {  	[hbm4b:s1+s5] =	stream.linear.scatter [tilespmem:s31], [sflag:$0x2], $0xA000, $0x38;
	[tilespmem:$0x1E800] =	vst v63  }
0x2f9: {  	s20 =	sand.u32 $0x380, s8;
	s14 =	sshra.s32 s3, $0x2;
	_ =	swait.ge [sflag:s23], $0xA000  }
0x2fa: {  	s24 =	sand.u32 $0x60, s8;
	s3 =	sadd.s32 s20, s14;
	[sflag:s23] =	ssyncset.done $0x0  }
0x2fb: {  	s1 =	smul.u32 $0xFFFFFFE7, s17;
	s17 =	sadd.s32 s24, s3;
	[sflag:s23] =	ssyncadd.s32 $0xFFFF6000  }
0x2fc: {  	v13 =	vld [tilespmem:s17+$0x0]  }
0x2fd: {  	s1 =	sadd.s32 s2, s1  }
0x2fe: {  	s1 =	smul.u32 $0x28, s1  }
0x2ff: {  	v14 =	vmov s8;
	v15 =	vor.u32 s8, v10  }
0x300: {  	v14 =	vshll.u32 v14, $0x3;
	v15 =	vand.u32 $0x6F, v15;
	v12 =	vmov s1  }
0x301: {  	v14 =	vand.u32 $0x1C00, v14;
	v16 =	vsub.s32 v13, v12;
	v13 =	vshll.u32 v13, $0x7  }
0x302: {  	v14 =	vor.u32 v14, v15;
	v15 =	vshll.u32 v16, $0xA;
	v13 =	vand.u32 $0x380, v13  }
0x303: {  	vm0 =	vlt.u32 v16, $0x28;
	v15 =	vand.u32 $0xFFFFE000, v15;
	v13 =	vor.u32 v13, v14  }
0x304: {  	v13 =	vor.u32 v15, v13;
	_ =	sdelay $0x2  }
0x305: {  	s8 =	simm.s32 $0x10  }
0x306: {  	s17 =	sand.u32 $0x70, s8  }
0x307: {  	s2 =	sadd.s32 s17, s3;
	[tilespmem:v13+s6+$0x0] =	vst.idx.msk vm0, v9  }
0x308: {  	v13 =	vld [tilespmem:s2+$0x0];
	_ =	sdelay $0x1  }
0x309: {  	v14 =	vmov s8  }
0x30a: {  	v14 =	vshll.u32 v14, $0x3  }
0x30b: {  	v15 =	vor.u32 s8, v10;
	v14 =	vand.u32 $0x1C00, v14  }
0x30c: {  	v15 =	vand.u32 $0x7F, v15;
	v16 =	vsub.s32 v13, v12;
	v13 =	vshll.u32 v13, $0x7  }
0x30d: {  	v14 =	vor.u32 v14, v15;
	v15 =	vshll.u32 v16, $0xA;
	v13 =	vand.u32 $0x380, v13  }
0x30e: {  	s20 =	simm.s32 $0x20;
	vm0 =	vlt.u32 v16, $0x28;
	v15 =	vand.u32 $0xFFFFE000, v15;
	v14 =	vor.u32 v13, v14  }
0x30f: {  	s24 =	sand.u32 $0x380, s20;
	s17 =	simm.s32 $0x30;
	v16 =	vmov s20;
	v15 =	vor.u32 v15, v14  }
0x310: {  	s3 =	sand.u32 $0x60, s20;
	s8 =	simm.s32 $0x2;
	s2 =	sadd.s32 s24, s14;
	v13 =	vor.u32 s20, v10;
	v14 =	vshll.u32 v16, $0x3  }
.LBB2_23:
0x311: {  	s8 =	sadd.s32 $0x2, s8;
	s1 =	sadd.s32 s3, s2  }
0x312: {  	p1 =	slt.u32 s8, $0x3E;
	_ =	sdelay $0x1  }
0x313: {  	[tilespmem:v15+s6+$0x0] =	vst.idx.msk vm0, v9  }
0x314: {  	v15 =	vld [tilespmem:s1+$0x0]  }
0x315: {  	v13 =	vand.u32 $0x6F, v13  }
0x316: {  	v14 =	vand.u32 $0x1C00, v14  }
0x317: {  	v13 =	vor.u32 v14, v13;
	_ =	sdelay $0x1  }
0x318: {  	v14 =	vsub.s32 v15, v12;
	v15 =	vshll.u32 v15, $0x7  }
0x319: {  	v16 =	vshll.u32 v14, $0xA;
	v15 =	vand.u32 $0x380, v15  }
0x31a: {  	vm0 =	vlt.u32 v14, $0x28;
	v14 =	vand.u32 $0xFFFFE000, v16;
	v13 =	vor.u32 v15, v13  }
0x31b: {  	v13 =	vor.u32 v14, v13  }
0x31c: {  	s1 =	sand.u32 $0x70, s17  }
0x31d: {  	s1 =	sadd.s32 s1, s2;
	_ =	sdelay $0x2  }
0x31e: {  	[tilespmem:v13+s6+$0x0] =	vst.idx.msk vm0, v9  }
0x31f: {  	v14 =	vmov s17;
	v13 =	vld [tilespmem:s1+$0x0]  }
0x320: {  	v15 =	vor.u32 s17, v10;
	v14 =	vshll.u32 v14, $0x3  }
0x321: {  	v14 =	vand.u32 $0x1C00, v14  }
0x322: {  	v15 =	vand.u32 $0x7F, v15;
	_ =	sdelay $0x1  }
.Ltmp12:
0x323: {  	v14 =	vor.u32 v14, v15;
	v16 =	vsub.s32 v13, v12;
	v13 =	vshll.u32 v13, $0x7;
	(pc) =	sbr.rel @p1 .LBB2_23-.Ltmp12, $4  }
0x324: {  	s17 =	sadd.s32 $0x20, s17;
	vm0 =	vlt.u32 v16, $0x28;
	v15 =	vshll.u32 v16, $0xA;
	v13 =	vand.u32 $0x380, v13  }
0x325: {  	s1 =	sadd.s32 $0xFFFFFFF0, s17;
	v15 =	vand.u32 $0xFFFFE000, v15;
	v14 =	vor.u32 v13, v14  }
0x326: {  	s2 =	sand.u32 $0x380, s1;
	v16 =	vmov s1;
	v13 =	vor.u32 s1, v10;
	v15 =	vor.u32 v15, v14  }
0x327: {  	s3 =	sand.u32 $0x60, s1;
	s2 =	sadd.s32 s2, s14;
	v14 =	vshll.u32 v16, $0x3  }
0x328: {  	_ =	sdelay $0x4  }
0x329: {  	s1 =	sadd.s32 s3, s2;
	[tilespmem:v15+s6+$0x0] =	vst.idx.msk vm0, v9  }
0x32a: {  	v15 =	vld [tilespmem:s1+$0x0];
	_ =	sdelay $0x3  }
0x32b: {  	v13 =	vand.u32 $0x6F, v13  }
0x32c: {  	v14 =	vand.u32 $0x1C00, v14;
	v16 =	vsub.s32 v15, v12;
	v15 =	vshll.u32 v15, $0x7  }
0x32d: {  	v13 =	vor.u32 v14, v13;
	v14 =	vshll.u32 v16, $0xA;
	v15 =	vand.u32 $0x380, v15  }
0x32e: {  	vm0 =	vlt.u32 v16, $0x28;
	v14 =	vand.u32 $0xFFFFE000, v14;
	v13 =	vor.u32 v15, v13  }
0x32f: {  	v13 =	vor.u32 v14, v13;
	_ =	sdelay $0x3  }
0x330: {  	s24 =	sand.u32 $0x70, s17  }
0x331: {  	s1 =	sadd.s32 s24, s2;
	[tilespmem:v13+s6+$0x0] =	vst.idx.msk vm0, v9  }
0x332: {  	v13 =	vld [tilespmem:s1+$0x0];
	_ =	sdelay $0x2  }
0x333: {  	v15 =	vor.u32 s17, v10;
	v14 =	vmov s17  }
0x334: {  	v15 =	vand.u32 $0x7F, v15;
	v14 =	vshll.u32 v14, $0x3  }
0x335: {  	s3 =	sadd.s32 s12, s28;
	v14 =	vand.u32 $0x1C00, v14;
	v12 =	vsub.s32 v13, v12;
	v13 =	vshll.u32 v13, $0x7  }
0x336: {  	s20 =	smulhi.u32 $0x51EB851F, s3;
	v14 =	vor.u32 v14, v15;
	v15 =	vshll.u32 v12, $0xA;
	v13 =	vand.u32 $0x380, v13  }
0x337: {  	vm0 =	vlt.u32 v12, $0x28;
	v12 =	vand.u32 $0xFFFFE000, v15;
	v13 =	vor.u32 v13, v14  }
0x338: {  	s12 =	sshrl.u32 s20, $0x3;
	v12 =	vor.u32 v12, v13  }
0x339: {  	s2 =	ssub.s32 s12, s4  }
0x33a: {  	s24 =	simm.s32 $0x0;
	s2 =	sshll.u32 s2, $0xC  }
0x33b: {  	s14 =	sand.u32 $0x380, s24;
	s17 =	sshra.s32 s2, $0x2  }
0x33c: {  	s8 =	sand.u32 $0x60, s24;
	s2 =	sadd.s32 s14, s17  }
0x33d: {  	s14 =	smul.u32 $0xFFFFFFE7, s12;
	s8 =	sadd.s32 s8, s2;
	[tilespmem:v12+s6+$0x0] =	vst.idx.msk vm0, v9  }
0x33e: {  	v13 =	vld [tilespmem:s8+$0x0]  }
0x33f: {  	s14 =	sadd.s32 s3, s14  }
0x340: {  	s1 =	smul.u32 $0x28, s14  }
0x341: {  	v14 =	vmov s24;
	v15 =	vor.u32 s24, v10  }
0x342: {  	v14 =	vshll.u32 v14, $0x3;
	v15 =	vand.u32 $0x6F, v15;
	v12 =	vmov s1  }
0x343: {  	v14 =	vand.u32 $0x1C00, v14;
	v16 =	vsub.s32 v13, v12;
	v13 =	vshll.u32 v13, $0x7  }
0x344: {  	v14 =	vor.u32 v14, v15;
	v15 =	vshll.u32 v16, $0xA;
	v13 =	vand.u32 $0x380, v13  }
0x345: {  	vm0 =	vlt.u32 v16, $0x28;
	v15 =	vand.u32 $0xFFFFE000, v15;
	v13 =	vor.u32 v13, v14  }
0x346: {  	v13 =	vor.u32 v15, v13;
	_ =	sdelay $0x2  }
0x347: {  	s20 =	simm.s32 $0x10  }
0x348: {  	s24 =	sand.u32 $0x70, s20  }
0x349: {  	s2 =	sadd.s32 s24, s2;
	[tilespmem:v13+s6+$0x0] =	vst.idx.msk vm0, v11  }
0x34a: {  	v13 =	vld [tilespmem:s2+$0x0];
	_ =	sdelay $0x1  }
0x34b: {  	v14 =	vmov s20  }
0x34c: {  	v14 =	vshll.u32 v14, $0x3  }
0x34d: {  	v15 =	vor.u32 s20, v10;
	v14 =	vand.u32 $0x1C00, v14  }
0x34e: {  	v15 =	vand.u32 $0x7F, v15;
	v16 =	vsub.s32 v13, v12;
	v13 =	vshll.u32 v13, $0x7  }
0x34f: {  	v14 =	vor.u32 v14, v15;
	v15 =	vshll.u32 v16, $0xA;
	v13 =	vand.u32 $0x380, v13  }
0x350: {  	s3 =	simm.s32 $0x20;
	vm0 =	vlt.u32 v16, $0x28;
	v15 =	vand.u32 $0xFFFFE000, v15;
	v14 =	vor.u32 v13, v14  }
0x351: {  	s24 =	sand.u32 $0x380, s3;
	s8 =	simm.s32 $0x2;
	v16 =	vmov s3;
	v15 =	vor.u32 v15, v14  }
0x352: {  	s20 =	simm.s32 $0x30;
	s2 =	sadd.s32 s24, s17;
	v13 =	vor.u32 s3, v10;
	s3 =	sand.u32 $0x60, s3;
	v14 =	vshll.u32 v16, $0x3  }
.LBB2_25:
0x353: {  	s8 =	sadd.s32 $0x2, s8;
	s1 =	sadd.s32 s3, s2  }
0x354: {  	p1 =	slt.u32 s8, $0x3E;
	_ =	sdelay $0x1  }
0x355: {  	[tilespmem:v15+s6+$0x0] =	vst.idx.msk vm0, v11  }
0x356: {  	v15 =	vld [tilespmem:s1+$0x0]  }
0x357: {  	v13 =	vand.u32 $0x6F, v13  }
0x358: {  	v14 =	vand.u32 $0x1C00, v14  }
0x359: {  	v13 =	vor.u32 v14, v13;
	_ =	sdelay $0x1  }
0x35a: {  	v14 =	vsub.s32 v15, v12;
	v15 =	vshll.u32 v15, $0x7  }
0x35b: {  	v16 =	vshll.u32 v14, $0xA;
	v15 =	vand.u32 $0x380, v15  }
0x35c: {  	vm0 =	vlt.u32 v14, $0x28;
	v14 =	vand.u32 $0xFFFFE000, v16;
	v13 =	vor.u32 v15, v13  }
0x35d: {  	v13 =	vor.u32 v14, v13  }
0x35e: {  	s1 =	sand.u32 $0x70, s20  }
0x35f: {  	s1 =	sadd.s32 s1, s2;
	_ =	sdelay $0x2  }
0x360: {  	[tilespmem:v13+s6+$0x0] =	vst.idx.msk vm0, v11  }
0x361: {  	v14 =	vmov s20;
	v13 =	vld [tilespmem:s1+$0x0]  }
0x362: {  	v15 =	vor.u32 s20, v10;
	v14 =	vshll.u32 v14, $0x3  }
0x363: {  	v14 =	vand.u32 $0x1C00, v14  }
0x364: {  	v15 =	vand.u32 $0x7F, v15;
	_ =	sdelay $0x1  }
.Ltmp13:
0x365: {  	v14 =	vor.u32 v14, v15;
	v16 =	vsub.s32 v13, v12;
	v13 =	vshll.u32 v13, $0x7;
	(pc) =	sbr.rel @p1 .LBB2_25-.Ltmp13, $4  }
0x366: {  	s20 =	sadd.s32 $0x20, s20;
	vm0 =	vlt.u32 v16, $0x28;
	v15 =	vshll.u32 v16, $0xA;
	v13 =	vand.u32 $0x380, v13  }
0x367: {  	s1 =	sadd.s32 $0xFFFFFFF0, s20;
	v15 =	vand.u32 $0xFFFFE000, v15;
	v14 =	vor.u32 v13, v14  }
0x368: {  	s2 =	sand.u32 $0x380, s1;
	v16 =	vmov s1;
	v13 =	vor.u32 s1, v10;
	v15 =	vor.u32 v15, v14  }
0x369: {  	s3 =	sand.u32 $0x60, s1;
	s2 =	sadd.s32 s2, s17;
	v14 =	vshll.u32 v16, $0x3  }
0x36a: {  	_ =	sdelay $0x4  }
0x36b: {  	s1 =	sadd.s32 s3, s2;
	[tilespmem:v15+s6+$0x0] =	vst.idx.msk vm0, v11  }
0x36c: {  	v15 =	vld [tilespmem:s1+$0x0];
	_ =	sdelay $0x3  }
0x36d: {  	v13 =	vand.u32 $0x6F, v13  }
0x36e: {  	v14 =	vand.u32 $0x1C00, v14;
	v16 =	vsub.s32 v15, v12;
	v15 =	vshll.u32 v15, $0x7  }
0x36f: {  	v13 =	vor.u32 v14, v13;
	v58 =	vshll.u32 v16, $0xA;
	v15 =	vand.u32 $0x380, v15  }
0x370: {  	vm14 =	vlt.u32 v16, $0x28;
	v14 =	vand.u32 $0xFFFFE000, v58;
	v13 =	vor.u32 v15, v13  }
0x371: {  	v13 =	vor.u32 v14, v13;
	_ =	sdelay $0x3  }
0x372: {  	s17 =	sand.u32 $0x70, s20  }
0x373: {  	s1 =	sadd.s32 s17, s2;
	[tilespmem:v13+s6+$0x0] =	vst.idx.msk vm14, v11  }
0x374: {  	v13 =	vld [tilespmem:s1+$0x0];
	_ =	sdelay $0x2  }
0x375: {  	v59 =	vmov s20;
	v60 =	vor.u32 s20, v10  }
0x376: {  	v15 =	vand.u32 $0x7F, v60;
	v14 =	vshll.u32 v59, $0x3  }
0x377: {  	v14 =	vand.u32 $0x1C00, v14;
	v61 =	vsub.s32 v13, v12;
	v13 =	vshll.u32 v13, $0x7  }
0x378: {  	v14 =	vor.u32 v14, v15;
	v62 =	vshll.u32 v61, $0xA;
	v13 =	vand.u32 $0x380, v13  }
0x379: {  	vm15 =	vlt.u32 v61, $0x28;
	v63 =	vand.u32 $0xFFFFE000, v62;
	v13 =	vor.u32 v13, v14  }
0x37a: {  	s20 =	smul.u32 $0xFA000, s12;
	s10 =	sadd.s32 $0x1, s10;
	v12 =	vor.u32 v63, v13  }
0x37b: {  	s24 =	smul.u32 $0xA000, s14;
	p1 =	sne.s32 s10, $0x5  }
.Ltmp14:
0x37c: {  	_ = 	snop;
	(pc) =	sbr.rel @p1 .LBB2_14-.Ltmp14, $4  }
0x37d: {  	s1 =	sadd.s32 s20, s24  }
0x37e: {  	s1 =	sshrl.u32 s1, $0x3  }
0x37f: {  	s1 =	sadd.s32 s7, s1;
	[tilespmem:v12+s6+$0x0] =	vst.idx.msk vm15, v11  }
0x380: {  	[hbm4b:s1+s5] =	stream.linear.scatter [tilespmem:s6], [sflag:$0x3], $0xA000, $0x38;
	[tilespmem:$0x1E800] =	vst v63  }
0x381: {  	s1 =	simm.s32 $0x0  }
0x382: {  	_ =	swait.ge [sflag:s29], $0xA000;
	s10 =	sand.u32 $0x380, s1  }
0x383: {  	[sflag:s29] =	ssyncset.done $0x0;
	s12 =	sand.u32 $0x60, s1;
	s2 =	sadd.s32 s10, s15  }
0x384: {  	[sflag:s29] =	ssyncadd.s32 $0xFFFF6000;
	s3 =	sadd.s32 s12, s2  }
0x385: {  	v12 =	vld [tilespmem:s3+$0x0];
	_ =	sdelay $0x2  }
0x386: {  	v13 =	vmov s1;
	v14 =	vor.u32 s1, v10  }
0x387: {  	v13 =	vshll.u32 v13, $0x3;
	v14 =	vand.u32 $0x6F, v14  }
0x388: {  	v13 =	vand.u32 $0x1C00, v13;
	v15 =	vsub.s32 v12, v3;
	v16 =	vshll.u32 v12, $0x7  }
0x389: {  	v12 =	vor.u32 v13, v14;
	v13 =	vshll.u32 v15, $0xA;
	v14 =	vand.u32 $0x380, v16  }
0x38a: {  	vm0 =	vlt.u32 v15, $0x28;
	v13 =	vand.u32 $0xFFFFE000, v13;
	v14 =	vor.u32 v14, v12  }
0x38b: {  	v13 =	vor.u32 v13, v14;
	_ =	sdelay $0x2  }
0x38c: {  	s17 =	simm.s32 $0x10  }
0x38d: {  	s14 =	sand.u32 $0x70, s17  }
0x38e: {  	s2 =	sadd.s32 s14, s2;
	[tilespmem:v13+s30+$0x0] =	vst.idx.msk vm0, v9  }
0x38f: {  	v13 =	vld [tilespmem:s2+$0x0];
	_ =	sdelay $0x2  }
0x390: {  	v15 =	vor.u32 s17, v10;
	v14 =	vmov s17  }
0x391: {  	v15 =	vand.u32 $0x7F, v15;
	v14 =	vshll.u32 v14, $0x3  }
0x392: {  	v14 =	vand.u32 $0x1C00, v14;
	v16 =	vsub.s32 v13, v3;
	v17 =	vshll.u32 v13, $0x7  }
0x393: {  	v13 =	vor.u32 v14, v15;
	v14 =	vshll.u32 v16, $0xA;
	v15 =	vand.u32 $0x380, v17  }
0x394: {  	s20 =	simm.s32 $0x20;
	vm0 =	vlt.u32 v16, $0x28;
	v16 =	vand.u32 $0xFFFFE000, v14;
	v15 =	vor.u32 v15, v13  }
0x395: {  	s8 =	simm.s32 $0x2;
	s24 =	sand.u32 $0x380, s20;
	v17 =	vmov s20;
	v16 =	vor.u32 v16, v15  }
0x396: {  	s3 =	sand.u32 $0x60, s20;
	s17 =	simm.s32 $0x30;
	s2 =	sadd.s32 s24, s15;
	v14 =	vor.u32 s20, v10;
	v15 =	vshll.u32 v17, $0x3  }
.LBB2_28:
0x397: {  	s8 =	sadd.s32 $0x2, s8;
	s1 =	sadd.s32 s3, s2  }
0x398: {  	p1 =	slt.u32 s8, $0x3E;
	_ =	sdelay $0x1  }
0x399: {  	[tilespmem:v16+s30+$0x0] =	vst.idx.msk vm0, v9  }
0x39a: {  	v16 =	vld [tilespmem:s1+$0x0]  }
0x39b: {  	v14 =	vand.u32 $0x6F, v14  }
0x39c: {  	v15 =	vand.u32 $0x1C00, v15  }
0x39d: {  	v14 =	vor.u32 v15, v14;
	_ =	sdelay $0x1  }
0x39e: {  	v15 =	vsub.s32 v16, v3;
	v16 =	vshll.u32 v16, $0x7  }
0x39f: {  	v17 =	vshll.u32 v15, $0xA;
	v16 =	vand.u32 $0x380, v16  }
0x3a0: {  	vm0 =	vlt.u32 v15, $0x28;
	v15 =	vand.u32 $0xFFFFE000, v17;
	v14 =	vor.u32 v16, v14  }
0x3a1: {  	v14 =	vor.u32 v15, v14  }
0x3a2: {  	s1 =	sand.u32 $0x70, s17  }
0x3a3: {  	s1 =	sadd.s32 s1, s2;
	_ =	sdelay $0x2  }
0x3a4: {  	[tilespmem:v14+s30+$0x0] =	vst.idx.msk vm0, v9  }
0x3a5: {  	v15 =	vmov s17;
	v14 =	vld [tilespmem:s1+$0x0]  }
0x3a6: {  	v16 =	vor.u32 s17, v10;
	v15 =	vshll.u32 v15, $0x3  }
0x3a7: {  	v15 =	vand.u32 $0x1C00, v15  }
0x3a8: {  	v16 =	vand.u32 $0x7F, v16;
	_ =	sdelay $0x1  }
.Ltmp15:
0x3a9: {  	v15 =	vor.u32 v15, v16;
	v17 =	vsub.s32 v14, v3;
	v14 =	vshll.u32 v14, $0x7;
	(pc) =	sbr.rel @p1 .LBB2_28-.Ltmp15, $4  }
0x3aa: {  	s17 =	sadd.s32 $0x20, s17;
	vm0 =	vlt.u32 v17, $0x28;
	v16 =	vshll.u32 v17, $0xA;
	v14 =	vand.u32 $0x380, v14  }
0x3ab: {  	s1 =	sadd.s32 $0xFFFFFFF0, s17;
	v16 =	vand.u32 $0xFFFFE000, v16;
	v15 =	vor.u32 v14, v15  }
0x3ac: {  	s2 =	sand.u32 $0x380, s1;
	v17 =	vmov s1;
	v14 =	vor.u32 s1, v10;
	v16 =	vor.u32 v16, v15  }
0x3ad: {  	s3 =	sand.u32 $0x60, s1;
	s2 =	sadd.s32 s2, s15;
	v15 =	vshll.u32 v17, $0x3  }
0x3ae: {  	_ =	sdelay $0x4  }
0x3af: {  	s1 =	sadd.s32 s3, s2;
	[tilespmem:v16+s30+$0x0] =	vst.idx.msk vm0, v9  }
0x3b0: {  	v16 =	vld [tilespmem:s1+$0x0];
	_ =	sdelay $0x3  }
0x3b1: {  	v14 =	vand.u32 $0x6F, v14  }
0x3b2: {  	v15 =	vand.u32 $0x1C00, v15;
	v17 =	vsub.s32 v16, v3;
	v16 =	vshll.u32 v16, $0x7  }
0x3b3: {  	v14 =	vor.u32 v15, v14;
	v15 =	vshll.u32 v17, $0xA;
	v16 =	vand.u32 $0x380, v16  }
0x3b4: {  	vm0 =	vlt.u32 v17, $0x28;
	v15 =	vand.u32 $0xFFFFE000, v15;
	v14 =	vor.u32 v16, v14  }
0x3b5: {  	v14 =	vor.u32 v15, v14;
	_ =	sdelay $0x3  }
0x3b6: {  	s8 =	sand.u32 $0x70, s17  }
0x3b7: {  	s1 =	sadd.s32 s8, s2;
	[tilespmem:v14+s30+$0x0] =	vst.idx.msk vm0, v9  }
0x3b8: {  	v14 =	vld [tilespmem:s1+$0x0];
	_ =	sdelay $0x2  }
0x3b9: {  	v60 =	vor.u32 s17, v10;
	v15 =	vmov s17  }
0x3ba: {  	v16 =	vand.u32 $0x7F, v60;
	v15 =	vshll.u32 v15, $0x3  }
0x3bb: {  	v15 =	vand.u32 $0x1C00, v15;
	v61 =	vsub.s32 v14, v3;
	v14 =	vshll.u32 v14, $0x7  }
0x3bc: {  	v15 =	vor.u32 v15, v16;
	v62 =	vshll.u32 v61, $0xA;
	v14 =	vand.u32 $0x380, v14  }
0x3bd: {  	vm0 =	vlt.u32 v61, $0x28;
	v16 =	vand.u32 $0xFFFFE000, v62;
	v14 =	vor.u32 v14, v15  }
0x3be: {  	v14 =	vor.u32 v16, v14;
	_ =	sdelay $0x3  }
0x3bf: {  	s10 =	sadd.s32 s10, s16  }
0x3c0: {  	s17 =	sadd.s32 s12, s10;
	[tilespmem:v14+s30+$0x0] =	vst.idx.msk vm0, v9  }
0x3c1: {  	v14 =	vld [tilespmem:s17+$0x0];
	_ =	sdelay $0x4  }
0x3c2: {  	v15 =	vsub.s32 v14, v4;
	v14 =	vshll.u32 v14, $0x7  }
0x3c3: {  	v63 =	vshll.u32 v15, $0xA;
	v14 =	vand.u32 $0x380, v14  }
0x3c4: {  	vm0 =	vlt.u32 v15, $0x28;
	v15 =	vand.u32 $0xFFFFE000, v63;
	v12 =	vor.u32 v14, v12  }
0x3c5: {  	v12 =	vor.u32 v15, v12;
	_ =	sdelay $0x4  }
0x3c6: {  	s1 =	sadd.s32 s14, s10;
	[tilespmem:v12+s30+$0x0] =	vst.idx.msk vm0, v11  }
0x3c7: {  	v12 =	vld [tilespmem:s1+$0x0];
	_ =	sdelay $0x4  }
0x3c8: {  	v14 =	vsub.s32 v12, v4;
	v12 =	vshll.u32 v12, $0x7  }
0x3c9: {  	vm0 =	vlt.u32 v14, $0x28;
	v14 =	vshll.u32 v14, $0xA;
	v12 =	vand.u32 $0x380, v12  }
0x3ca: {  	s20 =	simm.s32 $0x20;
	v14 =	vand.u32 $0xFFFFE000, v14;
	v13 =	vor.u32 v12, v13  }
0x3cb: {  	s8 =	simm.s32 $0x2;
	s24 =	sand.u32 $0x380, s20;
	v15 =	vmov s20;
	v14 =	vor.u32 v14, v13  }
0x3cc: {  	s3 =	sand.u32 $0x60, s20;
	s2 =	sadd.s32 s24, s16;
	s10 =	simm.s32 $0x30;
	v12 =	vor.u32 s20, v10;
	v13 =	vshll.u32 v15, $0x3  }
.LBB2_30:
0x3cd: {  	s8 =	sadd.s32 $0x2, s8;
	s1 =	sadd.s32 s3, s2  }
0x3ce: {  	p1 =	slt.u32 s8, $0x3E;
	_ =	sdelay $0x1  }
0x3cf: {  	[tilespmem:v14+s30+$0x0] =	vst.idx.msk vm0, v11  }
0x3d0: {  	v14 =	vld [tilespmem:s1+$0x0]  }
0x3d1: {  	v12 =	vand.u32 $0x6F, v12  }
0x3d2: {  	v13 =	vand.u32 $0x1C00, v13  }
0x3d3: {  	v12 =	vor.u32 v13, v12;
	_ =	sdelay $0x1  }
0x3d4: {  	v13 =	vsub.s32 v14, v4;
	v14 =	vshll.u32 v14, $0x7  }
0x3d5: {  	v15 =	vshll.u32 v13, $0xA;
	v14 =	vand.u32 $0x380, v14  }
0x3d6: {  	vm0 =	vlt.u32 v13, $0x28;
	v13 =	vand.u32 $0xFFFFE000, v15;
	v12 =	vor.u32 v14, v12  }
0x3d7: {  	v12 =	vor.u32 v13, v12  }
0x3d8: {  	s1 =	sand.u32 $0x70, s10  }
0x3d9: {  	s1 =	sadd.s32 s1, s2;
	_ =	sdelay $0x2  }
0x3da: {  	[tilespmem:v12+s30+$0x0] =	vst.idx.msk vm0, v11  }
0x3db: {  	v13 =	vmov s10;
	v12 =	vld [tilespmem:s1+$0x0]  }
0x3dc: {  	v14 =	vor.u32 s10, v10;
	v13 =	vshll.u32 v13, $0x3  }
0x3dd: {  	v13 =	vand.u32 $0x1C00, v13  }
0x3de: {  	v14 =	vand.u32 $0x7F, v14;
	_ =	sdelay $0x1  }
.Ltmp16:
0x3df: {  	v13 =	vor.u32 v13, v14;
	v15 =	vsub.s32 v12, v4;
	v12 =	vshll.u32 v12, $0x7;
	(pc) =	sbr.rel @p1 .LBB2_30-.Ltmp16, $4  }
0x3e0: {  	s10 =	sadd.s32 $0x20, s10;
	vm0 =	vlt.u32 v15, $0x28;
	v14 =	vshll.u32 v15, $0xA;
	v12 =	vand.u32 $0x380, v12  }
0x3e1: {  	s1 =	sadd.s32 $0xFFFFFFF0, s10;
	v14 =	vand.u32 $0xFFFFE000, v14;
	v13 =	vor.u32 v12, v13  }
0x3e2: {  	s2 =	sand.u32 $0x380, s1;
	v15 =	vmov s1;
	v12 =	vor.u32 s1, v10;
	v14 =	vor.u32 v14, v13  }
0x3e3: {  	s3 =	sand.u32 $0x60, s1;
	s2 =	sadd.s32 s2, s16;
	v13 =	vshll.u32 v15, $0x3  }
0x3e4: {  	_ =	sdelay $0x4  }
0x3e5: {  	s1 =	sadd.s32 s3, s2;
	[tilespmem:v14+s30+$0x0] =	vst.idx.msk vm0, v11  }
0x3e6: {  	v14 =	vld [tilespmem:s1+$0x0];
	_ =	sdelay $0x3  }
0x3e7: {  	v12 =	vand.u32 $0x6F, v12  }
0x3e8: {  	v13 =	vand.u32 $0x1C00, v13;
	v15 =	vsub.s32 v14, v4;
	v14 =	vshll.u32 v14, $0x7  }
0x3e9: {  	v12 =	vor.u32 v13, v12;
	v13 =	vshll.u32 v15, $0xA;
	v14 =	vand.u32 $0x380, v14  }
0x3ea: {  	vm0 =	vlt.u32 v15, $0x28;
	v13 =	vand.u32 $0xFFFFE000, v13;
	v12 =	vor.u32 v14, v12  }
0x3eb: {  	v12 =	vor.u32 v13, v12;
	_ =	sdelay $0x3  }
0x3ec: {  	s20 =	sand.u32 $0x70, s10  }
0x3ed: {  	s1 =	sadd.s32 s20, s2;
	[tilespmem:v12+s30+$0x0] =	vst.idx.msk vm0, v11  }
0x3ee: {  	v12 =	vld [tilespmem:s1+$0x0];
	_ =	sdelay $0x2  }
0x3ef: {  	v14 =	vor.u32 s10, v10;
	v13 =	vmov s10  }
0x3f0: {  	v14 =	vand.u32 $0x7F, v14;
	v13 =	vshll.u32 v13, $0x3  }
0x3f1: {  	v13 =	vand.u32 $0x1C00, v13;
	v15 =	vsub.s32 v12, v4;
	v12 =	vshll.u32 v12, $0x7  }
0x3f2: {  	v13 =	vor.u32 v13, v14;
	v14 =	vshll.u32 v15, $0xA;
	v12 =	vand.u32 $0x380, v12  }
0x3f3: {  	vm0 =	vlt.u32 v15, $0x28;
	v14 =	vand.u32 $0xFFFFE000, v14;
	v12 =	vor.u32 v12, v13  }
0x3f4: {  	v12 =	vor.u32 v14, v12;
	_ =	sdelay $0x4  }
0x3f5: {  	s24 =	rddreg [dreg:$0x9];
	s2 =	simm.s32 $0x0;
	[tilespmem:v12+s30+$0x0] =	vst.idx.msk vm0, v11  }
0x3f6: {  	[hbm4b:s24+s5] =	stream.linear.scatter [tilespmem:s30], [sflag:$0x1], $0xA000, $0x38;
	[tilespmem:$0x1E800] =	vst v63  }
0x3f7: {  	s10 =	sand.u32 $0x380, s2;
	_ =	swait.ge [sflag:s0], $0xA000  }
0x3f8: {  	s12 =	sand.u32 $0x60, s2;
	s8 =	sadd.s32 s10, s18;
	[sflag:s0] =	ssyncset.done $0x0  }
0x3f9: {  	s14 =	sadd.s32 s12, s8;
	[sflag:s0] =	ssyncadd.s32 $0xFFFF6000  }
0x3fa: {  	v12 =	vld [tilespmem:s14+$0x0];
	_ =	sdelay $0x2  }
0x3fb: {  	v13 =	vmov s2;
	v14 =	vor.u32 s2, v10  }
0x3fc: {  	v13 =	vshll.u32 v13, $0x3;
	v14 =	vand.u32 $0x6F, v14  }
0x3fd: {  	v13 =	vand.u32 $0x1C00, v13;
	v15 =	vsub.s32 v12, v5;
	v16 =	vshll.u32 v12, $0x7  }
0x3fe: {  	v12 =	vor.u32 v13, v14;
	v13 =	vshll.u32 v15, $0xA;
	v14 =	vand.u32 $0x380, v16  }
0x3ff: {  	vm0 =	vlt.u32 v15, $0x28;
	v13 =	vand.u32 $0xFFFFE000, v13;
	v14 =	vor.u32 v14, v12  }
0x400: {  	v13 =	vor.u32 v13, v14;
	_ =	sdelay $0x2  }
0x401: {  	s17 =	simm.s32 $0x10  }
0x402: {  	s14 =	sand.u32 $0x70, s17  }
0x403: {  	s2 =	sadd.s32 s14, s8;
	[tilespmem:v13+s31+$0x0] =	vst.idx.msk vm0, v9  }
0x404: {  	v13 =	vld [tilespmem:s2+$0x0];
	_ =	sdelay $0x2  }
0x405: {  	v15 =	vor.u32 s17, v10;
	v14 =	vmov s17  }
0x406: {  	v15 =	vand.u32 $0x7F, v15;
	v14 =	vshll.u32 v14, $0x3  }
0x407: {  	v14 =	vand.u32 $0x1C00, v14;
	v16 =	vsub.s32 v13, v5;
	v17 =	vshll.u32 v13, $0x7  }
0x408: {  	v13 =	vor.u32 v14, v15;
	v14 =	vshll.u32 v16, $0xA;
	v15 =	vand.u32 $0x380, v17  }
0x409: {  	s20 =	simm.s32 $0x20;
	vm0 =	vlt.u32 v16, $0x28;
	v16 =	vand.u32 $0xFFFFE000, v14;
	v15 =	vor.u32 v15, v13  }
0x40a: {  	s3 =	sand.u32 $0x60, s20;
	s24 =	sand.u32 $0x380, s20;
	v17 =	vmov s20;
	v16 =	vor.u32 v16, v15  }
0x40b: {  	s8 =	simm.s32 $0x2;
	s17 =	simm.s32 $0x30;
	s2 =	sadd.s32 s24, s18;
	v14 =	vor.u32 s20, v10;
	v15 =	vshll.u32 v17, $0x3  }
.LBB2_32:
0x40c: {  	s8 =	sadd.s32 $0x2, s8;
	s1 =	sadd.s32 s3, s2  }
0x40d: {  	p1 =	slt.u32 s8, $0x3E;
	_ =	sdelay $0x1  }
0x40e: {  	[tilespmem:v16+s31+$0x0] =	vst.idx.msk vm0, v9  }
0x40f: {  	v16 =	vld [tilespmem:s1+$0x0]  }
0x410: {  	v14 =	vand.u32 $0x6F, v14  }
0x411: {  	v15 =	vand.u32 $0x1C00, v15  }
0x412: {  	v14 =	vor.u32 v15, v14;
	_ =	sdelay $0x1  }
0x413: {  	v15 =	vsub.s32 v16, v5;
	v16 =	vshll.u32 v16, $0x7  }
0x414: {  	v17 =	vshll.u32 v15, $0xA;
	v16 =	vand.u32 $0x380, v16  }
0x415: {  	vm0 =	vlt.u32 v15, $0x28;
	v15 =	vand.u32 $0xFFFFE000, v17;
	v14 =	vor.u32 v16, v14  }
0x416: {  	v14 =	vor.u32 v15, v14  }
0x417: {  	s1 =	sand.u32 $0x70, s17  }
0x418: {  	s1 =	sadd.s32 s1, s2;
	_ =	sdelay $0x2  }
0x419: {  	[tilespmem:v14+s31+$0x0] =	vst.idx.msk vm0, v9  }
0x41a: {  	v15 =	vmov s17;
	v14 =	vld [tilespmem:s1+$0x0]  }
0x41b: {  	v16 =	vor.u32 s17, v10;
	v15 =	vshll.u32 v15, $0x3  }
0x41c: {  	v15 =	vand.u32 $0x1C00, v15  }
0x41d: {  	v16 =	vand.u32 $0x7F, v16;
	_ =	sdelay $0x1  }
.Ltmp17:
0x41e: {  	v15 =	vor.u32 v15, v16;
	v17 =	vsub.s32 v14, v5;
	v14 =	vshll.u32 v14, $0x7;
	(pc) =	sbr.rel @p1 .LBB2_32-.Ltmp17, $4  }
0x41f: {  	s17 =	sadd.s32 $0x20, s17;
	vm0 =	vlt.u32 v17, $0x28;
	v16 =	vshll.u32 v17, $0xA;
	v14 =	vand.u32 $0x380, v14  }
0x420: {  	s1 =	sadd.s32 $0xFFFFFFF0, s17;
	v16 =	vand.u32 $0xFFFFE000, v16;
	v15 =	vor.u32 v14, v15  }
0x421: {  	s2 =	sand.u32 $0x380, s1;
	v17 =	vmov s1;
	v14 =	vor.u32 s1, v10;
	v16 =	vor.u32 v16, v15  }
0x422: {  	s3 =	sand.u32 $0x60, s1;
	s2 =	sadd.s32 s2, s18;
	v15 =	vshll.u32 v17, $0x3  }
0x423: {  	_ =	sdelay $0x4  }
0x424: {  	s1 =	sadd.s32 s3, s2;
	[tilespmem:v16+s31+$0x0] =	vst.idx.msk vm0, v9  }
0x425: {  	v16 =	vld [tilespmem:s1+$0x0];
	_ =	sdelay $0x3  }
0x426: {  	v14 =	vand.u32 $0x6F, v14  }
0x427: {  	v15 =	vand.u32 $0x1C00, v15;
	v17 =	vsub.s32 v16, v5;
	v16 =	vshll.u32 v16, $0x7  }
0x428: {  	v14 =	vor.u32 v15, v14;
	v15 =	vshll.u32 v17, $0xA;
	v16 =	vand.u32 $0x380, v16  }
0x429: {  	vm0 =	vlt.u32 v17, $0x28;
	v15 =	vand.u32 $0xFFFFE000, v15;
	v14 =	vor.u32 v16, v14  }
0x42a: {  	v14 =	vor.u32 v15, v14;
	_ =	sdelay $0x3  }
0x42b: {  	s8 =	sand.u32 $0x70, s17  }
0x42c: {  	s1 =	sadd.s32 s8, s2;
	[tilespmem:v14+s31+$0x0] =	vst.idx.msk vm0, v9  }
0x42d: {  	v14 =	vld [tilespmem:s1+$0x0];
	_ =	sdelay $0x2  }
0x42e: {  	v60 =	vor.u32 s17, v10;
	v15 =	vmov s17  }
0x42f: {  	v16 =	vand.u32 $0x7F, v60;
	v15 =	vshll.u32 v15, $0x3  }
0x430: {  	v15 =	vand.u32 $0x1C00, v15;
	v61 =	vsub.s32 v14, v5;
	v14 =	vshll.u32 v14, $0x7  }
0x431: {  	v15 =	vor.u32 v15, v16;
	v62 =	vshll.u32 v61, $0xA;
	v14 =	vand.u32 $0x380, v14  }
0x432: {  	vm0 =	vlt.u32 v61, $0x28;
	v16 =	vand.u32 $0xFFFFE000, v62;
	v14 =	vor.u32 v14, v15  }
0x433: {  	v14 =	vor.u32 v16, v14;
	_ =	sdelay $0x3  }
0x434: {  	s10 =	sadd.s32 s10, s19  }
0x435: {  	s17 =	sadd.s32 s12, s10;
	[tilespmem:v14+s31+$0x0] =	vst.idx.msk vm0, v9  }
0x436: {  	v14 =	vld [tilespmem:s17+$0x0];
	_ =	sdelay $0x4  }
0x437: {  	v15 =	vsub.s32 v14, v6;
	v14 =	vshll.u32 v14, $0x7  }
0x438: {  	v63 =	vshll.u32 v15, $0xA;
	v14 =	vand.u32 $0x380, v14  }
0x439: {  	vm0 =	vlt.u32 v15, $0x28;
	v15 =	vand.u32 $0xFFFFE000, v63;
	v12 =	vor.u32 v14, v12  }
0x43a: {  	v12 =	vor.u32 v15, v12;
	_ =	sdelay $0x4  }
0x43b: {  	s1 =	sadd.s32 s14, s10;
	[tilespmem:v12+s31+$0x0] =	vst.idx.msk vm0, v11  }
0x43c: {  	v12 =	vld [tilespmem:s1+$0x0];
	_ =	sdelay $0x4  }
0x43d: {  	v14 =	vsub.s32 v12, v6;
	v12 =	vshll.u32 v12, $0x7  }
0x43e: {  	vm0 =	vlt.u32 v14, $0x28;
	v14 =	vshll.u32 v14, $0xA;
	v12 =	vand.u32 $0x380, v12  }
0x43f: {  	s20 =	simm.s32 $0x20;
	v14 =	vand.u32 $0xFFFFE000, v14;
	v13 =	vor.u32 v12, v13  }
0x440: {  	s8 =	simm.s32 $0x2;
	s24 =	sand.u32 $0x380, s20;
	v15 =	vmov s20;
	v14 =	vor.u32 v14, v13  }
0x441: {  	s3 =	sand.u32 $0x60, s20;
	s2 =	sadd.s32 s24, s19;
	s10 =	simm.s32 $0x30;
	v12 =	vor.u32 s20, v10;
	v13 =	vshll.u32 v15, $0x3  }
.LBB2_34:
0x442: {  	s8 =	sadd.s32 $0x2, s8;
	s1 =	sadd.s32 s3, s2  }
0x443: {  	p1 =	slt.u32 s8, $0x3E;
	_ =	sdelay $0x1  }
0x444: {  	[tilespmem:v14+s31+$0x0] =	vst.idx.msk vm0, v11  }
0x445: {  	v14 =	vld [tilespmem:s1+$0x0]  }
0x446: {  	v12 =	vand.u32 $0x6F, v12  }
0x447: {  	v13 =	vand.u32 $0x1C00, v13  }
0x448: {  	v12 =	vor.u32 v13, v12;
	_ =	sdelay $0x1  }
0x449: {  	v13 =	vsub.s32 v14, v6;
	v14 =	vshll.u32 v14, $0x7  }
0x44a: {  	v15 =	vshll.u32 v13, $0xA;
	v14 =	vand.u32 $0x380, v14  }
0x44b: {  	vm0 =	vlt.u32 v13, $0x28;
	v13 =	vand.u32 $0xFFFFE000, v15;
	v12 =	vor.u32 v14, v12  }
0x44c: {  	v12 =	vor.u32 v13, v12  }
0x44d: {  	s1 =	sand.u32 $0x70, s10  }
0x44e: {  	s1 =	sadd.s32 s1, s2;
	_ =	sdelay $0x2  }
0x44f: {  	[tilespmem:v12+s31+$0x0] =	vst.idx.msk vm0, v11  }
0x450: {  	v13 =	vmov s10;
	v12 =	vld [tilespmem:s1+$0x0]  }
0x451: {  	v14 =	vor.u32 s10, v10;
	v13 =	vshll.u32 v13, $0x3  }
0x452: {  	v13 =	vand.u32 $0x1C00, v13  }
0x453: {  	v14 =	vand.u32 $0x7F, v14;
	_ =	sdelay $0x1  }
.Ltmp18:
0x454: {  	v13 =	vor.u32 v13, v14;
	v15 =	vsub.s32 v12, v6;
	v12 =	vshll.u32 v12, $0x7;
	(pc) =	sbr.rel @p1 .LBB2_34-.Ltmp18, $4  }
0x455: {  	s10 =	sadd.s32 $0x20, s10;
	vm0 =	vlt.u32 v15, $0x28;
	v14 =	vshll.u32 v15, $0xA;
	v12 =	vand.u32 $0x380, v12  }
0x456: {  	s1 =	sadd.s32 $0xFFFFFFF0, s10;
	v14 =	vand.u32 $0xFFFFE000, v14;
	v13 =	vor.u32 v12, v13  }
0x457: {  	s2 =	sand.u32 $0x380, s1;
	v15 =	vmov s1;
	v12 =	vor.u32 s1, v10;
	v14 =	vor.u32 v14, v13  }
0x458: {  	s3 =	sand.u32 $0x60, s1;
	s2 =	sadd.s32 s2, s19;
	v13 =	vshll.u32 v15, $0x3  }
0x459: {  	_ =	sdelay $0x4  }
0x45a: {  	s1 =	sadd.s32 s3, s2;
	[tilespmem:v14+s31+$0x0] =	vst.idx.msk vm0, v11  }
0x45b: {  	v14 =	vld [tilespmem:s1+$0x0];
	_ =	sdelay $0x3  }
0x45c: {  	v12 =	vand.u32 $0x6F, v12  }
0x45d: {  	v13 =	vand.u32 $0x1C00, v13;
	v15 =	vsub.s32 v14, v6;
	v14 =	vshll.u32 v14, $0x7  }
0x45e: {  	v12 =	vor.u32 v13, v12;
	v59 =	vshll.u32 v15, $0xA;
	v14 =	vand.u32 $0x380, v14  }
0x45f: {  	vm14 =	vlt.u32 v15, $0x28;
	v13 =	vand.u32 $0xFFFFE000, v59;
	v12 =	vor.u32 v14, v12  }
0x460: {  	v12 =	vor.u32 v13, v12;
	_ =	sdelay $0x3  }
0x461: {  	s20 =	sand.u32 $0x70, s10  }
0x462: {  	s1 =	sadd.s32 s20, s2;
	[tilespmem:v12+s31+$0x0] =	vst.idx.msk vm14, v11  }
0x463: {  	v12 =	vld [tilespmem:s1+$0x0];
	_ =	sdelay $0x2  }
0x464: {  	v60 =	vmov s10;
	v61 =	vor.u32 s10, v10  }
0x465: {  	v14 =	vand.u32 $0x7F, v61;
	v13 =	vshll.u32 v60, $0x3  }
0x466: {  	v13 =	vand.u32 $0x1C00, v13;
	v62 =	vsub.s32 v12, v6;
	v12 =	vshll.u32 v12, $0x7  }
0x467: {  	v13 =	vor.u32 v13, v14;
	v63 =	vshll.u32 v62, $0xA;
	v12 =	vand.u32 $0x380, v12  }
0x468: {  	vm15 =	vlt.u32 v62, $0x28;
	v14 =	vand.u32 $0xFFFFE000, v63;
	v12 =	vor.u32 v12, v13  }
0x469: {  	v12 =	vor.u32 v14, v12;
	_ =	sdelay $0x4  }
.Ltmp19:
0x46a: {  	s24 =	rddreg [dreg:$0xa];
	[tilespmem:v12+s31+$0x0] =	vst.idx.msk vm15, v11;
	(pc) =	sbr.rel @p0 .LBB2_41-.Ltmp19, $4  }
0x46b: {  	[hbm4b:s24+s5] =	stream.linear.scatter [tilespmem:s31], [sflag:$0x2], $0xA000, $0x38;
	[tilespmem:$0x1E800] =	vst v63  }
0x46c: {  	_ =	swait.ge [sflag:s23], $0xA000  }
0x46d: {  	s10 =	simm.s32 $0x10;
	[sflag:s23] =	ssyncset.done $0x0  }
0x46e: {  	s2 =	simm.s32 $0xFFFFFFFE;
	s3 =	rddreg [dreg:$0xe];
	[sflag:s23] =	ssyncadd.s32 $0xFFFF6000  }
0x46f: {  	s1 =	sadd.s32 $0xFFFFFFF0, s10  }
0x470: {  	s3 =	sand.u32 $0x380, s1  }
0x471: {  	s8 =	sand.u32 $0x60, s1;
	s3 =	sadd.s32 s3, s21  }
0x472: {  	s8 =	sadd.s32 s8, s3  }
0x473: {  	v12 =	vld [tilespmem:s8+$0x0];
	_ =	sdelay $0x2  }
0x474: {  	v13 =	vmov s1;
	v14 =	vor.u32 s1, v10  }
0x475: {  	v13 =	vshll.u32 v13, $0x3;
	v14 =	vand.u32 $0x6F, v14  }
0x476: {  	v13 =	vand.u32 $0x1C00, v13;
	v15 =	vsub.s32 v12, v7;
	v12 =	vshll.u32 v12, $0x7  }
0x477: {  	v13 =	vor.u32 v13, v14;
	v14 =	vshll.u32 v15, $0xA;
	v12 =	vand.u32 $0x380, v12  }
0x478: {  	vm0 =	vlt.u32 v15, $0x28;
	v14 =	vand.u32 $0xFFFFE000, v14;
	v12 =	vor.u32 v12, v13  }
0x479: {  	v12 =	vor.u32 v14, v12;
	_ =	sdelay $0x3  }
0x47a: {  	s20 =	sand.u32 $0x70, s10  }
0x47b: {  	s1 =	sadd.s32 s20, s3;
	[tilespmem:v12+s6+$0x0] =	vst.idx.msk vm0, v9  }
0x47c: {  	v12 =	vld [tilespmem:s1+$0x0];
	_ =	sdelay $0x1  }
0x47d: {  	v13 =	vmov s10  }
0x47e: {  	v13 =	vshll.u32 v13, $0x3  }
0x47f: {  	v14 =	vor.u32 s10, v10;
	v13 =	vand.u32 $0x1C00, v13  }
0x480: {  	v14 =	vand.u32 $0x7F, v14;
	v15 =	vsub.s32 v12, v7;
	v12 =	vshll.u32 v12, $0x7  }
0x481: {  	s12 =	sadd.s32 $0x20, s10;
	v13 =	vor.u32 v13, v14;
	v14 =	vshll.u32 v15, $0xA;
	v12 =	vand.u32 $0x380, v12  }
0x482: {  	s24 =	sadd.s32 $0xFFFFFFF0, s12;
	vm0 =	vlt.u32 v15, $0x28;
	v14 =	vand.u32 $0xFFFFE000, v14;
	v13 =	vor.u32 v12, v13  }
0x483: {  	s2 =	sadd.s32 $0x2, s2;
	s14 =	sand.u32 $0x380, s24;
	v15 =	vmov s24;
	v14 =	vor.u32 v14, v13  }
0x484: {  	s3 =	sand.u32 $0x60, s24;
	s8 =	sadd.s32 $0x2, s2;
	s2 =	sadd.s32 s14, s21;
	v12 =	vor.u32 s24, v10;
	v13 =	vshll.u32 v15, $0x3  }
.LBB2_37:
0x485: {  	s8 =	sadd.s32 $0x2, s8;
	s1 =	sadd.s32 s3, s2  }
0x486: {  	p1 =	slt.u32 s8, $0x3E;
	_ =	sdelay $0x1  }
0x487: {  	[tilespmem:v14+s6+$0x0] =	vst.idx.msk vm0, v9  }
0x488: {  	v14 =	vld [tilespmem:s1+$0x0]  }
0x489: {  	v12 =	vand.u32 $0x6F, v12  }
0x48a: {  	v13 =	vand.u32 $0x1C00, v13  }
0x48b: {  	v12 =	vor.u32 v13, v12;
	_ =	sdelay $0x1  }
0x48c: {  	v13 =	vsub.s32 v14, v7;
	v14 =	vshll.u32 v14, $0x7  }
0x48d: {  	v15 =	vshll.u32 v13, $0xA;
	v14 =	vand.u32 $0x380, v14  }
0x48e: {  	vm0 =	vlt.u32 v13, $0x28;
	v13 =	vand.u32 $0xFFFFE000, v15;
	v12 =	vor.u32 v14, v12  }
0x48f: {  	v12 =	vor.u32 v13, v12  }
0x490: {  	s1 =	sand.u32 $0x70, s12  }
0x491: {  	s1 =	sadd.s32 s1, s2;
	_ =	sdelay $0x2  }
0x492: {  	[tilespmem:v12+s6+$0x0] =	vst.idx.msk vm0, v9  }
0x493: {  	v13 =	vmov s12;
	v12 =	vld [tilespmem:s1+$0x0]  }
0x494: {  	v14 =	vor.u32 s12, v10;
	v13 =	vshll.u32 v13, $0x3  }
0x495: {  	v13 =	vand.u32 $0x1C00, v13  }
0x496: {  	v14 =	vand.u32 $0x7F, v14;
	_ =	sdelay $0x1  }
.Ltmp20:
0x497: {  	v13 =	vor.u32 v13, v14;
	v15 =	vsub.s32 v12, v7;
	v12 =	vshll.u32 v12, $0x7;
	(pc) =	sbr.rel @p1 .LBB2_37-.Ltmp20, $4  }
0x498: {  	s12 =	sadd.s32 $0x20, s12;
	vm0 =	vlt.u32 v15, $0x28;
	v14 =	vshll.u32 v15, $0xA;
	v12 =	vand.u32 $0x380, v12  }
0x499: {  	s1 =	sadd.s32 $0xFFFFFFF0, s12;
	v14 =	vand.u32 $0xFFFFE000, v14;
	v13 =	vor.u32 v12, v13  }
0x49a: {  	s2 =	sand.u32 $0x380, s1;
	v15 =	vmov s1;
	v12 =	vor.u32 s1, v10;
	v14 =	vor.u32 v14, v13  }
0x49b: {  	s3 =	sand.u32 $0x60, s1;
	s2 =	sadd.s32 s2, s21;
	v13 =	vshll.u32 v15, $0x3  }
0x49c: {  	_ =	sdelay $0x4  }
0x49d: {  	s1 =	sadd.s32 s3, s2;
	[tilespmem:v14+s6+$0x0] =	vst.idx.msk vm0, v9  }
0x49e: {  	v14 =	vld [tilespmem:s1+$0x0];
	_ =	sdelay $0x3  }
0x49f: {  	v12 =	vand.u32 $0x6F, v12  }
0x4a0: {  	v13 =	vand.u32 $0x1C00, v13;
	v15 =	vsub.s32 v14, v7;
	v14 =	vshll.u32 v14, $0x7  }
0x4a1: {  	v12 =	vor.u32 v13, v12;
	v13 =	vshll.u32 v15, $0xA;
	v14 =	vand.u32 $0x380, v14  }
0x4a2: {  	vm0 =	vlt.u32 v15, $0x28;
	v13 =	vand.u32 $0xFFFFE000, v13;
	v12 =	vor.u32 v14, v12  }
0x4a3: {  	v12 =	vor.u32 v13, v12;
	_ =	sdelay $0x3  }
0x4a4: {  	s3 =	sand.u32 $0x70, s12  }
0x4a5: {  	s1 =	sadd.s32 s3, s2;
	[tilespmem:v12+s6+$0x0] =	vst.idx.msk vm0, v9  }
0x4a6: {  	v12 =	vld [tilespmem:s1+$0x0];
	_ =	sdelay $0x2  }
0x4a7: {  	v14 =	vor.u32 s12, v10;
	v13 =	vmov s12  }
0x4a8: {  	v14 =	vand.u32 $0x7F, v14;
	v13 =	vshll.u32 v13, $0x3  }
0x4a9: {  	v13 =	vand.u32 $0x1C00, v13;
	v15 =	vsub.s32 v12, v7;
	v12 =	vshll.u32 v12, $0x7  }
0x4aa: {  	v13 =	vor.u32 v13, v14;
	v14 =	vshll.u32 v15, $0xA;
	v12 =	vand.u32 $0x380, v12  }
0x4ab: {  	vm0 =	vlt.u32 v15, $0x28;
	v14 =	vand.u32 $0xFFFFE000, v14;
	v12 =	vor.u32 v12, v13  }
0x4ac: {  	v12 =	vor.u32 v14, v12;
	_ =	sdelay $0x1  }
0x4ad: {  	s8 =	simm.s32 $0x0  }
0x4ae: {  	s12 =	sand.u32 $0x380, s8  }
0x4af: {  	s14 =	sand.u32 $0x60, s8;
	s2 =	sadd.s32 s12, s22  }
0x4b0: {  	s3 =	sadd.s32 s14, s2;
	[tilespmem:v12+s6+$0x0] =	vst.idx.msk vm0, v9  }
0x4b1: {  	v12 =	vld [tilespmem:s3+$0x0];
	_ =	sdelay $0x2  }
0x4b2: {  	v13 =	vmov s8;
	v14 =	vor.u32 s8, v10  }
0x4b3: {  	v13 =	vshll.u32 v13, $0x3;
	v14 =	vand.u32 $0x6F, v14  }
0x4b4: {  	v13 =	vand.u32 $0x1C00, v13;
	v15 =	vsub.s32 v12, v8;
	v12 =	vshll.u32 v12, $0x7  }
0x4b5: {  	v13 =	vor.u32 v13, v14;
	v14 =	vshll.u32 v15, $0xA;
	v12 =	vand.u32 $0x380, v12  }
0x4b6: {  	vm0 =	vlt.u32 v15, $0x28;
	v14 =	vand.u32 $0xFFFFE000, v14;
	v12 =	vor.u32 v12, v13  }
0x4b7: {  	v12 =	vor.u32 v14, v12;
	_ =	sdelay $0x3  }
0x4b8: {  	s17 =	sand.u32 $0x70, s10  }
0x4b9: {  	s1 =	sadd.s32 s17, s2;
	[tilespmem:v12+s6+$0x0] =	vst.idx.msk vm0, v11  }
0x4ba: {  	v12 =	vld [tilespmem:s1+$0x0];
	_ =	sdelay $0x1  }
0x4bb: {  	v13 =	vmov s10  }
0x4bc: {  	v13 =	vshll.u32 v13, $0x3  }
0x4bd: {  	v14 =	vor.u32 s10, v10;
	v13 =	vand.u32 $0x1C00, v13  }
0x4be: {  	v14 =	vand.u32 $0x7F, v14;
	v15 =	vsub.s32 v12, v8;
	v12 =	vshll.u32 v12, $0x7  }
0x4bf: {  	s20 =	simm.s32 $0x20;
	v13 =	vor.u32 v13, v14;
	v14 =	vshll.u32 v15, $0xA;
	v12 =	vand.u32 $0x380, v12  }
0x4c0: {  	s24 =	sand.u32 $0x380, s20;
	vm0 =	vlt.u32 v15, $0x28;
	v14 =	vand.u32 $0xFFFFE000, v14;
	v13 =	vor.u32 v12, v13  }
0x4c1: {  	s2 =	sadd.s32 s24, s22;
	v15 =	vmov s20;
	v14 =	vor.u32 v14, v13  }
0x4c2: {  	s8 =	simm.s32 $0x2;
	s3 =	sand.u32 $0x60, s20;
	s10 =	simm.s32 $0x30;
	v12 =	vor.u32 s20, v10;
	v13 =	vshll.u32 v15, $0x3  }
.LBB2_39:
0x4c3: {  	s8 =	sadd.s32 $0x2, s8;
	s1 =	sadd.s32 s3, s2  }
0x4c4: {  	p1 =	slt.u32 s8, $0x3E;
	_ =	sdelay $0x1  }
0x4c5: {  	[tilespmem:v14+s6+$0x0] =	vst.idx.msk vm0, v11  }
0x4c6: {  	v14 =	vld [tilespmem:s1+$0x0]  }
0x4c7: {  	v12 =	vand.u32 $0x6F, v12  }
0x4c8: {  	v13 =	vand.u32 $0x1C00, v13  }
0x4c9: {  	v12 =	vor.u32 v13, v12;
	_ =	sdelay $0x1  }
0x4ca: {  	v13 =	vsub.s32 v14, v8;
	v14 =	vshll.u32 v14, $0x7  }
0x4cb: {  	v15 =	vshll.u32 v13, $0xA;
	v14 =	vand.u32 $0x380, v14  }
0x4cc: {  	vm0 =	vlt.u32 v13, $0x28;
	v13 =	vand.u32 $0xFFFFE000, v15;
	v12 =	vor.u32 v14, v12  }
0x4cd: {  	v12 =	vor.u32 v13, v12  }
0x4ce: {  	s1 =	sand.u32 $0x70, s10  }
0x4cf: {  	s1 =	sadd.s32 s1, s2;
	_ =	sdelay $0x2  }
0x4d0: {  	[tilespmem:v12+s6+$0x0] =	vst.idx.msk vm0, v11  }
0x4d1: {  	v13 =	vmov s10;
	v12 =	vld [tilespmem:s1+$0x0]  }
0x4d2: {  	v14 =	vor.u32 s10, v10;
	v13 =	vshll.u32 v13, $0x3  }
0x4d3: {  	v13 =	vand.u32 $0x1C00, v13  }
0x4d4: {  	v14 =	vand.u32 $0x7F, v14;
	_ =	sdelay $0x1  }
.Ltmp21:
0x4d5: {  	v13 =	vor.u32 v13, v14;
	v15 =	vsub.s32 v12, v8;
	v12 =	vshll.u32 v12, $0x7;
	(pc) =	sbr.rel @p1 .LBB2_39-.Ltmp21, $4  }
0x4d6: {  	s10 =	sadd.s32 $0x20, s10;
	vm0 =	vlt.u32 v15, $0x28;
	v14 =	vshll.u32 v15, $0xA;
	v12 =	vand.u32 $0x380, v12  }
0x4d7: {  	s1 =	sadd.s32 $0xFFFFFFF0, s10;
	v14 =	vand.u32 $0xFFFFE000, v14;
	v13 =	vor.u32 v12, v13  }
0x4d8: {  	s2 =	sand.u32 $0x380, s1;
	v15 =	vmov s1;
	v12 =	vor.u32 s1, v10;
	v14 =	vor.u32 v14, v13  }
0x4d9: {  	s3 =	sand.u32 $0x60, s1;
	s2 =	sadd.s32 s2, s22;
	v13 =	vshll.u32 v15, $0x3  }
0x4da: {  	_ =	sdelay $0x4  }
0x4db: {  	s1 =	sadd.s32 s3, s2;
	[tilespmem:v14+s6+$0x0] =	vst.idx.msk vm0, v11  }
0x4dc: {  	v14 =	vld [tilespmem:s1+$0x0];
	_ =	sdelay $0x3  }
0x4dd: {  	v12 =	vand.u32 $0x6F, v12  }
0x4de: {  	v13 =	vand.u32 $0x1C00, v13;
	v15 =	vsub.s32 v14, v8;
	v14 =	vshll.u32 v14, $0x7  }
0x4df: {  	v12 =	vor.u32 v13, v12;
	v59 =	vshll.u32 v15, $0xA;
	v14 =	vand.u32 $0x380, v14  }
0x4e0: {  	vm14 =	vlt.u32 v15, $0x28;
	v13 =	vand.u32 $0xFFFFE000, v59;
	v12 =	vor.u32 v14, v12  }
0x4e1: {  	v12 =	vor.u32 v13, v12;
	_ =	sdelay $0x3  }
0x4e2: {  	s20 =	sand.u32 $0x70, s10  }
0x4e3: {  	s1 =	sadd.s32 s20, s2;
	[tilespmem:v12+s6+$0x0] =	vst.idx.msk vm14, v11  }
0x4e4: {  	v12 =	vld [tilespmem:s1+$0x0];
	_ =	sdelay $0x2  }
0x4e5: {  	v60 =	vmov s10;
	v61 =	vor.u32 s10, v10  }
0x4e6: {  	v14 =	vand.u32 $0x7F, v61;
	v13 =	vshll.u32 v60, $0x3  }
0x4e7: {  	v13 =	vand.u32 $0x1C00, v13;
	v62 =	vsub.s32 v12, v8;
	v12 =	vshll.u32 v12, $0x7  }
0x4e8: {  	v13 =	vor.u32 v13, v14;
	v63 =	vshll.u32 v62, $0xA;
	v12 =	vand.u32 $0x380, v12  }
0x4e9: {  	vm15 =	vlt.u32 v62, $0x28;
	v14 =	vand.u32 $0xFFFFE000, v63;
	v12 =	vor.u32 v12, v13  }
0x4ea: {  	v12 =	vor.u32 v14, v12;
	_ =	sdelay $0x4  }
.Ltmp22:
0x4eb: {  	s24 =	rddreg [dreg:$0xb];
	[tilespmem:v12+s6+$0x0] =	vst.idx.msk vm15, v11;
	(pc) =	sbr.rel .LBB2_41-.Ltmp22, $4  }
0x4ec: {  	[hbm4b:s24+s5] =	stream.linear.scatter [tilespmem:s6], [sflag:$0x3], $0xA000, $0x38;
	[tilespmem:$0x1E800] =	vst v63  }
0x4ed: {  	_ =	swait.ge [sflag:s23], $0xA000  }
0x4ee: {  	[sflag:s23] =	ssyncset.done $0x0  }
0x4ef: {  	s3 =	rddreg [dreg:$0xe];
	[sflag:s23] =	ssyncadd.s32 $0xFFFF6000  }
.LBB2_42:
0x4f0: {  	_ =	sfence.sel $0x180000  }
0x4f1: {  	[bflag:$0x0] =	sbarrier.arrive $0xFFFF  }
0x4f2: {  	_ =	strace $0x90000047  }
0x4f3: {  	s0 =	stileid.u32;
	[bflag:$0x2] =	sbarrier.arrive $0xFFFF  }
0x4f4: {  	p0 =	sne.s32 s0, $0x0;
	s0 =	rddreg [dreg:$0x2]  }
0x4f5: {  	s0 =	sadd.s32 @!p0 $0x100000, s0  }
0x4f6: {  	[sflag:s0] =	ssyncadd.tile.s32 @!p0 $0x1;
	_ =	shalt  }
.Lfunc_end2:
_tile_overlayer_lowered:
.L_overlay_start_2:
0x4f7: {  	(tag) =	ssettag $0x2  }
0x4f8: {  	s0 =	rddreg [dreg:$0x0];
	s2 =	stileid.u32  }
0x4f9: {  	s1 =	rddreg [dreg:$0x1];
	p0 =	sne.s32 s2, $0x0  }
0x4fa: {  	s3 =	rddreg [dreg:$0x2];
	[bflag:$0x3] =	sbarrier.arrive $0xFFFF;
	s2 =	simm.s32 @!p0 $0x1C04  }
0x4fb: {  	[timem:s3], [sflag:s2] =	dma.local @!p0 [hbm:s0], s1  }
0x4fc: {  	s0 =	simm.s32 @!p0 $0x4  }
0x4fd: {  	_ =	swait.ge @!p0 [sflag:s0], s1  }
0x4fe: {  	s1 =	ssub.s32 @!p0 $0x0, s1;
	[sflag:s0] =	ssyncset.done @!p0 $0x0  }
0x4ff: {  	[sflag:s0] =	ssyncadd.s32 @!p0 s1  }
0x500: {  	[bflag:$0x3] =	sbarrier.arrive $0xFFFF  }
0x501: {  	_ =	shalt  }

</sc_bundles>
